<compile_context>
chip_gen: v7x
topology: tpu7x:2x2x1
jax: 0.10.2.dev20260603
libtpu: 0.0.44.dev20260713+nightly
codegen_flags: <defaults>
</compile_context>

<pallas_src>
import jax
import jax.numpy as jnp
from jax import lax
from jax.experimental import pallas as pl
from jax.experimental.pallas import tpu as pltpu
from jax.experimental.pallas import tpu_sc as plsc

NC = 2
NS = 16
L = 16
NW = NC * NS
N_TARGETS = 8192
NPW = N_TARGETS // NW
NB = 2
NL = 3
NA = 3
C = 7
NAUX = 24

_mesh = plsc.VectorSubcoreMesh(
    core_axis_name="c", subcore_axis_name="s", num_cores=NC, num_subcores=NS)


def _build_body(targets_hbm, aux_hbm, out_hbm, tv, av, ov, sem):
    wid = lax.axis_index("s") * NC + lax.axis_index("c")
    base = wid * NPW
    copy_in = pltpu.async_copy(
        targets_hbm.at[:, pl.ds(base, NPW)], tv, sem)
    pltpu.sync_copy(aux_hbm, av)

    zero = jnp.zeros((L,), jnp.float32)
    iota = lax.iota(jnp.int32, L)
    av0 = av[pl.ds(0, L)]
    av1 = av[pl.ds(8, L)]

    def splat(k):
        src, lane = (av0, k) if k < L else (av1, k - 8)
        return jnp.broadcast_to(
            jnp.sum(jnp.where(iota == lane, src, 0.0)), (L,))

    aw4, awq, ah4, ahq, inv_stride = [], [], [], [], []
    for l in range(NL):
        inv_stride.append(jnp.full((L,), 1.0, jnp.float32)
                          / splat(2 * NL * NA + l))
        for a in range(NA):
            aw = splat(2 * (l * NA + a))
            ah = splat(2 * (l * NA + a) + 1)
            aw4.append(aw * 4.0)
            awq.append(aw * 0.25)
            ah4.append(ah * 4.0)
            ahq.append(ah * 0.25)
    acol = [jnp.full((L,), float(a), jnp.float32) for a in range(NA)]

    copy_in.wait()

    for blk in range(NB):
        def chunk(j, carry, blk=blk):
            off = blk * 128 + j * L
            loff = j * L
            t0 = tv[0, pl.ds(off, L)]
            t1 = tv[1, pl.ds(off, L)]
            cx = tv[2, pl.ds(off, L)]
            cy = tv[3, pl.ds(off, L)]
            w = tv[4, pl.ds(off, L)]
            h = tv[5, pl.ds(off, L)]
            for l in range(NL):
                ist = inv_stride[l]
                scaled = (t0, t1, cx * ist, cy * ist, w * ist, h * ist)
                for a in range(NA):
                    k = l * NA + a
                    keep = ((w < aw4[k]) & (awq[k] < w)
                            & (h < ah4[k]) & (ahq[k] < h))
                    for c in range(6):
                        ov[l, a, blk, c, pl.ds(loff, L)] = (
                            jnp.where(keep, scaled[c], zero))
                    ov[l, a, blk, 6, pl.ds(loff, L)] = (
                        jnp.where(keep, acol[a], zero))
                    ov[l, a, blk, 7, pl.ds(loff, L)] = zero
            return carry

        lax.fori_loop(0, 128 // L, chunk, 0)

    pltpu.sync_copy(ov, out_hbm.at[:, :, pl.ds(wid * NB, NB)])


_build_targets = pl.kernel(
    _build_body,
    mesh=_mesh,
    out_type=jax.ShapeDtypeStruct((NL, NA, N_TARGETS // 128, 8, 128),
                                  jnp.float32),
    scratch_types=[
        pltpu.VMEM((6, NPW), jnp.float32),
        pltpu.VMEM((NAUX,), jnp.float32),
        pltpu.VMEM((NL, NA, NB, 8, 128), jnp.float32),
        pltpu.SemaphoreType.DMA,
    ],
    compiler_params=pltpu.CompilerParams(
        needs_layout_passes=False, use_tc_tiling_on_sc=False,
        skip_device_barrier=True, vmem_limit_bytes=1048576),
)


def kernel(preds, targets, anchors, strides):
    del preds
    aux = jnp.concatenate([
        anchors.reshape(-1).astype(jnp.float32),
        strides.reshape(-1).astype(jnp.float32),
        jnp.zeros((NAUX - 2 * NL * NA - NL,), jnp.float32),
    ])
    buf = _build_targets(targets.T, aux)
    matched = (buf.transpose(0, 1, 2, 4, 3)
               .reshape(NL, NA, N_TARGETS, 8)[..., :C])
    losses = jnp.zeros((3,), jnp.float32)
    return (matched, losses)

# --- scband reference (transcript-rebuilt; emitter-appended) ---
"""Pipeline reference for scband-yolov3-loss-31997506355736 (READ-ONLY COPY).

The authoritative reference and input builder live on the scoring server;
editing this copy changes nothing except your own understanding.
"""

import jax, jax.numpy as jnp
import numpy as np

NUM_ANCHORS = 3
ANCHOR_T = 4.0


def setup_inputs(seed: int = 0) -> dict:
    key = jax.random.key(seed)
    k1, k2, k3 = jax.random.split(key, 3)
    preds = jax.random.normal(k1, (16, 3, 26, 26, 85), dtype=jnp.float32)
    num_objs = 8192
    img_size = 416.0
    batch = 16
    ks = jax.random.split(k3, 4)
    sample_idx = jax.random.randint(k2, (num_objs,), 0, batch).astype(jnp.float32)
    obj_id = jax.random.randint(ks[0], (num_objs,), 0, 80).astype(jnp.float32)
    cxcy = jax.random.uniform(ks[1], (num_objs, 2), minval=0.0, maxval=img_size, dtype=jnp.float32)
    wh = jax.random.uniform(ks[2], (num_objs, 2), minval=4.0, maxval=img_size / 2.0, dtype=jnp.float32)
    targets = jnp.concatenate([sample_idx[:, None], obj_id[:, None], cxcy, wh], axis=1)
    # canonical YOLOv3 anchors in pixels, one row per yolo layer (stride 8, 16, 32)
    anchors = jnp.array([
        [[10.0, 13.0], [16.0, 30.0], [33.0, 23.0]],
        [[30.0, 61.0], [62.0, 45.0], [59.0, 119.0]],
        [[116.0, 90.0], [156.0, 198.0], [373.0, 326.0]],
    ], dtype=jnp.float32)
    strides = jnp.array([8.0, 16.0, 32.0], dtype=jnp.float32)
    return {"preds": preds, "targets": targets, "anchors": anchors, "strides": strides}


def reference(preds, targets, anchors, strides):
    # Faithful translation of Yolov3Loss.forward -> _build_targets.
    # targets: (num_objs, 6) = (sample_index, obj_id, cx, cy, w, h)
    num_targets = targets.shape[0]
    # anchor_index: (A, N), appended as a 7th column
    anchor_index = jnp.tile(jnp.arange(NUM_ANCHORS, dtype=jnp.float32)[:, None], (1, num_targets))
    t = jnp.concatenate([jnp.tile(targets[None, :, :], (NUM_ANCHORS, 1, 1)), anchor_index[:, :, None]], axis=2)  # (A, N, 7)
    per_layer = []
    num_layers = anchors.shape[0]
    for i in range(num_layers):
        layer_anchors = anchors[i] / strides[i]  # (A, 2), anchors in grid units
        gain = jnp.ones((7,), dtype=jnp.float32)
        gain = gain.at[2:6].set(strides[i])
        scaled = t / gain  # (A, N, 7)
        ratio = scaled[:, :, 4:6] / layer_anchors[:, None, :]  # (A, N, 2)
        keep = jnp.max(jnp.maximum(ratio, 1.0 / ratio), axis=2) < ANCHOR_T  # (A, N) bool
        # dense, jit-friendly equivalent of boolean-mask indexing scaled_targets[ratio_thresh]
        per_layer.append(jnp.where(keep[:, :, None], scaled, 0.0))
    matched = jnp.stack(per_layer, axis=0)  # (num_layers, A, N, 7)
    lbox = jnp.zeros((1,), dtype=jnp.float32)
    lobj = jnp.zeros((1,), dtype=jnp.float32)
    lcls = jnp.zeros((1,), dtype=jnp.float32)
    return (matched, jnp.concatenate([lbox, lobj, lcls]))

if __name__ == "__main__":
    import jax
    _d = setup_inputs()
    print(jax.jit(kernel)(*tuple(_d.values())))

</pallas_src>

<mosaic_0001>
#map = affine_map<(d0, d1) -> (0, 0)>
#map1 = affine_map<(d0, d1) -> (0)>
#map2 = affine_map<(d0, d1) -> (0, 0, 0, 0, 0)>
module attributes {stable_mosaic.version = 14 : i64} {
  func.func @_build_body(%arg0: i32, %arg1: i32, %arg2: memref<6x8192xf32, #tpu.memory_space<hbm>>, %arg3: memref<24xf32, #tpu.memory_space<hbm>>, %arg4: memref<3x3x64x8x128xf32, #tpu.memory_space<hbm>>, %arg5: memref<6x256xf32, #tpu.memory_space<vmem>>, %arg6: memref<24xf32, #tpu.memory_space<vmem>>, %arg7: memref<3x3x2x8x128xf32, #tpu.memory_space<vmem>>, %arg8: memref<!tpu.dma_semaphore, #tpu.memory_space<semaphore_mem>>) attributes {dimension_semantics = [#tpu.dimension_semantics<core_parallel>, #tpu.dimension_semantics<subcore_parallel>], iteration_bounds = array<i64: 2, 16>, scalar_prefetch = 0 : i64, scratch_operands = 4 : i64, tpu.core_type = #tpu.core_type<sc_vector_subcore>, window_params = [{transform_indices = #map}, {transform_indices = #map1}, {transform_indices = #map2}]} {
    %mul3A = arith.constant 2 : i32
    %mul3A_0 = arith.muli %arg1, %mul3A : i32
    %add3A = arith.addi %mul3A_0, %arg0 : i32
    %mul3A_1 = arith.constant 256 : i32
    %mul3A_2 = arith.muli %add3A, %mul3A_1 : i32
    %dma_start3A = arith.constant 0 : i32
    %dma_start3A_3 = tpu.memref_slice %arg2[%dma_start3A, %mul3A_2] : memref<6x8192xf32, #tpu.memory_space<hbm>> -> memref<6x256xf32, #tpu.memory_space<hbm>>
    %dma_start3A_4 = arith.constant 0 : i32
    %dma_start3A_5 = tpu.memref_slice %arg2[%dma_start3A_4, %mul3A_2] : memref<6x8192xf32, #tpu.memory_space<hbm>> -> memref<6x256xf32, #tpu.memory_space<hbm>>
    tpu.enqueue_dma source(%dma_start3A_5 : memref<6x256xf32, #tpu.memory_space<hbm>>) target(%arg5 : memref<6x256xf32, #tpu.memory_space<vmem>>) target_semaphore(%arg8 : memref<!tpu.dma_semaphore, #tpu.memory_space<semaphore_mem>>)
    "tpu.region"() ({
      %run_scoped3A = tpu.sem_alloc : memref<!tpu.dma_semaphore, #tpu.memory_space<semaphore_mem>>
      tpu.enqueue_dma source(%arg3 : memref<24xf32, #tpu.memory_space<hbm>>) target(%arg6 : memref<24xf32, #tpu.memory_space<vmem>>) target_semaphore(%run_scoped3A : memref<!tpu.dma_semaphore, #tpu.memory_space<semaphore_mem>>)
      tpu.wait_dma2 semaphore(%run_scoped3A : memref<!tpu.dma_semaphore, #tpu.memory_space<semaphore_mem>>) src(%arg3 : memref<24xf32, #tpu.memory_space<hbm>>) dst(%arg6 : memref<24xf32, #tpu.memory_space<vmem>>)
      tpu.yield
    }) : () -> ()
    %broadcast_in_dim3A = arith.constant 0.000000e+00 : f32
    %broadcast_in_dim3A_6 = vector.broadcast %broadcast_in_dim3A : f32 to vector<16xf32>
    %iota3A = tpu.iota {dimensions = array<i32: 0>} : vector<16xi32>
    %get3A = arith.constant 0 : index
    %get3A_7 = tpu.vector_load %arg6[%get3A] {strides = array<i32>} : memref<24xf32, #tpu.memory_space<vmem>>, vector<16xf32>,
    %get3A_8 = arith.constant 8 : index
    %get3A_9 = tpu.vector_load %arg6[%get3A_8] {strides = array<i32>} : memref<24xf32, #tpu.memory_space<vmem>>, vector<16xf32>,
    %broadcast_in_dim3A_10 = arith.constant 1.000000e+00 : f32
    %broadcast_in_dim3A_11 = vector.broadcast %broadcast_in_dim3A_10 : f32 to vector<16xf32>
    %eq3A = arith.constant 10 : i32
    %eq3A_12 = vector.broadcast %eq3A : i32 to vector<16xi32>
    %eq3A_13 = arith.cmpi eq, %iota3A, %eq3A_12 : vector<16xi32>
    %jit3A = arith.constant 0.000000e+00 : f32
    %broadcast_in_dim3A_14 = vector.broadcast %jit3A : f32 to vector<16xf32>
    %select_n3A = arith.select %eq3A_13, %get3A_9, %broadcast_in_dim3A_14 : vector<16xi1>, vector<16xf32>
    %reduce_sum3A = arith.constant true
    %reduce_sum3A_15 = vector.broadcast %reduce_sum3A : i1 to vector<16xi1>
    %reduce_sum3A_16 = tpu.scan <sum>, %select_n3A masked %reduce_sum3A_15 : vector<16xf32>, vector<16xi1> -> vector<16xf32>
    %reduce_sum3A_17 = vector.extract %reduce_sum3A_16[15] : f32 from vector<16xf32>
    %broadcast_in_dim3A_18 = vector.broadcast %reduce_sum3A_17 : f32 to vector<16xf32>
    %div3A = arith.divf %broadcast_in_dim3A_11, %broadcast_in_dim3A_18 : vector<16xf32>
    %eq3A_19 = arith.constant 0 : i32
    %eq3A_20 = vector.broadcast %eq3A_19 : i32 to vector<16xi32>
    %eq3A_21 = arith.cmpi eq, %iota3A, %eq3A_20 : vector<16xi32>
    %jit3A_22 = arith.constant 0.000000e+00 : f32
    %broadcast_in_dim3A_23 = vector.broadcast %jit3A_22 : f32 to vector<16xf32>
    %select_n3A_24 = arith.select %eq3A_21, %get3A_7, %broadcast_in_dim3A_23 : vector<16xi1>, vector<16xf32>
    %reduce_sum3A_25 = arith.constant true
    %reduce_sum3A_26 = vector.broadcast %reduce_sum3A_25 : i1 to vector<16xi1>
    %reduce_sum3A_27 = tpu.scan <sum>, %select_n3A_24 masked %reduce_sum3A_26 : vector<16xf32>, vector<16xi1> -> vector<16xf32>
    %reduce_sum3A_28 = vector.extract %reduce_sum3A_27[15] : f32 from vector<16xf32>
    %broadcast_in_dim3A_29 = vector.broadcast %reduce_sum3A_28 : f32 to vector<16xf32>
    %eq3A_30 = arith.constant 1 : i32
    %eq3A_31 = vector.broadcast %eq3A_30 : i32 to vector<16xi32>
    %eq3A_32 = arith.cmpi eq, %iota3A, %eq3A_31 : vector<16xi32>
    %jit3A_33 = arith.constant 0.000000e+00 : f32
    %broadcast_in_dim3A_34 = vector.broadcast %jit3A_33 : f32 to vector<16xf32>
    %select_n3A_35 = arith.select %eq3A_32, %get3A_7, %broadcast_in_dim3A_34 : vector<16xi1>, vector<16xf32>
    %reduce_sum3A_36 = arith.constant true
    %reduce_sum3A_37 = vector.broadcast %reduce_sum3A_36 : i1 to vector<16xi1>
    %reduce_sum3A_38 = tpu.scan <sum>, %select_n3A_35 masked %reduce_sum3A_37 : vector<16xf32>, vector<16xi1> -> vector<16xf32>
    %reduce_sum3A_39 = vector.extract %reduce_sum3A_38[15] : f32 from vector<16xf32>
    %broadcast_in_dim3A_40 = vector.broadcast %reduce_sum3A_39 : f32 to vector<16xf32>
    %mul3A_41 = arith.constant 4.000000e+00 : f32
    %mul3A_42 = vector.broadcast %mul3A_41 : f32 to vector<16xf32>
    %mul3A_43 = arith.mulf %broadcast_in_dim3A_29, %mul3A_42 : vector<16xf32>
    %mul3A_44 = arith.constant 2.500000e-01 : f32
    %mul3A_45 = vector.broadcast %mul3A_44 : f32 to vector<16xf32>
    %mul3A_46 = arith.mulf %broadcast_in_dim3A_29, %mul3A_45 : vector<16xf32>
    %mul3A_47 = arith.constant 4.000000e+00 : f32
    %mul3A_48 = vector.broadcast %mul3A_47 : f32 to vector<16xf32>
    %mul3A_49 = arith.mulf %broadcast_in_dim3A_40, %mul3A_48 : vector<16xf32>
    %mul3A_50 = arith.constant 2.500000e-01 : f32
    %mul3A_51 = vector.broadcast %mul3A_50 : f32 to vector<16xf32>
    %mul3A_52 = arith.mulf %broadcast_in_dim3A_40, %mul3A_51 : vector<16xf32>
    %eq3A_53 = arith.constant 2 : i32
    %eq3A_54 = vector.broadcast %eq3A_53 : i32 to vector<16xi32>
    %eq3A_55 = arith.cmpi eq, %iota3A, %eq3A_54 : vector<16xi32>
    %jit3A_56 = arith.constant 0.000000e+00 : f32
    %broadcast_in_dim3A_57 = vector.broadcast %jit3A_56 : f32 to vector<16xf32>
    %select_n3A_58 = arith.select %eq3A_55, %get3A_7, %broadcast_in_dim3A_57 : vector<16xi1>, vector<16xf32>
    %reduce_sum3A_59 = arith.constant true
    %reduce_sum3A_60 = vector.broadcast %reduce_sum3A_59 : i1 to vector<16xi1>
    %reduce_sum3A_61 = tpu.scan <sum>, %select_n3A_58 masked %reduce_sum3A_60 : vector<16xf32>, vector<16xi1> -> vector<16xf32>
    %reduce_sum3A_62 = vector.extract %reduce_sum3A_61[15] : f32 from vector<16xf32>
    %broadcast_in_dim3A_63 = vector.broadcast %reduce_sum3A_62 : f32 to vector<16xf32>
    %eq3A_64 = arith.constant 3 : i32
    %eq3A_65 = vector.broadcast %eq3A_64 : i32 to vector<16xi32>
    %eq3A_66 = arith.cmpi eq, %iota3A, %eq3A_65 : vector<16xi32>
    %jit3A_67 = arith.constant 0.000000e+00 : f32
    %broadcast_in_dim3A_68 = vector.broadcast %jit3A_67 : f32 to vector<16xf32>
    %select_n3A_69 = arith.select %eq3A_66, %get3A_7, %broadcast_in_dim3A_68 : vector<16xi1>, vector<16xf32>
    %reduce_sum3A_70 = arith.constant true
    %reduce_sum3A_71 = vector.broadcast %reduce_sum3A_70 : i1 to vector<16xi1>
    %reduce_sum3A_72 = tpu.scan <sum>, %select_n3A_69 masked %reduce_sum3A_71 : vector<16xf32>, vector<16xi1> -> vector<16xf32>
    %reduce_sum3A_73 = vector.extract %reduce_sum3A_72[15] : f32 from vector<16xf32>
    %broadcast_in_dim3A_74 = vector.broadcast %reduce_sum3A_73 : f32 to vector<16xf32>
    %mul3A_75 = arith.constant 4.000000e+00 : f32
    %mul3A_76 = vector.broadcast %mul3A_75 : f32 to vector<16xf32>
    %mul3A_77 = arith.mulf %broadcast_in_dim3A_63, %mul3A_76 : vector<16xf32>
    %mul3A_78 = arith.constant 2.500000e-01 : f32
    %mul3A_79 = vector.broadcast %mul3A_78 : f32 to vector<16xf32>
    %mul3A_80 = arith.mulf %broadcast_in_dim3A_63, %mul3A_79 : vector<16xf32>
    %mul3A_81 = arith.constant 4.000000e+00 : f32
    %mul3A_82 = vector.broadcast %mul3A_81 : f32 to vector<16xf32>
    %mul3A_83 = arith.mulf %broadcast_in_dim3A_74, %mul3A_82 : vector<16xf32>
    %mul3A_84 = arith.constant 2.500000e-01 : f32
    %mul3A_85 = vector.broadcast %mul3A_84 : f32 to vector<16xf32>
    %mul3A_86 = arith.mulf %broadcast_in_dim3A_74, %mul3A_85 : vector<16xf32>
    %eq3A_87 = arith.constant 4 : i32
    %eq3A_88 = vector.broadcast %eq3A_87 : i32 to vector<16xi32>
    %eq3A_89 = arith.cmpi eq, %iota3A, %eq3A_88 : vector<16xi32>
    %jit3A_90 = arith.constant 0.000000e+00 : f32
    %broadcast_in_dim3A_91 = vector.broadcast %jit3A_90 : f32 to vector<16xf32>
    %select_n3A_92 = arith.select %eq3A_89, %get3A_7, %broadcast_in_dim3A_91 : vector<16xi1>, vector<16xf32>
    %reduce_sum3A_93 = arith.constant true
    %reduce_sum3A_94 = vector.broadcast %reduce_sum3A_93 : i1 to vector<16xi1>
    %reduce_sum3A_95 = tpu.scan <sum>, %select_n3A_92 masked %reduce_sum3A_94 : vector<16xf32>, vector<16xi1> -> vector<16xf32>
    %reduce_sum3A_96 = vector.extract %reduce_sum3A_95[15] : f32 from vector<16xf32>
    %broadcast_in_dim3A_97 = vector.broadcast %reduce_sum3A_96 : f32 to vector<16xf32>
    %eq3A_98 = arith.constant 5 : i32
    %eq3A_99 = vector.broadcast %eq3A_98 : i32 to vector<16xi32>
    %eq3A_100 = arith.cmpi eq, %iota3A, %eq3A_99 : vector<16xi32>
    %jit3A_101 = arith.constant 0.000000e+00 : f32
    %broadcast_in_dim3A_102 = vector.broadcast %jit3A_101 : f32 to vector<16xf32>
    %select_n3A_103 = arith.select %eq3A_100, %get3A_7, %broadcast_in_dim3A_102 : vector<16xi1>, vector<16xf32>
    %reduce_sum3A_104 = arith.constant true
    %reduce_sum3A_105 = vector.broadcast %reduce_sum3A_104 : i1 to vector<16xi1>
    %reduce_sum3A_106 = tpu.scan <sum>, %select_n3A_103 masked %reduce_sum3A_105 : vector<16xf32>, vector<16xi1> -> vector<16xf32>
    %reduce_sum3A_107 = vector.extract %reduce_sum3A_106[15] : f32 from vector<16xf32>
    %broadcast_in_dim3A_108 = vector.broadcast %reduce_sum3A_107 : f32 to vector<16xf32>
    %mul3A_109 = arith.constant 4.000000e+00 : f32
    %mul3A_110 = vector.broadcast %mul3A_109 : f32 to vector<16xf32>
    %mul3A_111 = arith.mulf %broadcast_in_dim3A_97, %mul3A_110 : vector<16xf32>
    %mul3A_112 = arith.constant 2.500000e-01 : f32
    %mul3A_113 = vector.broadcast %mul3A_112 : f32 to vector<16xf32>
    %mul3A_114 = arith.mulf %broadcast_in_dim3A_97, %mul3A_113 : vector<16xf32>
    %mul3A_115 = arith.constant 4.000000e+00 : f32
    %mul3A_116 = vector.broadcast %mul3A_115 : f32 to vector<16xf32>
    %mul3A_117 = arith.mulf %broadcast_in_dim3A_108, %mul3A_116 : vector<16xf32>
    %mul3A_118 = arith.constant 2.500000e-01 : f32
    %mul3A_119 = vector.broadcast %mul3A_118 : f32 to vector<16xf32>
    %mul3A_120 = arith.mulf %broadcast_in_dim3A_108, %mul3A_119 : vector<16xf32>
    %broadcast_in_dim3A_121 = arith.constant 1.000000e+00 : f32
    %broadcast_in_dim3A_122 = vector.broadcast %broadcast_in_dim3A_121 : f32 to vector<16xf32>
    %eq3A_123 = arith.constant 11 : i32
    %eq3A_124 = vector.broadcast %eq3A_123 : i32 to vector<16xi32>
    %eq3A_125 = arith.cmpi eq, %iota3A, %eq3A_124 : vector<16xi32>
    %jit3A_126 = arith.constant 0.000000e+00 : f32
    %broadcast_in_dim3A_127 = vector.broadcast %jit3A_126 : f32 to vector<16xf32>
    %select_n3A_128 = arith.select %eq3A_125, %get3A_9, %broadcast_in_dim3A_127 : vector<16xi1>, vector<16xf32>
    %reduce_sum3A_129 = arith.constant true
    %reduce_sum3A_130 = vector.broadcast %reduce_sum3A_129 : i1 to vector<16xi1>
    %reduce_sum3A_131 = tpu.scan <sum>, %select_n3A_128 masked %reduce_sum3A_130 : vector<16xf32>, vector<16xi1> -> vector<16xf32>
    %reduce_sum3A_132 = vector.extract %reduce_sum3A_131[15] : f32 from vector<16xf32>
    %broadcast_in_dim3A_133 = vector.broadcast %reduce_sum3A_132 : f32 to vector<16xf32>
    %div3A_134 = arith.divf %broadcast_in_dim3A_122, %broadcast_in_dim3A_133 : vector<16xf32>
    %eq3A_135 = arith.constant 6 : i32
    %eq3A_136 = vector.broadcast %eq3A_135 : i32 to vector<16xi32>
    %eq3A_137 = arith.cmpi eq, %iota3A, %eq3A_136 : vector<16xi32>
    %jit3A_138 = arith.constant 0.000000e+00 : f32
    %broadcast_in_dim3A_139 = vector.broadcast %jit3A_138 : f32 to vector<16xf32>
    %select_n3A_140 = arith.select %eq3A_137, %get3A_7, %broadcast_in_dim3A_139 : vector<16xi1>, vector<16xf32>
    %reduce_sum3A_141 = arith.constant true
    %reduce_sum3A_142 = vector.broadcast %reduce_sum3A_141 : i1 to vector<16xi1>
    %reduce_sum3A_143 = tpu.scan <sum>, %select_n3A_140 masked %reduce_sum3A_142 : vector<16xf32>, vector<16xi1> -> vector<16xf32>
    %reduce_sum3A_144 = vector.extract %reduce_sum3A_143[15] : f32 from vector<16xf32>
    %broadcast_in_dim3A_145 = vector.broadcast %reduce_sum3A_144 : f32 to vector<16xf32>
    %eq3A_146 = arith.constant 7 : i32
    %eq3A_147 = vector.broadcast %eq3A_146 : i32 to vector<16xi32>
    %eq3A_148 = arith.cmpi eq, %iota3A, %eq3A_147 : vector<16xi32>
    %jit3A_149 = arith.constant 0.000000e+00 : f32
    %broadcast_in_dim3A_150 = vector.broadcast %jit3A_149 : f32 to vector<16xf32>
    %select_n3A_151 = arith.select %eq3A_148, %get3A_7, %broadcast_in_dim3A_150 : vector<16xi1>, vector<16xf32>
    %reduce_sum3A_152 = arith.constant true
    %reduce_sum3A_153 = vector.broadcast %reduce_sum3A_152 : i1 to vector<16xi1>
    %reduce_sum3A_154 = tpu.scan <sum>, %select_n3A_151 masked %reduce_sum3A_153 : vector<16xf32>, vector<16xi1> -> vector<16xf32>
    %reduce_sum3A_155 = vector.extract %reduce_sum3A_154[15] : f32 from vector<16xf32>
    %broadcast_in_dim3A_156 = vector.broadcast %reduce_sum3A_155 : f32 to vector<16xf32>
    %mul3A_157 = arith.constant 4.000000e+00 : f32
    %mul3A_158 = vector.broadcast %mul3A_157 : f32 to vector<16xf32>
    %mul3A_159 = arith.mulf %broadcast_in_dim3A_145, %mul3A_158 : vector<16xf32>
    %mul3A_160 = arith.constant 2.500000e-01 : f32
    %mul3A_161 = vector.broadcast %mul3A_160 : f32 to vector<16xf32>
    %mul3A_162 = arith.mulf %broadcast_in_dim3A_145, %mul3A_161 : vector<16xf32>
    %mul3A_163 = arith.constant 4.000000e+00 : f32
    %mul3A_164 = vector.broadcast %mul3A_163 : f32 to vector<16xf32>
    %mul3A_165 = arith.mulf %broadcast_in_dim3A_156, %mul3A_164 : vector<16xf32>
    %mul3A_166 = arith.constant 2.500000e-01 : f32
    %mul3A_167 = vector.broadcast %mul3A_166 : f32 to vector<16xf32>
    %mul3A_168 = arith.mulf %broadcast_in_dim3A_156, %mul3A_167 : vector<16xf32>
    %eq3A_169 = arith.constant 8 : i32
    %eq3A_170 = vector.broadcast %eq3A_169 : i32 to vector<16xi32>
    %eq3A_171 = arith.cmpi eq, %iota3A, %eq3A_170 : vector<16xi32>
    %jit3A_172 = arith.constant 0.000000e+00 : f32
    %broadcast_in_dim3A_173 = vector.broadcast %jit3A_172 : f32 to vector<16xf32>
    %select_n3A_174 = arith.select %eq3A_171, %get3A_7, %broadcast_in_dim3A_173 : vector<16xi1>, vector<16xf32>
    %reduce_sum3A_175 = arith.constant true
    %reduce_sum3A_176 = vector.broadcast %reduce_sum3A_175 : i1 to vector<16xi1>
    %reduce_sum3A_177 = tpu.scan <sum>, %select_n3A_174 masked %reduce_sum3A_176 : vector<16xf32>, vector<16xi1> -> vector<16xf32>
    %reduce_sum3A_178 = vector.extract %reduce_sum3A_177[15] : f32 from vector<16xf32>
    %broadcast_in_dim3A_179 = vector.broadcast %reduce_sum3A_178 : f32 to vector<16xf32>
    %eq3A_180 = arith.constant 9 : i32
    %eq3A_181 = vector.broadcast %eq3A_180 : i32 to vector<16xi32>
    %eq3A_182 = arith.cmpi eq, %iota3A, %eq3A_181 : vector<16xi32>
    %jit3A_183 = arith.constant 0.000000e+00 : f32
    %broadcast_in_dim3A_184 = vector.broadcast %jit3A_183 : f32 to vector<16xf32>
    %select_n3A_185 = arith.select %eq3A_182, %get3A_7, %broadcast_in_dim3A_184 : vector<16xi1>, vector<16xf32>
    %reduce_sum3A_186 = arith.constant true
    %reduce_sum3A_187 = vector.broadcast %reduce_sum3A_186 : i1 to vector<16xi1>
    %reduce_sum3A_188 = tpu.scan <sum>, %select_n3A_185 masked %reduce_sum3A_187 : vector<16xf32>, vector<16xi1> -> vector<16xf32>
    %reduce_sum3A_189 = vector.extract %reduce_sum3A_188[15] : f32 from vector<16xf32>
    %broadcast_in_dim3A_190 = vector.broadcast %reduce_sum3A_189 : f32 to vector<16xf32>
    %mul3A_191 = arith.constant 4.000000e+00 : f32
    %mul3A_192 = vector.broadcast %mul3A_191 : f32 to vector<16xf32>
    %mul3A_193 = arith.mulf %broadcast_in_dim3A_179, %mul3A_192 : vector<16xf32>
    %mul3A_194 = arith.constant 2.500000e-01 : f32
    %mul3A_195 = vector.broadcast %mul3A_194 : f32 to vector<16xf32>
    %mul3A_196 = arith.mulf %broadcast_in_dim3A_179, %mul3A_195 : vector<16xf32>
    %mul3A_197 = arith.constant 4.000000e+00 : f32
    %mul3A_198 = vector.broadcast %mul3A_197 : f32 to vector<16xf32>
    %mul3A_199 = arith.mulf %broadcast_in_dim3A_190, %mul3A_198 : vector<16xf32>
    %mul3A_200 = arith.constant 2.500000e-01 : f32
    %mul3A_201 = vector.broadcast %mul3A_200 : f32 to vector<16xf32>
    %mul3A_202 = arith.mulf %broadcast_in_dim3A_190, %mul3A_201 : vector<16xf32>
    %eq3A_203 = arith.constant 10 : i32
    %eq3A_204 = vector.broadcast %eq3A_203 : i32 to vector<16xi32>
    %eq3A_205 = arith.cmpi eq, %iota3A, %eq3A_204 : vector<16xi32>
    %jit3A_206 = arith.constant 0.000000e+00 : f32
    %broadcast_in_dim3A_207 = vector.broadcast %jit3A_206 : f32 to vector<16xf32>
    %select_n3A_208 = arith.select %eq3A_205, %get3A_7, %broadcast_in_dim3A_207 : vector<16xi1>, vector<16xf32>
    %reduce_sum3A_209 = arith.constant true
    %reduce_sum3A_210 = vector.broadcast %reduce_sum3A_209 : i1 to vector<16xi1>
    %reduce_sum3A_211 = tpu.scan <sum>, %select_n3A_208 masked %reduce_sum3A_210 : vector<16xf32>, vector<16xi1> -> vector<16xf32>
    %reduce_sum3A_212 = vector.extract %reduce_sum3A_211[15] : f32 from vector<16xf32>
    %broadcast_in_dim3A_213 = vector.broadcast %reduce_sum3A_212 : f32 to vector<16xf32>
    %eq3A_214 = arith.constant 11 : i32
    %eq3A_215 = vector.broadcast %eq3A_214 : i32 to vector<16xi32>
    %eq3A_216 = arith.cmpi eq, %iota3A, %eq3A_215 : vector<16xi32>
    %jit3A_217 = arith.constant 0.000000e+00 : f32
    %broadcast_in_dim3A_218 = vector.broadcast %jit3A_217 : f32 to vector<16xf32>
    %select_n3A_219 = arith.select %eq3A_216, %get3A_7, %broadcast_in_dim3A_218 : vector<16xi1>, vector<16xf32>
    %reduce_sum3A_220 = arith.constant true
    %reduce_sum3A_221 = vector.broadcast %reduce_sum3A_220 : i1 to vector<16xi1>
    %reduce_sum3A_222 = tpu.scan <sum>, %select_n3A_219 masked %reduce_sum3A_221 : vector<16xf32>, vector<16xi1> -> vector<16xf32>
    %reduce_sum3A_223 = vector.extract %reduce_sum3A_222[15] : f32 from vector<16xf32>
    %broadcast_in_dim3A_224 = vector.broadcast %reduce_sum3A_223 : f32 to vector<16xf32>
    %mul3A_225 = arith.constant 4.000000e+00 : f32
    %mul3A_226 = vector.broadcast %mul3A_225 : f32 to vector<16xf32>
    %mul3A_227 = arith.mulf %broadcast_in_dim3A_213, %mul3A_226 : vector<16xf32>
    %mul3A_228 = arith.constant 2.500000e-01 : f32
    %mul3A_229 = vector.broadcast %mul3A_228 : f32 to vector<16xf32>
    %mul3A_230 = arith.mulf %broadcast_in_dim3A_213, %mul3A_229 : vector<16xf32>
    %mul3A_231 = arith.constant 4.000000e+00 : f32
    %mul3A_232 = vector.broadcast %mul3A_231 : f32 to vector<16xf32>
    %mul3A_233 = arith.mulf %broadcast_in_dim3A_224, %mul3A_232 : vector<16xf32>
    %mul3A_234 = arith.constant 2.500000e-01 : f32
    %mul3A_235 = vector.broadcast %mul3A_234 : f32 to vector<16xf32>
    %mul3A_236 = arith.mulf %broadcast_in_dim3A_224, %mul3A_235 : vector<16xf32>
    %broadcast_in_dim3A_237 = arith.constant 1.000000e+00 : f32
    %broadcast_in_dim3A_238 = vector.broadcast %broadcast_in_dim3A_237 : f32 to vector<16xf32>
    %eq3A_239 = arith.constant 12 : i32
    %eq3A_240 = vector.broadcast %eq3A_239 : i32 to vector<16xi32>
    %eq3A_241 = arith.cmpi eq, %iota3A, %eq3A_240 : vector<16xi32>
    %jit3A_242 = arith.constant 0.000000e+00 : f32
    %broadcast_in_dim3A_243 = vector.broadcast %jit3A_242 : f32 to vector<16xf32>
    %select_n3A_244 = arith.select %eq3A_241, %get3A_9, %broadcast_in_dim3A_243 : vector<16xi1>, vector<16xf32>
    %reduce_sum3A_245 = arith.constant true
    %reduce_sum3A_246 = vector.broadcast %reduce_sum3A_245 : i1 to vector<16xi1>
    %reduce_sum3A_247 = tpu.scan <sum>, %select_n3A_244 masked %reduce_sum3A_246 : vector<16xf32>, vector<16xi1> -> vector<16xf32>
    %reduce_sum3A_248 = vector.extract %reduce_sum3A_247[15] : f32 from vector<16xf32>
    %broadcast_in_dim3A_249 = vector.broadcast %reduce_sum3A_248 : f32 to vector<16xf32>
    %div3A_250 = arith.divf %broadcast_in_dim3A_238, %broadcast_in_dim3A_249 : vector<16xf32>
    %eq3A_251 = arith.constant 12 : i32
    %eq3A_252 = vector.broadcast %eq3A_251 : i32 to vector<16xi32>
    %eq3A_253 = arith.cmpi eq, %iota3A, %eq3A_252 : vector<16xi32>
    %jit3A_254 = arith.constant 0.000000e+00 : f32
    %broadcast_in_dim3A_255 = vector.broadcast %jit3A_254 : f32 to vector<16xf32>
    %select_n3A_256 = arith.select %eq3A_253, %get3A_7, %broadcast_in_dim3A_255 : vector<16xi1>, vector<16xf32>
    %reduce_sum3A_257 = arith.constant true
    %reduce_sum3A_258 = vector.broadcast %reduce_sum3A_257 : i1 to vector<16xi1>
    %reduce_sum3A_259 = tpu.scan <sum>, %select_n3A_256 masked %reduce_sum3A_258 : vector<16xf32>, vector<16xi1> -> vector<16xf32>
    %reduce_sum3A_260 = vector.extract %reduce_sum3A_259[15] : f32 from vector<16xf32>
    %broadcast_in_dim3A_261 = vector.broadcast %reduce_sum3A_260 : f32 to vector<16xf32>
    %eq3A_262 = arith.constant 13 : i32
    %eq3A_263 = vector.broadcast %eq3A_262 : i32 to vector<16xi32>
    %eq3A_264 = arith.cmpi eq, %iota3A, %eq3A_263 : vector<16xi32>
    %jit3A_265 = arith.constant 0.000000e+00 : f32
    %broadcast_in_dim3A_266 = vector.broadcast %jit3A_265 : f32 to vector<16xf32>
    %select_n3A_267 = arith.select %eq3A_264, %get3A_7, %broadcast_in_dim3A_266 : vector<16xi1>, vector<16xf32>
    %reduce_sum3A_268 = arith.constant true
    %reduce_sum3A_269 = vector.broadcast %reduce_sum3A_268 : i1 to vector<16xi1>
    %reduce_sum3A_270 = tpu.scan <sum>, %select_n3A_267 masked %reduce_sum3A_269 : vector<16xf32>, vector<16xi1> -> vector<16xf32>
    %reduce_sum3A_271 = vector.extract %reduce_sum3A_270[15] : f32 from vector<16xf32>
    %broadcast_in_dim3A_272 = vector.broadcast %reduce_sum3A_271 : f32 to vector<16xf32>
    %mul3A_273 = arith.constant 4.000000e+00 : f32
    %mul3A_274 = vector.broadcast %mul3A_273 : f32 to vector<16xf32>
    %mul3A_275 = arith.mulf %broadcast_in_dim3A_261, %mul3A_274 : vector<16xf32>
    %mul3A_276 = arith.constant 2.500000e-01 : f32
    %mul3A_277 = vector.broadcast %mul3A_276 : f32 to vector<16xf32>
    %mul3A_278 = arith.mulf %broadcast_in_dim3A_261, %mul3A_277 : vector<16xf32>
    %mul3A_279 = arith.constant 4.000000e+00 : f32
    %mul3A_280 = vector.broadcast %mul3A_279 : f32 to vector<16xf32>
    %mul3A_281 = arith.mulf %broadcast_in_dim3A_272, %mul3A_280 : vector<16xf32>
    %mul3A_282 = arith.constant 2.500000e-01 : f32
    %mul3A_283 = vector.broadcast %mul3A_282 : f32 to vector<16xf32>
    %mul3A_284 = arith.mulf %broadcast_in_dim3A_272, %mul3A_283 : vector<16xf32>
    %eq3A_285 = arith.constant 14 : i32
    %eq3A_286 = vector.broadcast %eq3A_285 : i32 to vector<16xi32>
    %eq3A_287 = arith.cmpi eq, %iota3A, %eq3A_286 : vector<16xi32>
    %jit3A_288 = arith.constant 0.000000e+00 : f32
    %broadcast_in_dim3A_289 = vector.broadcast %jit3A_288 : f32 to vector<16xf32>
    %select_n3A_290 = arith.select %eq3A_287, %get3A_7, %broadcast_in_dim3A_289 : vector<16xi1>, vector<16xf32>
    %reduce_sum3A_291 = arith.constant true
    %reduce_sum3A_292 = vector.broadcast %reduce_sum3A_291 : i1 to vector<16xi1>
    %reduce_sum3A_293 = tpu.scan <sum>, %select_n3A_290 masked %reduce_sum3A_292 : vector<16xf32>, vector<16xi1> -> vector<16xf32>
    %reduce_sum3A_294 = vector.extract %reduce_sum3A_293[15] : f32 from vector<16xf32>
    %broadcast_in_dim3A_295 = vector.broadcast %reduce_sum3A_294 : f32 to vector<16xf32>
    %eq3A_296 = arith.constant 15 : i32
    %eq3A_297 = vector.broadcast %eq3A_296 : i32 to vector<16xi32>
    %eq3A_298 = arith.cmpi eq, %iota3A, %eq3A_297 : vector<16xi32>
    %jit3A_299 = arith.constant 0.000000e+00 : f32
    %broadcast_in_dim3A_300 = vector.broadcast %jit3A_299 : f32 to vector<16xf32>
    %select_n3A_301 = arith.select %eq3A_298, %get3A_7, %broadcast_in_dim3A_300 : vector<16xi1>, vector<16xf32>
    %reduce_sum3A_302 = arith.constant true
    %reduce_sum3A_303 = vector.broadcast %reduce_sum3A_302 : i1 to vector<16xi1>
    %reduce_sum3A_304 = tpu.scan <sum>, %select_n3A_301 masked %reduce_sum3A_303 : vector<16xf32>, vector<16xi1> -> vector<16xf32>
    %reduce_sum3A_305 = vector.extract %reduce_sum3A_304[15] : f32 from vector<16xf32>
    %broadcast_in_dim3A_306 = vector.broadcast %reduce_sum3A_305 : f32 to vector<16xf32>
    %mul3A_307 = arith.constant 4.000000e+00 : f32
    %mul3A_308 = vector.broadcast %mul3A_307 : f32 to vector<16xf32>
    %mul3A_309 = arith.mulf %broadcast_in_dim3A_295, %mul3A_308 : vector<16xf32>
    %mul3A_310 = arith.constant 2.500000e-01 : f32
    %mul3A_311 = vector.broadcast %mul3A_310 : f32 to vector<16xf32>
    %mul3A_312 = arith.mulf %broadcast_in_dim3A_295, %mul3A_311 : vector<16xf32>
    %mul3A_313 = arith.constant 4.000000e+00 : f32
    %mul3A_314 = vector.broadcast %mul3A_313 : f32 to vector<16xf32>
    %mul3A_315 = arith.mulf %broadcast_in_dim3A_306, %mul3A_314 : vector<16xf32>
    %mul3A_316 = arith.constant 2.500000e-01 : f32
    %mul3A_317 = vector.broadcast %mul3A_316 : f32 to vector<16xf32>
    %mul3A_318 = arith.mulf %broadcast_in_dim3A_306, %mul3A_317 : vector<16xf32>
    %eq3A_319 = arith.constant 8 : i32
    %eq3A_320 = vector.broadcast %eq3A_319 : i32 to vector<16xi32>
    %eq3A_321 = arith.cmpi eq, %iota3A, %eq3A_320 : vector<16xi32>
    %jit3A_322 = arith.constant 0.000000e+00 : f32
    %broadcast_in_dim3A_323 = vector.broadcast %jit3A_322 : f32 to vector<16xf32>
    %select_n3A_324 = arith.select %eq3A_321, %get3A_9, %broadcast_in_dim3A_323 : vector<16xi1>, vector<16xf32>
    %reduce_sum3A_325 = arith.constant true
    %reduce_sum3A_326 = vector.broadcast %reduce_sum3A_325 : i1 to vector<16xi1>
    %reduce_sum3A_327 = tpu.scan <sum>, %select_n3A_324 masked %reduce_sum3A_326 : vector<16xf32>, vector<16xi1> -> vector<16xf32>
    %reduce_sum3A_328 = vector.extract %reduce_sum3A_327[15] : f32 from vector<16xf32>
    %broadcast_in_dim3A_329 = vector.broadcast %reduce_sum3A_328 : f32 to vector<16xf32>
    %eq3A_330 = arith.constant 9 : i32
    %eq3A_331 = vector.broadcast %eq3A_330 : i32 to vector<16xi32>
    %eq3A_332 = arith.cmpi eq, %iota3A, %eq3A_331 : vector<16xi32>
    %jit3A_333 = arith.constant 0.000000e+00 : f32
    %broadcast_in_dim3A_334 = vector.broadcast %jit3A_333 : f32 to vector<16xf32>
    %select_n3A_335 = arith.select %eq3A_332, %get3A_9, %broadcast_in_dim3A_334 : vector<16xi1>, vector<16xf32>
    %reduce_sum3A_336 = arith.constant true
    %reduce_sum3A_337 = vector.broadcast %reduce_sum3A_336 : i1 to vector<16xi1>
    %reduce_sum3A_338 = tpu.scan <sum>, %select_n3A_335 masked %reduce_sum3A_337 : vector<16xf32>, vector<16xi1> -> vector<16xf32>
    %reduce_sum3A_339 = vector.extract %reduce_sum3A_338[15] : f32 from vector<16xf32>
    %broadcast_in_dim3A_340 = vector.broadcast %reduce_sum3A_339 : f32 to vector<16xf32>
    %mul3A_341 = arith.constant 4.000000e+00 : f32
    %mul3A_342 = vector.broadcast %mul3A_341 : f32 to vector<16xf32>
    %mul3A_343 = arith.mulf %broadcast_in_dim3A_329, %mul3A_342 : vector<16xf32>
    %mul3A_344 = arith.constant 2.500000e-01 : f32
    %mul3A_345 = vector.broadcast %mul3A_344 : f32 to vector<16xf32>
    %mul3A_346 = arith.mulf %broadcast_in_dim3A_329, %mul3A_345 : vector<16xf32>
    %mul3A_347 = arith.constant 4.000000e+00 : f32
    %mul3A_348 = vector.broadcast %mul3A_347 : f32 to vector<16xf32>
    %mul3A_349 = arith.mulf %broadcast_in_dim3A_340, %mul3A_348 : vector<16xf32>
    %mul3A_350 = arith.constant 2.500000e-01 : f32
    %mul3A_351 = vector.broadcast %mul3A_350 : f32 to vector<16xf32>
    %mul3A_352 = arith.mulf %broadcast_in_dim3A_340, %mul3A_351 : vector<16xf32>
    %broadcast_in_dim3A_353 = arith.constant 0.000000e+00 : f32
    %broadcast_in_dim3A_354 = vector.broadcast %broadcast_in_dim3A_353 : f32 to vector<16xf32>
    %broadcast_in_dim3A_355 = arith.constant 1.000000e+00 : f32
    %broadcast_in_dim3A_356 = vector.broadcast %broadcast_in_dim3A_355 : f32 to vector<16xf32>
    %broadcast_in_dim3A_357 = arith.constant 2.000000e+00 : f32
    %broadcast_in_dim3A_358 = vector.broadcast %broadcast_in_dim3A_357 : f32 to vector<16xf32>
    %dma_wait3A = arith.constant 0 : i32
    %dma_wait3A_359 = tpu.memref_slice %arg2[%dma_wait3A, %mul3A_2] : memref<6x8192xf32, #tpu.memory_space<hbm>> -> memref<6x256xf32, #tpu.memory_space<hbm>>
    %dma_wait3A_360 = arith.constant 0 : i32
    %dma_wait3A_361 = tpu.memref_slice %arg2[%dma_wait3A_360, %mul3A_2] : memref<6x8192xf32, #tpu.memory_space<hbm>> -> memref<6x256xf32, #tpu.memory_space<hbm>>
    tpu.wait_dma2 semaphore(%arg8 : memref<!tpu.dma_semaphore, #tpu.memory_space<semaphore_mem>>) src(%dma_wait3A_361 : memref<6x256xf32, #tpu.memory_space<hbm>>) dst(%arg5 : memref<6x256xf32, #tpu.memory_space<vmem>>)
    %scan3A = arith.constant 0 : i32
    %scan3A_362 = arith.constant 0 : i32
    %scan3A_363 = arith.constant 8 : i32
    %scan3A_364 = arith.addi %scan3A_362, %scan3A_363 : i32
    %scan3A_365 = arith.constant 1 : i32
    scf.for %scan3A_375 = %scan3A_362 to %scan3A_364 step %scan3A_365  : i32 {
      %mul3A_376 = arith.constant 16 : i32
      %mul3A_377 = arith.muli %scan3A_375, %mul3A_376 : i32
      %add3A_378 = arith.constant 0 : i32
      %add3A_379 = arith.addi %add3A_378, %mul3A_377 : i32
      %mul3A_380 = arith.constant 16 : i32
      %mul3A_381 = arith.muli %scan3A_375, %mul3A_380 : i32
      %get3A_382 = arith.constant 0 : i32
      %get3A_383 = arith.index_cast %get3A_382 : i32 to index
      %get3A_384 = arith.index_cast %add3A_379 : i32 to index
      %get3A_385 = tpu.vector_load %arg5[%get3A_383, %get3A_384] {strides = array<i32>} : memref<6x256xf32, #tpu.memory_space<vmem>>, vector<16xf32>,
      %get3A_386 = arith.constant 1 : i32
      %get3A_387 = arith.index_cast %get3A_386 : i32 to index
      %get3A_388 = arith.index_cast %add3A_379 : i32 to index
      %get3A_389 = tpu.vector_load %arg5[%get3A_387, %get3A_388] {strides = array<i32>} : memref<6x256xf32, #tpu.memory_space<vmem>>, vector<16xf32>,
      %get3A_390 = arith.constant 2 : i32
      %get3A_391 = arith.index_cast %get3A_390 : i32 to index
      %get3A_392 = arith.index_cast %add3A_379 : i32 to index
      %get3A_393 = tpu.vector_load %arg5[%get3A_391, %get3A_392] {strides = array<i32>} : memref<6x256xf32, #tpu.memory_space<vmem>>, vector<16xf32>,
      %get3A_394 = arith.constant 3 : i32
      %get3A_395 = arith.index_cast %get3A_394 : i32 to index
      %get3A_396 = arith.index_cast %add3A_379 : i32 to index
      %get3A_397 = tpu.vector_load %arg5[%get3A_395, %get3A_396] {strides = array<i32>} : memref<6x256xf32, #tpu.memory_space<vmem>>, vector<16xf32>,
      %get3A_398 = arith.constant 4 : i32
      %get3A_399 = arith.index_cast %get3A_398 : i32 to index
      %get3A_400 = arith.index_cast %add3A_379 : i32 to index
      %get3A_401 = tpu.vector_load %arg5[%get3A_399, %get3A_400] {strides = array<i32>} : memref<6x256xf32, #tpu.memory_space<vmem>>, vector<16xf32>,
      %get3A_402 = arith.constant 5 : i32
      %get3A_403 = arith.index_cast %get3A_402 : i32 to index
      %get3A_404 = arith.index_cast %add3A_379 : i32 to index
      %get3A_405 = tpu.vector_load %arg5[%get3A_403, %get3A_404] {strides = array<i32>} : memref<6x256xf32, #tpu.memory_space<vmem>>, vector<16xf32>,
      %mul3A_406 = arith.mulf %get3A_393, %div3A : vector<16xf32>
      %mul3A_407 = arith.mulf %get3A_397, %div3A : vector<16xf32>
      %mul3A_408 = arith.mulf %get3A_401, %div3A : vector<16xf32>
      %mul3A_409 = arith.mulf %get3A_405, %div3A : vector<16xf32>
      %lt3A = arith.cmpf olt, %get3A_401, %mul3A_43 : vector<16xf32>
      %lt3A_410 = arith.cmpf olt, %mul3A_46, %get3A_401 : vector<16xf32>
      %and3A = arith.andi %lt3A, %lt3A_410 : vector<16xi1>
      %lt3A_411 = arith.cmpf olt, %get3A_405, %mul3A_49 : vector<16xf32>
      %and3A_412 = arith.andi %and3A, %lt3A_411 : vector<16xi1>
      %lt3A_413 = arith.cmpf olt, %mul3A_52, %get3A_405 : vector<16xf32>
      %and3A_414 = arith.andi %and3A_412, %lt3A_413 : vector<16xi1>
      %select_n3A_415 = arith.select %and3A_414, %get3A_385, %broadcast_in_dim3A_6 : vector<16xi1>, vector<16xf32>
      %swap3A = arith.constant 0 : i32
      %swap3A_416 = arith.constant 0 : i32
      %swap3A_417 = arith.constant 0 : i32
      %swap3A_418 = arith.constant 0 : i32
      %swap3A_419 = arith.index_cast %swap3A : i32 to index
      %swap3A_420 = arith.index_cast %swap3A_416 : i32 to index
      %swap3A_421 = arith.index_cast %swap3A_417 : i32 to index
      %swap3A_422 = arith.index_cast %swap3A_418 : i32 to index
      %swap3A_423 = arith.index_cast %mul3A_381 : i32 to index
      %swap3A_424 = tpu.vector_load %arg7[%swap3A_419, %swap3A_420, %swap3A_421, %swap3A_422, %swap3A_423] {strides = array<i32>} : memref<3x3x2x8x128xf32, #tpu.memory_space<vmem>>, vector<16xf32>,
      tpu.vector_store %arg7[%swap3A_419, %swap3A_420, %swap3A_421, %swap3A_422, %swap3A_423], %select_n3A_415 {strides = array<i32>} : memref<3x3x2x8x128xf32, #tpu.memory_space<vmem>>, vector<16xf32>,
      %select_n3A_425 = arith.select %and3A_414, %get3A_389, %broadcast_in_dim3A_6 : vector<16xi1>, vector<16xf32>
      %swap3A_426 = arith.constant 0 : i32
      %swap3A_427 = arith.constant 0 : i32
      %swap3A_428 = arith.constant 0 : i32
      %swap3A_429 = arith.constant 1 : i32
      %swap3A_430 = arith.index_cast %swap3A_426 : i32 to index
      %swap3A_431 = arith.index_cast %swap3A_427 : i32 to index
      %swap3A_432 = arith.index_cast %swap3A_428 : i32 to index
      %swap3A_433 = arith.index_cast %swap3A_429 : i32 to index
      %swap3A_434 = arith.index_cast %mul3A_381 : i32 to index
      %swap3A_435 = tpu.vector_load %arg7[%swap3A_430, %swap3A_431, %swap3A_432, %swap3A_433, %swap3A_434] {strides = array<i32>} : memref<3x3x2x8x128xf32, #tpu.memory_space<vmem>>, vector<16xf32>,
      tpu.vector_store %arg7[%swap3A_430, %swap3A_431, %swap3A_432, %swap3A_433, %swap3A_434], %select_n3A_425 {strides = array<i32>} : memref<3x3x2x8x128xf32, #tpu.memory_space<vmem>>, vector<16xf32>,
      %select_n3A_436 = arith.select %and3A_414, %mul3A_406, %broadcast_in_dim3A_6 : vector<16xi1>, vector<16xf32>
      %swap3A_437 = arith.constant 0 : i32
      %swap3A_438 = arith.constant 0 : i32
      %swap3A_439 = arith.constant 0 : i32
      %swap3A_440 = arith.constant 2 : i32
      %swap3A_441 = arith.index_cast %swap3A_437 : i32 to index
      %swap3A_442 = arith.index_cast %swap3A_438 : i32 to index
      %swap3A_443 = arith.index_cast %swap3A_439 : i32 to index
      %swap3A_444 = arith.index_cast %swap3A_440 : i32 to index
      %swap3A_445 = arith.index_cast %mul3A_381 : i32 to index
      %swap3A_446 = tpu.vector_load %arg7[%swap3A_441, %swap3A_442, %swap3A_443, %swap3A_444, %swap3A_445] {strides = array<i32>} : memref<3x3x2x8x128xf32, #tpu.memory_space<vmem>>, vector<16xf32>,
      tpu.vector_store %arg7[%swap3A_441, %swap3A_442, %swap3A_443, %swap3A_444, %swap3A_445], %select_n3A_436 {strides = array<i32>} : memref<3x3x2x8x128xf32, #tpu.memory_space<vmem>>, vector<16xf32>,
      %select_n3A_447 = arith.select %and3A_414, %mul3A_407, %broadcast_in_dim3A_6 : vector<16xi1>, vector<16xf32>
      %swap3A_448 = arith.constant 0 : i32
      %swap3A_449 = arith.constant 0 : i32
      %swap3A_450 = arith.constant 0 : i32
      %swap3A_451 = arith.constant 3 : i32
      %swap3A_452 = arith.index_cast %swap3A_448 : i32 to index
      %swap3A_453 = arith.index_cast %swap3A_449 : i32 to index
      %swap3A_454 = arith.index_cast %swap3A_450 : i32 to index
      %swap3A_455 = arith.index_cast %swap3A_451 : i32 to index
      %swap3A_456 = arith.index_cast %mul3A_381 : i32 to index
      %swap3A_457 = tpu.vector_load %arg7[%swap3A_452, %swap3A_453, %swap3A_454, %swap3A_455, %swap3A_456] {strides = array<i32>} : memref<3x3x2x8x128xf32, #tpu.memory_space<vmem>>, vector<16xf32>,
      tpu.vector_store %arg7[%swap3A_452, %swap3A_453, %swap3A_454, %swap3A_455, %swap3A_456], %select_n3A_447 {strides = array<i32>} : memref<3x3x2x8x128xf32, #tpu.memory_space<vmem>>, vector<16xf32>,
      %select_n3A_458 = arith.select %and3A_414, %mul3A_408, %broadcast_in_dim3A_6 : vector<16xi1>, vector<16xf32>
      %swap3A_459 = arith.constant 0 : i32
      %swap3A_460 = arith.constant 0 : i32
      %swap3A_461 = arith.constant 0 : i32
      %swap3A_462 = arith.constant 4 : i32
      %swap3A_463 = arith.index_cast %swap3A_459 : i32 to index
      %swap3A_464 = arith.index_cast %swap3A_460 : i32 to index
      %swap3A_465 = arith.index_cast %swap3A_461 : i32 to index
      %swap3A_466 = arith.index_cast %swap3A_462 : i32 to index
      %swap3A_467 = arith.index_cast %mul3A_381 : i32 to index
      %swap3A_468 = tpu.vector_load %arg7[%swap3A_463, %swap3A_464, %swap3A_465, %swap3A_466, %swap3A_467] {strides = array<i32>} : memref<3x3x2x8x128xf32, #tpu.memory_space<vmem>>, vector<16xf32>,
      tpu.vector_store %arg7[%swap3A_463, %swap3A_464, %swap3A_465, %swap3A_466, %swap3A_467], %select_n3A_458 {strides = array<i32>} : memref<3x3x2x8x128xf32, #tpu.memory_space<vmem>>, vector<16xf32>,
      %select_n3A_469 = arith.select %and3A_414, %mul3A_409, %broadcast_in_dim3A_6 : vector<16xi1>, vector<16xf32>
      %swap3A_470 = arith.constant 0 : i32
      %swap3A_471 = arith.constant 0 : i32
      %swap3A_472 = arith.constant 0 : i32
      %swap3A_473 = arith.constant 5 : i32
      %swap3A_474 = arith.index_cast %swap3A_470 : i32 to index
      %swap3A_475 = arith.index_cast %swap3A_471 : i32 to index
      %swap3A_476 = arith.index_cast %swap3A_472 : i32 to index
      %swap3A_477 = arith.index_cast %swap3A_473 : i32 to index
      %swap3A_478 = arith.index_cast %mul3A_381 : i32 to index
      %swap3A_479 = tpu.vector_load %arg7[%swap3A_474, %swap3A_475, %swap3A_476, %swap3A_477, %swap3A_478] {strides = array<i32>} : memref<3x3x2x8x128xf32, #tpu.memory_space<vmem>>, vector<16xf32>,
      tpu.vector_store %arg7[%swap3A_474, %swap3A_475, %swap3A_476, %swap3A_477, %swap3A_478], %select_n3A_469 {strides = array<i32>} : memref<3x3x2x8x128xf32, #tpu.memory_space<vmem>>, vector<16xf32>,
      %select_n3A_480 = arith.select %and3A_414, %broadcast_in_dim3A_354, %broadcast_in_dim3A_6 : vector<16xi1>, vector<16xf32>
      %swap3A_481 = arith.constant 0 : i32
      %swap3A_482 = arith.constant 0 : i32
      %swap3A_483 = arith.constant 0 : i32
      %swap3A_484 = arith.constant 6 : i32
      %swap3A_485 = arith.index_cast %swap3A_481 : i32 to index
      %swap3A_486 = arith.index_cast %swap3A_482 : i32 to index
      %swap3A_487 = arith.index_cast %swap3A_483 : i32 to index
      %swap3A_488 = arith.index_cast %swap3A_484 : i32 to index
      %swap3A_489 = arith.index_cast %mul3A_381 : i32 to index
      %swap3A_490 = tpu.vector_load %arg7[%swap3A_485, %swap3A_486, %swap3A_487, %swap3A_488, %swap3A_489] {strides = array<i32>} : memref<3x3x2x8x128xf32, #tpu.memory_space<vmem>>, vector<16xf32>,
      tpu.vector_store %arg7[%swap3A_485, %swap3A_486, %swap3A_487, %swap3A_488, %swap3A_489], %select_n3A_480 {strides = array<i32>} : memref<3x3x2x8x128xf32, #tpu.memory_space<vmem>>, vector<16xf32>,
      %swap3A_491 = arith.constant 0 : i32
      %swap3A_492 = arith.constant 0 : i32
      %swap3A_493 = arith.constant 0 : i32
      %swap3A_494 = arith.constant 7 : i32
      %swap3A_495 = arith.index_cast %swap3A_491 : i32 to index
      %swap3A_496 = arith.index_cast %swap3A_492 : i32 to index
      %swap3A_497 = arith.index_cast %swap3A_493 : i32 to index
      %swap3A_498 = arith.index_cast %swap3A_494 : i32 to index
      %swap3A_499 = arith.index_cast %mul3A_381 : i32 to index
      %swap3A_500 = tpu.vector_load %arg7[%swap3A_495, %swap3A_496, %swap3A_497, %swap3A_498, %swap3A_499] {strides = array<i32>} : memref<3x3x2x8x128xf32, #tpu.memory_space<vmem>>, vector<16xf32>,
      tpu.vector_store %arg7[%swap3A_495, %swap3A_496, %swap3A_497, %swap3A_498, %swap3A_499], %broadcast_in_dim3A_6 {strides = array<i32>} : memref<3x3x2x8x128xf32, #tpu.memory_space<vmem>>, vector<16xf32>,
      %lt3A_501 = arith.cmpf olt, %get3A_401, %mul3A_77 : vector<16xf32>
      %lt3A_502 = arith.cmpf olt, %mul3A_80, %get3A_401 : vector<16xf32>
      %and3A_503 = arith.andi %lt3A_501, %lt3A_502 : vector<16xi1>
      %lt3A_504 = arith.cmpf olt, %get3A_405, %mul3A_83 : vector<16xf32>
      %and3A_505 = arith.andi %and3A_503, %lt3A_504 : vector<16xi1>
      %lt3A_506 = arith.cmpf olt, %mul3A_86, %get3A_405 : vector<16xf32>
      %and3A_507 = arith.andi %and3A_505, %lt3A_506 : vector<16xi1>
      %select_n3A_508 = arith.select %and3A_507, %get3A_385, %broadcast_in_dim3A_6 : vector<16xi1>, vector<16xf32>
      %swap3A_509 = arith.constant 0 : i32
      %swap3A_510 = arith.constant 1 : i32
      %swap3A_511 = arith.constant 0 : i32
      %swap3A_512 = arith.constant 0 : i32
      %swap3A_513 = arith.index_cast %swap3A_509 : i32 to index
      %swap3A_514 = arith.index_cast %swap3A_510 : i32 to index
      %swap3A_515 = arith.index_cast %swap3A_511 : i32 to index
      %swap3A_516 = arith.index_cast %swap3A_512 : i32 to index
      %swap3A_517 = arith.index_cast %mul3A_381 : i32 to index
      %swap3A_518 = tpu.vector_load %arg7[%swap3A_513, %swap3A_514, %swap3A_515, %swap3A_516, %swap3A_517] {strides = array<i32>} : memref<3x3x2x8x128xf32, #tpu.memory_space<vmem>>, vector<16xf32>,
      tpu.vector_store %arg7[%swap3A_513, %swap3A_514, %swap3A_515, %swap3A_516, %swap3A_517], %select_n3A_508 {strides = array<i32>} : memref<3x3x2x8x128xf32, #tpu.memory_space<vmem>>, vector<16xf32>,
      %select_n3A_519 = arith.select %and3A_507, %get3A_389, %broadcast_in_dim3A_6 : vector<16xi1>, vector<16xf32>
      %swap3A_520 = arith.constant 0 : i32
      %swap3A_521 = arith.constant 1 : i32
      %swap3A_522 = arith.constant 0 : i32
      %swap3A_523 = arith.constant 1 : i32
      %swap3A_524 = arith.index_cast %swap3A_520 : i32 to index
      %swap3A_525 = arith.index_cast %swap3A_521 : i32 to index
      %swap3A_526 = arith.index_cast %swap3A_522 : i32 to index
      %swap3A_527 = arith.index_cast %swap3A_523 : i32 to index
      %swap3A_528 = arith.index_cast %mul3A_381 : i32 to index
      %swap3A_529 = tpu.vector_load %arg7[%swap3A_524, %swap3A_525, %swap3A_526, %swap3A_527, %swap3A_528] {strides = array<i32>} : memref<3x3x2x8x128xf32, #tpu.memory_space<vmem>>, vector<16xf32>,
      tpu.vector_store %arg7[%swap3A_524, %swap3A_525, %swap3A_526, %swap3A_527, %swap3A_528], %select_n3A_519 {strides = array<i32>} : memref<3x3x2x8x128xf32, #tpu.memory_space<vmem>>, vector<16xf32>,
      %select_n3A_530 = arith.select %and3A_507, %mul3A_406, %broadcast_in_dim3A_6 : vector<16xi1>, vector<16xf32>
      %swap3A_531 = arith.constant 0 : i32
      %swap3A_532 = arith.constant 1 : i32
      %swap3A_533 = arith.constant 0 : i32
      %swap3A_534 = arith.constant 2 : i32
      %swap3A_535 = arith.index_cast %swap3A_531 : i32 to index
      %swap3A_536 = arith.index_cast %swap3A_532 : i32 to index
      %swap3A_537 = arith.index_cast %swap3A_533 : i32 to index
      %swap3A_538 = arith.index_cast %swap3A_534 : i32 to index
      %swap3A_539 = arith.index_cast %mul3A_381 : i32 to index
      %swap3A_540 = tpu.vector_load %arg7[%swap3A_535, %swap3A_536, %swap3A_537, %swap3A_538, %swap3A_539] {strides = array<i32>} : memref<3x3x2x8x128xf32, #tpu.memory_space<vmem>>, vector<16xf32>,
      tpu.vector_store %arg7[%swap3A_535, %swap3A_536, %swap3A_537, %swap3A_538, %swap3A_539], %select_n3A_530 {strides = array<i32>} : memref<3x3x2x8x128xf32, #tpu.memory_space<vmem>>, vector<16xf32>,
      %select_n3A_541 = arith.select %and3A_507, %mul3A_407, %broadcast_in_dim3A_6 : vector<16xi1>, vector<16xf32>
      %swap3A_542 = arith.constant 0 : i32
      %swap3A_543 = arith.constant 1 : i32
      %swap3A_544 = arith.constant 0 : i32
      %swap3A_545 = arith.constant 3 : i32
      %swap3A_546 = arith.index_cast %swap3A_542 : i32 to index
      %swap3A_547 = arith.index_cast %swap3A_543 : i32 to index
      %swap3A_548 = arith.index_cast %swap3A_544 : i32 to index
      %swap3A_549 = arith.index_cast %swap3A_545 : i32 to index
      %swap3A_550 = arith.index_cast %mul3A_381 : i32 to index
      %swap3A_551 = tpu.vector_load %arg7[%swap3A_546, %swap3A_547, %swap3A_548, %swap3A_549, %swap3A_550] {strides = array<i32>} : memref<3x3x2x8x128xf32, #tpu.memory_space<vmem>>, vector<16xf32>,
      tpu.vector_store %arg7[%swap3A_546, %swap3A_547, %swap3A_548, %swap3A_549, %swap3A_550], %select_n3A_541 {strides = array<i32>} : memref<3x3x2x8x128xf32, #tpu.memory_space<vmem>>, vector<16xf32>,
      %select_n3A_552 = arith.select %and3A_507, %mul3A_408, %broadcast_in_dim3A_6 : vector<16xi1>, vector<16xf32>
      %swap3A_553 = arith.constant 0 : i32
      %swap3A_554 = arith.constant 1 : i32
      %swap3A_555 = arith.constant 0 : i32
      %swap3A_556 = arith.constant 4 : i32
      %swap3A_557 = arith.index_cast %swap3A_553 : i32 to index
      %swap3A_558 = arith.index_cast %swap3A_554 : i32 to index
      %swap3A_559 = arith.index_cast %swap3A_555 : i32 to index
      %swap3A_560 = arith.index_cast %swap3A_556 : i32 to index
      %swap3A_561 = arith.index_cast %mul3A_381 : i32 to index
      %swap3A_562 = tpu.vector_load %arg7[%swap3A_557, %swap3A_558, %swap3A_559, %swap3A_560, %swap3A_561] {strides = array<i32>} : memref<3x3x2x8x128xf32, #tpu.memory_space<vmem>>, vector<16xf32>,
      tpu.vector_store %arg7[%swap3A_557, %swap3A_558, %swap3A_559, %swap3A_560, %swap3A_561], %select_n3A_552 {strides = array<i32>} : memref<3x3x2x8x128xf32, #tpu.memory_space<vmem>>, vector<16xf32>,
      %select_n3A_563 = arith.select %and3A_507, %mul3A_409, %broadcast_in_dim3A_6 : vector<16xi1>, vector<16xf32>
      %swap3A_564 = arith.constant 0 : i32
      %swap3A_565 = arith.constant 1 : i32
      %swap3A_566 = arith.constant 0 : i32
      %swap3A_567 = arith.constant 5 : i32
      %swap3A_568 = arith.index_cast %swap3A_564 : i32 to index
      %swap3A_569 = arith.index_cast %swap3A_565 : i32 to index
      %swap3A_570 = arith.index_cast %swap3A_566 : i32 to index
      %swap3A_571 = arith.index_cast %swap3A_567 : i32 to index
      %swap3A_572 = arith.index_cast %mul3A_381 : i32 to index
      %swap3A_573 = tpu.vector_load %arg7[%swap3A_568, %swap3A_569, %swap3A_570, %swap3A_571, %swap3A_572] {strides = array<i32>} : memref<3x3x2x8x128xf32, #tpu.memory_space<vmem>>, vector<16xf32>,
      tpu.vector_store %arg7[%swap3A_568, %swap3A_569, %swap3A_570, %swap3A_571, %swap3A_572], %select_n3A_563 {strides = array<i32>} : memref<3x3x2x8x128xf32, #tpu.memory_space<vmem>>, vector<16xf32>,
      %select_n3A_574 = arith.select %and3A_507, %broadcast_in_dim3A_356, %broadcast_in_dim3A_6 : vector<16xi1>, vector<16xf32>
      %swap3A_575 = arith.constant 0 : i32
      %swap3A_576 = arith.constant 1 : i32
      %swap3A_577 = arith.constant 0 : i32
      %swap3A_578 = arith.constant 6 : i32
      %swap3A_579 = arith.index_cast %swap3A_575 : i32 to index
      %swap3A_580 = arith.index_cast %swap3A_576 : i32 to index
      %swap3A_581 = arith.index_cast %swap3A_577 : i32 to index
      %swap3A_582 = arith.index_cast %swap3A_578 : i32 to index
      %swap3A_583 = arith.index_cast %mul3A_381 : i32 to index
      %swap3A_584 = tpu.vector_load %arg7[%swap3A_579, %swap3A_580, %swap3A_581, %swap3A_582, %swap3A_583] {strides = array<i32>} : memref<3x3x2x8x128xf32, #tpu.memory_space<vmem>>, vector<16xf32>,
      tpu.vector_store %arg7[%swap3A_579, %swap3A_580, %swap3A_581, %swap3A_582, %swap3A_583], %select_n3A_574 {strides = array<i32>} : memref<3x3x2x8x128xf32, #tpu.memory_space<vmem>>, vector<16xf32>,
      %swap3A_585 = arith.constant 0 : i32
      %swap3A_586 = arith.constant 1 : i32
      %swap3A_587 = arith.constant 0 : i32
      %swap3A_588 = arith.constant 7 : i32
      %swap3A_589 = arith.index_cast %swap3A_585 : i32 to index
      %swap3A_590 = arith.index_cast %swap3A_586 : i32 to index
      %swap3A_591 = arith.index_cast %swap3A_587 : i32 to index
      %swap3A_592 = arith.index_cast %swap3A_588 : i32 to index
      %swap3A_593 = arith.index_cast %mul3A_381 : i32 to index
      %swap3A_594 = tpu.vector_load %arg7[%swap3A_589, %swap3A_590, %swap3A_591, %swap3A_592, %swap3A_593] {strides = array<i32>} : memref<3x3x2x8x128xf32, #tpu.memory_space<vmem>>, vector<16xf32>,
      tpu.vector_store %arg7[%swap3A_589, %swap3A_590, %swap3A_591, %swap3A_592, %swap3A_593], %broadcast_in_dim3A_6 {strides = array<i32>} : memref<3x3x2x8x128xf32, #tpu.memory_space<vmem>>, vector<16xf32>,
      %lt3A_595 = arith.cmpf olt, %get3A_401, %mul3A_111 : vector<16xf32>
      %lt3A_596 = arith.cmpf olt, %mul3A_114, %get3A_401 : vector<16xf32>
      %and3A_597 = arith.andi %lt3A_595, %lt3A_596 : vector<16xi1>
      %lt3A_598 = arith.cmpf olt, %get3A_405, %mul3A_117 : vector<16xf32>
      %and3A_599 = arith.andi %and3A_597, %lt3A_598 : vector<16xi1>
      %lt3A_600 = arith.cmpf olt, %mul3A_120, %get3A_405 : vector<16xf32>
      %and3A_601 = arith.andi %and3A_599, %lt3A_600 : vector<16xi1>
      %select_n3A_602 = arith.select %and3A_601, %get3A_385, %broadcast_in_dim3A_6 : vector<16xi1>, vector<16xf32>
      %swap3A_603 = arith.constant 0 : i32
      %swap3A_604 = arith.constant 2 : i32
      %swap3A_605 = arith.constant 0 : i32
      %swap3A_606 = arith.constant 0 : i32
      %swap3A_607 = arith.index_cast %swap3A_603 : i32 to index
      %swap3A_608 = arith.index_cast %swap3A_604 : i32 to index
      %swap3A_609 = arith.index_cast %swap3A_605 : i32 to index
      %swap3A_610 = arith.index_cast %swap3A_606 : i32 to index
      %swap3A_611 = arith.index_cast %mul3A_381 : i32 to index
      %swap3A_612 = tpu.vector_load %arg7[%swap3A_607, %swap3A_608, %swap3A_609, %swap3A_610, %swap3A_611] {strides = array<i32>} : memref<3x3x2x8x128xf32, #tpu.memory_space<vmem>>, vector<16xf32>,
      tpu.vector_store %arg7[%swap3A_607, %swap3A_608, %swap3A_609, %swap3A_610, %swap3A_611], %select_n3A_602 {strides = array<i32>} : memref<3x3x2x8x128xf32, #tpu.memory_space<vmem>>, vector<16xf32>,
      %select_n3A_613 = arith.select %and3A_601, %get3A_389, %broadcast_in_dim3A_6 : vector<16xi1>, vector<16xf32>
      %swap3A_614 = arith.constant 0 : i32
      %swap3A_615 = arith.constant 2 : i32
      %swap3A_616 = arith.constant 0 : i32
      %swap3A_617 = arith.constant 1 : i32
      %swap3A_618 = arith.index_cast %swap3A_614 : i32 to index
      %swap3A_619 = arith.index_cast %swap3A_615 : i32 to index
      %swap3A_620 = arith.index_cast %swap3A_616 : i32 to index
      %swap3A_621 = arith.index_cast %swap3A_617 : i32 to index
      %swap3A_622 = arith.index_cast %mul3A_381 : i32 to index
      %swap3A_623 = tpu.vector_load %arg7[%swap3A_618, %swap3A_619, %swap3A_620, %swap3A_621, %swap3A_622] {strides = array<i32>} : memref<3x3x2x8x128xf32, #tpu.memory_space<vmem>>, vector<16xf32>,
      tpu.vector_store %arg7[%swap3A_618, %swap3A_619, %swap3A_620, %swap3A_621, %swap3A_622], %select_n3A_613 {strides = array<i32>} : memref<3x3x2x8x128xf32, #tpu.memory_space<vmem>>, vector<16xf32>,
      %select_n3A_624 = arith.select %and3A_601, %mul3A_406, %broadcast_in_dim3A_6 : vector<16xi1>, vector<16xf32>
      %swap3A_625 = arith.constant 0 : i32
      %swap3A_626 = arith.constant 2 : i32
      %swap3A_627 = arith.constant 0 : i32
      %swap3A_628 = arith.constant 2 : i32
      %swap3A_629 = arith.index_cast %swap3A_625 : i32 to index
      %swap3A_630 = arith.index_cast %swap3A_626 : i32 to index
      %swap3A_631 = arith.index_cast %swap3A_627 : i32 to index
      %swap3A_632 = arith.index_cast %swap3A_628 : i32 to index
      %swap3A_633 = arith.index_cast %mul3A_381 : i32 to index
      %swap3A_634 = tpu.vector_load %arg7[%swap3A_629, %swap3A_630, %swap3A_631, %swap3A_632, %swap3A_633] {strides = array<i32>} : memref<3x3x2x8x128xf32, #tpu.memory_space<vmem>>, vector<16xf32>,
      tpu.vector_store %arg7[%swap3A_629, %swap3A_630, %swap3A_631, %swap3A_632, %swap3A_633], %select_n3A_624 {strides = array<i32>} : memref<3x3x2x8x128xf32, #tpu.memory_space<vmem>>, vector<16xf32>,
      %select_n3A_635 = arith.select %and3A_601, %mul3A_407, %broadcast_in_dim3A_6 : vector<16xi1>, vector<16xf32>
      %swap3A_636 = arith.constant 0 : i32
      %swap3A_637 = arith.constant 2 : i32
      %swap3A_638 = arith.constant 0 : i32
      %swap3A_639 = arith.constant 3 : i32
      %swap3A_640 = arith.index_cast %swap3A_636 : i32 to index
      %swap3A_641 = arith.index_cast %swap3A_637 : i32 to index
      %swap3A_642 = arith.index_cast %swap3A_638 : i32 to index
      %swap3A_643 = arith.index_cast %swap3A_639 : i32 to index
      %swap3A_644 = arith.index_cast %mul3A_381 : i32 to index
      %swap3A_645 = tpu.vector_load %arg7[%swap3A_640, %swap3A_641, %swap3A_642, %swap3A_643, %swap3A_644] {strides = array<i32>} : memref<3x3x2x8x128xf32, #tpu.memory_space<vmem>>, vector<16xf32>,
      tpu.vector_store %arg7[%swap3A_640, %swap3A_641, %swap3A_642, %swap3A_643, %swap3A_644], %select_n3A_635 {strides = array<i32>} : memref<3x3x2x8x128xf32, #tpu.memory_space<vmem>>, vector<16xf32>,
      %select_n3A_646 = arith.select %and3A_601, %mul3A_408, %broadcast_in_dim3A_6 : vector<16xi1>, vector<16xf32>
      %swap3A_647 = arith.constant 0 : i32
      %swap3A_648 = arith.constant 2 : i32
      %swap3A_649 = arith.constant 0 : i32
      %swap3A_650 = arith.constant 4 : i32
      %swap3A_651 = arith.index_cast %swap3A_647 : i32 to index
      %swap3A_652 = arith.index_cast %swap3A_648 : i32 to index
      %swap3A_653 = arith.index_cast %swap3A_649 : i32 to index
      %swap3A_654 = arith.index_cast %swap3A_650 : i32 to index
      %swap3A_655 = arith.index_cast %mul3A_381 : i32 to index
      %swap3A_656 = tpu.vector_load %arg7[%swap3A_651, %swap3A_652, %swap3A_653, %swap3A_654, %swap3A_655] {strides = array<i32>} : memref<3x3x2x8x128xf32, #tpu.memory_space<vmem>>, vector<16xf32>,
      tpu.vector_store %arg7[%swap3A_651, %swap3A_652, %swap3A_653, %swap3A_654, %swap3A_655], %select_n3A_646 {strides = array<i32>} : memref<3x3x2x8x128xf32, #tpu.memory_space<vmem>>, vector<16xf32>,
      %select_n3A_657 = arith.select %and3A_601, %mul3A_409, %broadcast_in_dim3A_6 : vector<16xi1>, vector<16xf32>
      %swap3A_658 = arith.constant 0 : i32
      %swap3A_659 = arith.constant 2 : i32
      %swap3A_660 = arith.constant 0 : i32
      %swap3A_661 = arith.constant 5 : i32
      %swap3A_662 = arith.index_cast %swap3A_658 : i32 to index
      %swap3A_663 = arith.index_cast %swap3A_659 : i32 to index
      %swap3A_664 = arith.index_cast %swap3A_660 : i32 to index
      %swap3A_665 = arith.index_cast %swap3A_661 : i32 to index
      %swap3A_666 = arith.index_cast %mul3A_381 : i32 to index
      %swap3A_667 = tpu.vector_load %arg7[%swap3A_662, %swap3A_663, %swap3A_664, %swap3A_665, %swap3A_666] {strides = array<i32>} : memref<3x3x2x8x128xf32, #tpu.memory_space<vmem>>, vector<16xf32>,
      tpu.vector_store %arg7[%swap3A_662, %swap3A_663, %swap3A_664, %swap3A_665, %swap3A_666], %select_n3A_657 {strides = array<i32>} : memref<3x3x2x8x128xf32, #tpu.memory_space<vmem>>, vector<16xf32>,
      %select_n3A_668 = arith.select %and3A_601, %broadcast_in_dim3A_358, %broadcast_in_dim3A_6 : vector<16xi1>, vector<16xf32>
      %swap3A_669 = arith.constant 0 : i32
      %swap3A_670 = arith.constant 2 : i32
      %swap3A_671 = arith.constant 0 : i32
      %swap3A_672 = arith.constant 6 : i32
      %swap3A_673 = arith.index_cast %swap3A_669 : i32 to index
      %swap3A_674 = arith.index_cast %swap3A_670 : i32 to index
      %swap3A_675 = arith.index_cast %swap3A_671 : i32 to index
      %swap3A_676 = arith.index_cast %swap3A_672 : i32 to index
      %swap3A_677 = arith.index_cast %mul3A_381 : i32 to index
      %swap3A_678 = tpu.vector_load %arg7[%swap3A_673, %swap3A_674, %swap3A_675, %swap3A_676, %swap3A_677] {strides = array<i32>} : memref<3x3x2x8x128xf32, #tpu.memory_space<vmem>>, vector<16xf32>,
      tpu.vector_store %arg7[%swap3A_673, %swap3A_674, %swap3A_675, %swap3A_676, %swap3A_677], %select_n3A_668 {strides = array<i32>} : memref<3x3x2x8x128xf32, #tpu.memory_space<vmem>>, vector<16xf32>,
      %swap3A_679 = arith.constant 0 : i32
      %swap3A_680 = arith.constant 2 : i32
      %swap3A_681 = arith.constant 0 : i32
      %swap3A_682 = arith.constant 7 : i32
      %swap3A_683 = arith.index_cast %swap3A_679 : i32 to index
      %swap3A_684 = arith.index_cast %swap3A_680 : i32 to index
      %swap3A_685 = arith.index_cast %swap3A_681 : i32 to index
      %swap3A_686 = arith.index_cast %swap3A_682 : i32 to index
      %swap3A_687 = arith.index_cast %mul3A_381 : i32 to index
      %swap3A_688 = tpu.vector_load %arg7[%swap3A_683, %swap3A_684, %swap3A_685, %swap3A_686, %swap3A_687] {strides = array<i32>} : memref<3x3x2x8x128xf32, #tpu.memory_space<vmem>>, vector<16xf32>,
      tpu.vector_store %arg7[%swap3A_683, %swap3A_684, %swap3A_685, %swap3A_686, %swap3A_687], %broadcast_in_dim3A_6 {strides = array<i32>} : memref<3x3x2x8x128xf32, #tpu.memory_space<vmem>>, vector<16xf32>,
      %mul3A_689 = arith.mulf %get3A_393, %div3A_134 : vector<16xf32>
      %mul3A_690 = arith.mulf %get3A_397, %div3A_134 : vector<16xf32>
      %mul3A_691 = arith.mulf %get3A_401, %div3A_134 : vector<16xf32>
      %mul3A_692 = arith.mulf %get3A_405, %div3A_134 : vector<16xf32>
      %lt3A_693 = arith.cmpf olt, %get3A_401, %mul3A_159 : vector<16xf32>
      %lt3A_694 = arith.cmpf olt, %mul3A_162, %get3A_401 : vector<16xf32>
      %and3A_695 = arith.andi %lt3A_693, %lt3A_694 : vector<16xi1>
      %lt3A_696 = arith.cmpf olt, %get3A_405, %mul3A_165 : vector<16xf32>
      %and3A_697 = arith.andi %and3A_695, %lt3A_696 : vector<16xi1>
      %lt3A_698 = arith.cmpf olt, %mul3A_168, %get3A_405 : vector<16xf32>
      %and3A_699 = arith.andi %and3A_697, %lt3A_698 : vector<16xi1>
      %select_n3A_700 = arith.select %and3A_699, %get3A_385, %broadcast_in_dim3A_6 : vector<16xi1>, vector<16xf32>
      %swap3A_701 = arith.constant 1 : i32
      %swap3A_702 = arith.constant 0 : i32
      %swap3A_703 = arith.constant 0 : i32
      %swap3A_704 = arith.constant 0 : i32
      %swap3A_705 = arith.index_cast %swap3A_701 : i32 to index
      %swap3A_706 = arith.index_cast %swap3A_702 : i32 to index
      %swap3A_707 = arith.index_cast %swap3A_703 : i32 to index
      %swap3A_708 = arith.index_cast %swap3A_704 : i32 to index
      %swap3A_709 = arith.index_cast %mul3A_381 : i32 to index
      %swap3A_710 = tpu.vector_load %arg7[%swap3A_705, %swap3A_706, %swap3A_707, %swap3A_708, %swap3A_709] {strides = array<i32>} : memref<3x3x2x8x128xf32, #tpu.memory_space<vmem>>, vector<16xf32>,
      tpu.vector_store %arg7[%swap3A_705, %swap3A_706, %swap3A_707, %swap3A_708, %swap3A_709], %select_n3A_700 {strides = array<i32>} : memref<3x3x2x8x128xf32, #tpu.memory_space<vmem>>, vector<16xf32>,
      %select_n3A_711 = arith.select %and3A_699, %get3A_389, %broadcast_in_dim3A_6 : vector<16xi1>, vector<16xf32>
      %swap3A_712 = arith.constant 1 : i32
      %swap3A_713 = arith.constant 0 : i32
      %swap3A_714 = arith.constant 0 : i32
      %swap3A_715 = arith.constant 1 : i32
      %swap3A_716 = arith.index_cast %swap3A_712 : i32 to index
      %swap3A_717 = arith.index_cast %swap3A_713 : i32 to index
      %swap3A_718 = arith.index_cast %swap3A_714 : i32 to index
      %swap3A_719 = arith.index_cast %swap3A_715 : i32 to index
      %swap3A_720 = arith.index_cast %mul3A_381 : i32 to index
      %swap3A_721 = tpu.vector_load %arg7[%swap3A_716, %swap3A_717, %swap3A_718, %swap3A_719, %swap3A_720] {strides = array<i32>} : memref<3x3x2x8x128xf32, #tpu.memory_space<vmem>>, vector<16xf32>,
      tpu.vector_store %arg7[%swap3A_716, %swap3A_717, %swap3A_718, %swap3A_719, %swap3A_720], %select_n3A_711 {strides = array<i32>} : memref<3x3x2x8x128xf32, #tpu.memory_space<vmem>>, vector<16xf32>,
      %select_n3A_722 = arith.select %and3A_699, %mul3A_689, %broadcast_in_dim3A_6 : vector<16xi1>, vector<16xf32>
      %swap3A_723 = arith.constant 1 : i32
      %swap3A_724 = arith.constant 0 : i32
      %swap3A_725 = arith.constant 0 : i32
      %swap3A_726 = arith.constant 2 : i32
      %swap3A_727 = arith.index_cast %swap3A_723 : i32 to index
      %swap3A_728 = arith.index_cast %swap3A_724 : i32 to index
      %swap3A_729 = arith.index_cast %swap3A_725 : i32 to index
      %swap3A_730 = arith.index_cast %swap3A_726 : i32 to index
      %swap3A_731 = arith.index_cast %mul3A_381 : i32 to index
      %swap3A_732 = tpu.vector_load %arg7[%swap3A_727, %swap3A_728, %swap3A_729, %swap3A_730, %swap3A_731] {strides = array<i32>} : memref<3x3x2x8x128xf32, #tpu.memory_space<vmem>>, vector<16xf32>,
      tpu.vector_store %arg7[%swap3A_727, %swap3A_728, %swap3A_729, %swap3A_730, %swap3A_731], %select_n3A_722 {strides = array<i32>} : memref<3x3x2x8x128xf32, #tpu.memory_space<vmem>>, vector<16xf32>,
      %select_n3A_733 = arith.select %and3A_699, %mul3A_690, %broadcast_in_dim3A_6 : vector<16xi1>, vector<16xf32>
      %swap3A_734 = arith.constant 1 : i32
      %swap3A_735 = arith.constant 0 : i32
      %swap3A_736 = arith.constant 0 : i32
      %swap3A_737 = arith.constant 3 : i32
      %swap3A_738 = arith.index_cast %swap3A_734 : i32 to index
      %swap3A_739 = arith.index_cast %swap3A_735 : i32 to index
      %swap3A_740 = arith.index_cast %swap3A_736 : i32 to index
      %swap3A_741 = arith.index_cast %swap3A_737 : i32 to index
      %swap3A_742 = arith.index_cast %mul3A_381 : i32 to index
      %swap3A_743 = tpu.vector_load %arg7[%swap3A_738, %swap3A_739, %swap3A_740, %swap3A_741, %swap3A_742] {strides = array<i32>} : memref<3x3x2x8x128xf32, #tpu.memory_space<vmem>>, vector<16xf32>,
      tpu.vector_store %arg7[%swap3A_738, %swap3A_739, %swap3A_740, %swap3A_741, %swap3A_742], %select_n3A_733 {strides = array<i32>} : memref<3x3x2x8x128xf32, #tpu.memory_space<vmem>>, vector<16xf32>,
      %select_n3A_744 = arith.select %and3A_699, %mul3A_691, %broadcast_in_dim3A_6 : vector<16xi1>, vector<16xf32>
      %swap3A_745 = arith.constant 1 : i32
      %swap3A_746 = arith.constant 0 : i32
      %swap3A_747 = arith.constant 0 : i32
      %swap3A_748 = arith.constant 4 : i32
      %swap3A_749 = arith.index_cast %swap3A_745 : i32 to index
      %swap3A_750 = arith.index_cast %swap3A_746 : i32 to index
      %swap3A_751 = arith.index_cast %swap3A_747 : i32 to index
      %swap3A_752 = arith.index_cast %swap3A_748 : i32 to index
      %swap3A_753 = arith.index_cast %mul3A_381 : i32 to index
      %swap3A_754 = tpu.vector_load %arg7[%swap3A_749, %swap3A_750, %swap3A_751, %swap3A_752, %swap3A_753] {strides = array<i32>} : memref<3x3x2x8x128xf32, #tpu.memory_space<vmem>>, vector<16xf32>,
      tpu.vector_store %arg7[%swap3A_749, %swap3A_750, %swap3A_751, %swap3A_752, %swap3A_753], %select_n3A_744 {strides = array<i32>} : memref<3x3x2x8x128xf32, #tpu.memory_space<vmem>>, vector<16xf32>,
      %select_n3A_755 = arith.select %and3A_699, %mul3A_692, %broadcast_in_dim3A_6 : vector<16xi1>, vector<16xf32>
      %swap3A_756 = arith.constant 1 : i32
      %swap3A_757 = arith.constant 0 : i32
      %swap3A_758 = arith.constant 0 : i32
      %swap3A_759 = arith.constant 5 : i32
      %swap3A_760 = arith.index_cast %swap3A_756 : i32 to index
      %swap3A_761 = arith.index_cast %swap3A_757 : i32 to index
      %swap3A_762 = arith.index_cast %swap3A_758 : i32 to index
      %swap3A_763 = arith.index_cast %swap3A_759 : i32 to index
      %swap3A_764 = arith.index_cast %mul3A_381 : i32 to index
      %swap3A_765 = tpu.vector_load %arg7[%swap3A_760, %swap3A_761, %swap3A_762, %swap3A_763, %swap3A_764] {strides = array<i32>} : memref<3x3x2x8x128xf32, #tpu.memory_space<vmem>>, vector<16xf32>,
      tpu.vector_store %arg7[%swap3A_760, %swap3A_761, %swap3A_762, %swap3A_763, %swap3A_764], %select_n3A_755 {strides = array<i32>} : memref<3x3x2x8x128xf32, #tpu.memory_space<vmem>>, vector<16xf32>,
      %select_n3A_766 = arith.select %and3A_699, %broadcast_in_dim3A_354, %broadcast_in_dim3A_6 : vector<16xi1>, vector<16xf32>
      %swap3A_767 = arith.constant 1 : i32
      %swap3A_768 = arith.constant 0 : i32
      %swap3A_769 = arith.constant 0 : i32
      %swap3A_770 = arith.constant 6 : i32
      %swap3A_771 = arith.index_cast %swap3A_767 : i32 to index
      %swap3A_772 = arith.index_cast %swap3A_768 : i32 to index
      %swap3A_773 = arith.index_cast %swap3A_769 : i32 to index
      %swap3A_774 = arith.index_cast %swap3A_770 : i32 to index
      %swap3A_775 = arith.index_cast %mul3A_381 : i32 to index
      %swap3A_776 = tpu.vector_load %arg7[%swap3A_771, %swap3A_772, %swap3A_773, %swap3A_774, %swap3A_775] {strides = array<i32>} : memref<3x3x2x8x128xf32, #tpu.memory_space<vmem>>, vector<16xf32>,
      tpu.vector_store %arg7[%swap3A_771, %swap3A_772, %swap3A_773, %swap3A_774, %swap3A_775], %select_n3A_766 {strides = array<i32>} : memref<3x3x2x8x128xf32, #tpu.memory_space<vmem>>, vector<16xf32>,
      %swap3A_777 = arith.constant 1 : i32
      %swap3A_778 = arith.constant 0 : i32
      %swap3A_779 = arith.constant 0 : i32
      %swap3A_780 = arith.constant 7 : i32
      %swap3A_781 = arith.index_cast %swap3A_777 : i32 to index
      %swap3A_782 = arith.index_cast %swap3A_778 : i32 to index
      %swap3A_783 = arith.index_cast %swap3A_779 : i32 to index
      %swap3A_784 = arith.index_cast %swap3A_780 : i32 to index
      %swap3A_785 = arith.index_cast %mul3A_381 : i32 to index
      %swap3A_786 = tpu.vector_load %arg7[%swap3A_781, %swap3A_782, %swap3A_783, %swap3A_784, %swap3A_785] {strides = array<i32>} : memref<3x3x2x8x128xf32, #tpu.memory_space<vmem>>, vector<16xf32>,
      tpu.vector_store %arg7[%swap3A_781, %swap3A_782, %swap3A_783, %swap3A_784, %swap3A_785], %broadcast_in_dim3A_6 {strides = array<i32>} : memref<3x3x2x8x128xf32, #tpu.memory_space<vmem>>, vector<16xf32>,
      %lt3A_787 = arith.cmpf olt, %get3A_401, %mul3A_193 : vector<16xf32>
      %lt3A_788 = arith.cmpf olt, %mul3A_196, %get3A_401 : vector<16xf32>
      %and3A_789 = arith.andi %lt3A_787, %lt3A_788 : vector<16xi1>
      %lt3A_790 = arith.cmpf olt, %get3A_405, %mul3A_199 : vector<16xf32>
      %and3A_791 = arith.andi %and3A_789, %lt3A_790 : vector<16xi1>
      %lt3A_792 = arith.cmpf olt, %mul3A_202, %get3A_405 : vector<16xf32>
      %and3A_793 = arith.andi %and3A_791, %lt3A_792 : vector<16xi1>
      %select_n3A_794 = arith.select %and3A_793, %get3A_385, %broadcast_in_dim3A_6 : vector<16xi1>, vector<16xf32>
      %swap3A_795 = arith.constant 1 : i32
      %swap3A_796 = arith.constant 1 : i32
      %swap3A_797 = arith.constant 0 : i32
      %swap3A_798 = arith.constant 0 : i32
      %swap3A_799 = arith.index_cast %swap3A_795 : i32 to index
      %swap3A_800 = arith.index_cast %swap3A_796 : i32 to index
      %swap3A_801 = arith.index_cast %swap3A_797 : i32 to index
      %swap3A_802 = arith.index_cast %swap3A_798 : i32 to index
      %swap3A_803 = arith.index_cast %mul3A_381 : i32 to index
      %swap3A_804 = tpu.vector_load %arg7[%swap3A_799, %swap3A_800, %swap3A_801, %swap3A_802, %swap3A_803] {strides = array<i32>} : memref<3x3x2x8x128xf32, #tpu.memory_space<vmem>>, vector<16xf32>,
      tpu.vector_store %arg7[%swap3A_799, %swap3A_800, %swap3A_801, %swap3A_802, %swap3A_803], %select_n3A_794 {strides = array<i32>} : memref<3x3x2x8x128xf32, #tpu.memory_space<vmem>>, vector<16xf32>,
      %select_n3A_805 = arith.select %and3A_793, %get3A_389, %broadcast_in_dim3A_6 : vector<16xi1>, vector<16xf32>
      %swap3A_806 = arith.constant 1 : i32
      %swap3A_807 = arith.constant 1 : i32
      %swap3A_808 = arith.constant 0 : i32
      %swap3A_809 = arith.constant 1 : i32
      %swap3A_810 = arith.index_cast %swap3A_806 : i32 to index
      %swap3A_811 = arith.index_cast %swap3A_807 : i32 to index
      %swap3A_812 = arith.index_cast %swap3A_808 : i32 to index
      %swap3A_813 = arith.index_cast %swap3A_809 : i32 to index
      %swap3A_814 = arith.index_cast %mul3A_381 : i32 to index
      %swap3A_815 = tpu.vector_load %arg7[%swap3A_810, %swap3A_811, %swap3A_812, %swap3A_813, %swap3A_814] {strides = array<i32>} : memref<3x3x2x8x128xf32, #tpu.memory_space<vmem>>, vector<16xf32>,
      tpu.vector_store %arg7[%swap3A_810, %swap3A_811, %swap3A_812, %swap3A_813, %swap3A_814], %select_n3A_805 {strides = array<i32>} : memref<3x3x2x8x128xf32, #tpu.memory_space<vmem>>, vector<16xf32>,
      %select_n3A_816 = arith.select %and3A_793, %mul3A_689, %broadcast_in_dim3A_6 : vector<16xi1>, vector<16xf32>
      %swap3A_817 = arith.constant 1 : i32
      %swap3A_818 = arith.constant 1 : i32
      %swap3A_819 = arith.constant 0 : i32
      %swap3A_820 = arith.constant 2 : i32
      %swap3A_821 = arith.index_cast %swap3A_817 : i32 to index
      %swap3A_822 = arith.index_cast %swap3A_818 : i32 to index
      %swap3A_823 = arith.index_cast %swap3A_819 : i32 to index
      %swap3A_824 = arith.index_cast %swap3A_820 : i32 to index
      %swap3A_825 = arith.index_cast %mul3A_381 : i32 to index
      %swap3A_826 = tpu.vector_load %arg7[%swap3A_821, %swap3A_822, %swap3A_823, %swap3A_824, %swap3A_825] {strides = array<i32>} : memref<3x3x2x8x128xf32, #tpu.memory_space<vmem>>, vector<16xf32>,
      tpu.vector_store %arg7[%swap3A_821, %swap3A_822, %swap3A_823, %swap3A_824, %swap3A_825], %select_n3A_816 {strides = array<i32>} : memref<3x3x2x8x128xf32, #tpu.memory_space<vmem>>, vector<16xf32>,
      %select_n3A_827 = arith.select %and3A_793, %mul3A_690, %broadcast_in_dim3A_6 : vector<16xi1>, vector<16xf32>
      %swap3A_828 = arith.constant 1 : i32
      %swap3A_829 = arith.constant 1 : i32
      %swap3A_830 = arith.constant 0 : i32
      %swap3A_831 = arith.constant 3 : i32
      %swap3A_832 = arith.index_cast %swap3A_828 : i32 to index
      %swap3A_833 = arith.index_cast %swap3A_829 : i32 to index
      %swap3A_834 = arith.index_cast %swap3A_830 : i32 to index
      %swap3A_835 = arith.index_cast %swap3A_831 : i32 to index
      %swap3A_836 = arith.index_cast %mul3A_381 : i32 to index
      %swap3A_837 = tpu.vector_load %arg7[%swap3A_832, %swap3A_833, %swap3A_834, %swap3A_835, %swap3A_836] {strides = array<i32>} : memref<3x3x2x8x128xf32, #tpu.memory_space<vmem>>, vector<16xf32>,
      tpu.vector_store %arg7[%swap3A_832, %swap3A_833, %swap3A_834, %swap3A_835, %swap3A_836], %select_n3A_827 {strides = array<i32>} : memref<3x3x2x8x128xf32, #tpu.memory_space<vmem>>, vector<16xf32>,
      %select_n3A_838 = arith.select %and3A_793, %mul3A_691, %broadcast_in_dim3A_6 : vector<16xi1>, vector<16xf32>
      %swap3A_839 = arith.constant 1 : i32
      %swap3A_840 = arith.constant 1 : i32
      %swap3A_841 = arith.constant 0 : i32
      %swap3A_842 = arith.constant 4 : i32
      %swap3A_843 = arith.index_cast %swap3A_839 : i32 to index
      %swap3A_844 = arith.index_cast %swap3A_840 : i32 to index
      %swap3A_845 = arith.index_cast %swap3A_841 : i32 to index
      %swap3A_846 = arith.index_cast %swap3A_842 : i32 to index
      %swap3A_847 = arith.index_cast %mul3A_381 : i32 to index
      %swap3A_848 = tpu.vector_load %arg7[%swap3A_843, %swap3A_844, %swap3A_845, %swap3A_846, %swap3A_847] {strides = array<i32>} : memref<3x3x2x8x128xf32, #tpu.memory_space<vmem>>, vector<16xf32>,
      tpu.vector_store %arg7[%swap3A_843, %swap3A_844, %swap3A_845, %swap3A_846, %swap3A_847], %select_n3A_838 {strides = array<i32>} : memref<3x3x2x8x128xf32, #tpu.memory_space<vmem>>, vector<16xf32>,
      %select_n3A_849 = arith.select %and3A_793, %mul3A_692, %broadcast_in_dim3A_6 : vector<16xi1>, vector<16xf32>
      %swap3A_850 = arith.constant 1 : i32
      %swap3A_851 = arith.constant 1 : i32
      %swap3A_852 = arith.constant 0 : i32
      %swap3A_853 = arith.constant 5 : i32
      %swap3A_854 = arith.index_cast %swap3A_850 : i32 to index
      %swap3A_855 = arith.index_cast %swap3A_851 : i32 to index
      %swap3A_856 = arith.index_cast %swap3A_852 : i32 to index
      %swap3A_857 = arith.index_cast %swap3A_853 : i32 to index
      %swap3A_858 = arith.index_cast %mul3A_381 : i32 to index
      %swap3A_859 = tpu.vector_load %arg7[%swap3A_854, %swap3A_855, %swap3A_856, %swap3A_857, %swap3A_858] {strides = array<i32>} : memref<3x3x2x8x128xf32, #tpu.memory_space<vmem>>, vector<16xf32>,
      tpu.vector_store %arg7[%swap3A_854, %swap3A_855, %swap3A_856, %swap3A_857, %swap3A_858], %select_n3A_849 {strides = array<i32>} : memref<3x3x2x8x128xf32, #tpu.memory_space<vmem>>, vector<16xf32>,
      %select_n3A_860 = arith.select %and3A_793, %broadcast_in_dim3A_356, %broadcast_in_dim3A_6 : vector<16xi1>, vector<16xf32>
      %swap3A_861 = arith.constant 1 : i32
      %swap3A_862 = arith.constant 1 : i32
      %swap3A_863 = arith.constant 0 : i32
      %swap3A_864 = arith.constant 6 : i32
      %swap3A_865 = arith.index_cast %swap3A_861 : i32 to index
      %swap3A_866 = arith.index_cast %swap3A_862 : i32 to index
      %swap3A_867 = arith.index_cast %swap3A_863 : i32 to index
      %swap3A_868 = arith.index_cast %swap3A_864 : i32 to index
      %swap3A_869 = arith.index_cast %mul3A_381 : i32 to index
      %swap3A_870 = tpu.vector_load %arg7[%swap3A_865, %swap3A_866, %swap3A_867, %swap3A_868, %swap3A_869] {strides = array<i32>} : memref<3x3x2x8x128xf32, #tpu.memory_space<vmem>>, vector<16xf32>,
      tpu.vector_store %arg7[%swap3A_865, %swap3A_866, %swap3A_867, %swap3A_868, %swap3A_869], %select_n3A_860 {strides = array<i32>} : memref<3x3x2x8x128xf32, #tpu.memory_space<vmem>>, vector<16xf32>,
      %swap3A_871 = arith.constant 1 : i32
      %swap3A_872 = arith.constant 1 : i32
      %swap3A_873 = arith.constant 0 : i32
      %swap3A_874 = arith.constant 7 : i32
      %swap3A_875 = arith.index_cast %swap3A_871 : i32 to index
      %swap3A_876 = arith.index_cast %swap3A_872 : i32 to index
      %swap3A_877 = arith.index_cast %swap3A_873 : i32 to index
      %swap3A_878 = arith.index_cast %swap3A_874 : i32 to index
      %swap3A_879 = arith.index_cast %mul3A_381 : i32 to index
      %swap3A_880 = tpu.vector_load %arg7[%swap3A_875, %swap3A_876, %swap3A_877, %swap3A_878, %swap3A_879] {strides = array<i32>} : memref<3x3x2x8x128xf32, #tpu.memory_space<vmem>>, vector<16xf32>,
      tpu.vector_store %arg7[%swap3A_875, %swap3A_876, %swap3A_877, %swap3A_878, %swap3A_879], %broadcast_in_dim3A_6 {strides = array<i32>} : memref<3x3x2x8x128xf32, #tpu.memory_space<vmem>>, vector<16xf32>,
      %lt3A_881 = arith.cmpf olt, %get3A_401, %mul3A_227 : vector<16xf32>
      %lt3A_882 = arith.cmpf olt, %mul3A_230, %get3A_401 : vector<16xf32>
      %and3A_883 = arith.andi %lt3A_881, %lt3A_882 : vector<16xi1>
      %lt3A_884 = arith.cmpf olt, %get3A_405, %mul3A_233 : vector<16xf32>
      %and3A_885 = arith.andi %and3A_883, %lt3A_884 : vector<16xi1>
      %lt3A_886 = arith.cmpf olt, %mul3A_236, %get3A_405 : vector<16xf32>
      %and3A_887 = arith.andi %and3A_885, %lt3A_886 : vector<16xi1>
      %select_n3A_888 = arith.select %and3A_887, %get3A_385, %broadcast_in_dim3A_6 : vector<16xi1>, vector<16xf32>
      %swap3A_889 = arith.constant 1 : i32
      %swap3A_890 = arith.constant 2 : i32
      %swap3A_891 = arith.constant 0 : i32
      %swap3A_892 = arith.constant 0 : i32
      %swap3A_893 = arith.index_cast %swap3A_889 : i32 to index
      %swap3A_894 = arith.index_cast %swap3A_890 : i32 to index
      %swap3A_895 = arith.index_cast %swap3A_891 : i32 to index
      %swap3A_896 = arith.index_cast %swap3A_892 : i32 to index
      %swap3A_897 = arith.index_cast %mul3A_381 : i32 to index
      %swap3A_898 = tpu.vector_load %arg7[%swap3A_893, %swap3A_894, %swap3A_895, %swap3A_896, %swap3A_897] {strides = array<i32>} : memref<3x3x2x8x128xf32, #tpu.memory_space<vmem>>, vector<16xf32>,
      tpu.vector_store %arg7[%swap3A_893, %swap3A_894, %swap3A_895, %swap3A_896, %swap3A_897], %select_n3A_888 {strides = array<i32>} : memref<3x3x2x8x128xf32, #tpu.memory_space<vmem>>, vector<16xf32>,
      %select_n3A_899 = arith.select %and3A_887, %get3A_389, %broadcast_in_dim3A_6 : vector<16xi1>, vector<16xf32>
      %swap3A_900 = arith.constant 1 : i32
      %swap3A_901 = arith.constant 2 : i32
      %swap3A_902 = arith.constant 0 : i32
      %swap3A_903 = arith.constant 1 : i32
      %swap3A_904 = arith.index_cast %swap3A_900 : i32 to index
      %swap3A_905 = arith.index_cast %swap3A_901 : i32 to index
      %swap3A_906 = arith.index_cast %swap3A_902 : i32 to index
      %swap3A_907 = arith.index_cast %swap3A_903 : i32 to index
      %swap3A_908 = arith.index_cast %mul3A_381 : i32 to index
      %swap3A_909 = tpu.vector_load %arg7[%swap3A_904, %swap3A_905, %swap3A_906, %swap3A_907, %swap3A_908] {strides = array<i32>} : memref<3x3x2x8x128xf32, #tpu.memory_space<vmem>>, vector<16xf32>,
      tpu.vector_store %arg7[%swap3A_904, %swap3A_905, %swap3A_906, %swap3A_907, %swap3A_908], %select_n3A_899 {strides = array<i32>} : memref<3x3x2x8x128xf32, #tpu.memory_space<vmem>>, vector<16xf32>,
      %select_n3A_910 = arith.select %and3A_887, %mul3A_689, %broadcast_in_dim3A_6 : vector<16xi1>, vector<16xf32>
      %swap3A_911 = arith.constant 1 : i32
      %swap3A_912 = arith.constant 2 : i32
      %swap3A_913 = arith.constant 0 : i32
      %swap3A_914 = arith.constant 2 : i32
      %swap3A_915 = arith.index_cast %swap3A_911 : i32 to index
      %swap3A_916 = arith.index_cast %swap3A_912 : i32 to index
      %swap3A_917 = arith.index_cast %swap3A_913 : i32 to index
      %swap3A_918 = arith.index_cast %swap3A_914 : i32 to index
      %swap3A_919 = arith.index_cast %mul3A_381 : i32 to index
      %swap3A_920 = tpu.vector_load %arg7[%swap3A_915, %swap3A_916, %swap3A_917, %swap3A_918, %swap3A_919] {strides = array<i32>} : memref<3x3x2x8x128xf32, #tpu.memory_space<vmem>>, vector<16xf32>,
      tpu.vector_store %arg7[%swap3A_915, %swap3A_916, %swap3A_917, %swap3A_918, %swap3A_919], %select_n3A_910 {strides = array<i32>} : memref<3x3x2x8x128xf32, #tpu.memory_space<vmem>>, vector<16xf32>,
      %select_n3A_921 = arith.select %and3A_887, %mul3A_690, %broadcast_in_dim3A_6 : vector<16xi1>, vector<16xf32>
      %swap3A_922 = arith.constant 1 : i32
      %swap3A_923 = arith.constant 2 : i32
      %swap3A_924 = arith.constant 0 : i32
      %swap3A_925 = arith.constant 3 : i32
      %swap3A_926 = arith.index_cast %swap3A_922 : i32 to index
      %swap3A_927 = arith.index_cast %swap3A_923 : i32 to index
      %swap3A_928 = arith.index_cast %swap3A_924 : i32 to index
      %swap3A_929 = arith.index_cast %swap3A_925 : i32 to index
      %swap3A_930 = arith.index_cast %mul3A_381 : i32 to index
      %swap3A_931 = tpu.vector_load %arg7[%swap3A_926, %swap3A_927, %swap3A_928, %swap3A_929, %swap3A_930] {strides = array<i32>} : memref<3x3x2x8x128xf32, #tpu.memory_space<vmem>>, vector<16xf32>,
      tpu.vector_store %arg7[%swap3A_926, %swap3A_927, %swap3A_928, %swap3A_929, %swap3A_930], %select_n3A_921 {strides = array<i32>} : memref<3x3x2x8x128xf32, #tpu.memory_space<vmem>>, vector<16xf32>,
      %select_n3A_932 = arith.select %and3A_887, %mul3A_691, %broadcast_in_dim3A_6 : vector<16xi1>, vector<16xf32>
      %swap3A_933 = arith.constant 1 : i32
      %swap3A_934 = arith.constant 2 : i32
      %swap3A_935 = arith.constant 0 : i32
      %swap3A_936 = arith.constant 4 : i32
      %swap3A_937 = arith.index_cast %swap3A_933 : i32 to index
      %swap3A_938 = arith.index_cast %swap3A_934 : i32 to index
      %swap3A_939 = arith.index_cast %swap3A_935 : i32 to index
      %swap3A_940 = arith.index_cast %swap3A_936 : i32 to index
      %swap3A_941 = arith.index_cast %mul3A_381 : i32 to index
      %swap3A_942 = tpu.vector_load %arg7[%swap3A_937, %swap3A_938, %swap3A_939, %swap3A_940, %swap3A_941] {strides = array<i32>} : memref<3x3x2x8x128xf32, #tpu.memory_space<vmem>>, vector<16xf32>,
      tpu.vector_store %arg7[%swap3A_937, %swap3A_938, %swap3A_939, %swap3A_940, %swap3A_941], %select_n3A_932 {strides = array<i32>} : memref<3x3x2x8x128xf32, #tpu.memory_space<vmem>>, vector<16xf32>,
      %select_n3A_943 = arith.select %and3A_887, %mul3A_692, %broadcast_in_dim3A_6 : vector<16xi1>, vector<16xf32>
      %swap3A_944 = arith.constant 1 : i32
      %swap3A_945 = arith.constant 2 : i32
      %swap3A_946 = arith.constant 0 : i32
      %swap3A_947 = arith.constant 5 : i32
      %swap3A_948 = arith.index_cast %swap3A_944 : i32 to index
      %swap3A_949 = arith.index_cast %swap3A_945 : i32 to index
      %swap3A_950 = arith.index_cast %swap3A_946 : i32 to index
      %swap3A_951 = arith.index_cast %swap3A_947 : i32 to index
      %swap3A_952 = arith.index_cast %mul3A_381 : i32 to index
      %swap3A_953 = tpu.vector_load %arg7[%swap3A_948, %swap3A_949, %swap3A_950, %swap3A_951, %swap3A_952] {strides = array<i32>} : memref<3x3x2x8x128xf32, #tpu.memory_space<vmem>>, vector<16xf32>,
      tpu.vector_store %arg7[%swap3A_948, %swap3A_949, %swap3A_950, %swap3A_951, %swap3A_952], %select_n3A_943 {strides = array<i32>} : memref<3x3x2x8x128xf32, #tpu.memory_space<vmem>>, vector<16xf32>,
      %select_n3A_954 = arith.select %and3A_887, %broadcast_in_dim3A_358, %broadcast_in_dim3A_6 : vector<16xi1>, vector<16xf32>
      %swap3A_955 = arith.constant 1 : i32
      %swap3A_956 = arith.constant 2 : i32
      %swap3A_957 = arith.constant 0 : i32
      %swap3A_958 = arith.constant 6 : i32
      %swap3A_959 = arith.index_cast %swap3A_955 : i32 to index
      %swap3A_960 = arith.index_cast %swap3A_956 : i32 to index
      %swap3A_961 = arith.index_cast %swap3A_957 : i32 to index
      %swap3A_962 = arith.index_cast %swap3A_958 : i32 to index
      %swap3A_963 = arith.index_cast %mul3A_381 : i32 to index
      %swap3A_964 = tpu.vector_load %arg7[%swap3A_959, %swap3A_960, %swap3A_961, %swap3A_962, %swap3A_963] {strides = array<i32>} : memref<3x3x2x8x128xf32, #tpu.memory_space<vmem>>, vector<16xf32>,
      tpu.vector_store %arg7[%swap3A_959, %swap3A_960, %swap3A_961, %swap3A_962, %swap3A_963], %select_n3A_954 {strides = array<i32>} : memref<3x3x2x8x128xf32, #tpu.memory_space<vmem>>, vector<16xf32>,
      %swap3A_965 = arith.constant 1 : i32
      %swap3A_966 = arith.constant 2 : i32
      %swap3A_967 = arith.constant 0 : i32
      %swap3A_968 = arith.constant 7 : i32
      %swap3A_969 = arith.index_cast %swap3A_965 : i32 to index
      %swap3A_970 = arith.index_cast %swap3A_966 : i32 to index
      %swap3A_971 = arith.index_cast %swap3A_967 : i32 to index
      %swap3A_972 = arith.index_cast %swap3A_968 : i32 to index
      %swap3A_973 = arith.index_cast %mul3A_381 : i32 to index
      %swap3A_974 = tpu.vector_load %arg7[%swap3A_969, %swap3A_970, %swap3A_971, %swap3A_972, %swap3A_973] {strides = array<i32>} : memref<3x3x2x8x128xf32, #tpu.memory_space<vmem>>, vector<16xf32>,
      tpu.vector_store %arg7[%swap3A_969, %swap3A_970, %swap3A_971, %swap3A_972, %swap3A_973], %broadcast_in_dim3A_6 {strides = array<i32>} : memref<3x3x2x8x128xf32, #tpu.memory_space<vmem>>, vector<16xf32>,
      %mul3A_975 = arith.mulf %get3A_393, %div3A_250 : vector<16xf32>
      %mul3A_976 = arith.mulf %get3A_397, %div3A_250 : vector<16xf32>
      %mul3A_977 = arith.mulf %get3A_401, %div3A_250 : vector<16xf32>
      %mul3A_978 = arith.mulf %get3A_405, %div3A_250 : vector<16xf32>
      %lt3A_979 = arith.cmpf olt, %get3A_401, %mul3A_275 : vector<16xf32>
      %lt3A_980 = arith.cmpf olt, %mul3A_278, %get3A_401 : vector<16xf32>
      %and3A_981 = arith.andi %lt3A_979, %lt3A_980 : vector<16xi1>
      %lt3A_982 = arith.cmpf olt, %get3A_405, %mul3A_281 : vector<16xf32>
      %and3A_983 = arith.andi %and3A_981, %lt3A_982 : vector<16xi1>
      %lt3A_984 = arith.cmpf olt, %mul3A_284, %get3A_405 : vector<16xf32>
      %and3A_985 = arith.andi %and3A_983, %lt3A_984 : vector<16xi1>
      %select_n3A_986 = arith.select %and3A_985, %get3A_385, %broadcast_in_dim3A_6 : vector<16xi1>, vector<16xf32>
      %swap3A_987 = arith.constant 2 : i32
      %swap3A_988 = arith.constant 0 : i32
      %swap3A_989 = arith.constant 0 : i32
      %swap3A_990 = arith.constant 0 : i32
      %swap3A_991 = arith.index_cast %swap3A_987 : i32 to index
      %swap3A_992 = arith.index_cast %swap3A_988 : i32 to index
      %swap3A_993 = arith.index_cast %swap3A_989 : i32 to index
      %swap3A_994 = arith.index_cast %swap3A_990 : i32 to index
      %swap3A_995 = arith.index_cast %mul3A_381 : i32 to index
      %swap3A_996 = tpu.vector_load %arg7[%swap3A_991, %swap3A_992, %swap3A_993, %swap3A_994, %swap3A_995] {strides = array<i32>} : memref<3x3x2x8x128xf32, #tpu.memory_space<vmem>>, vector<16xf32>,
      tpu.vector_store %arg7[%swap3A_991, %swap3A_992, %swap3A_993, %swap3A_994, %swap3A_995], %select_n3A_986 {strides = array<i32>} : memref<3x3x2x8x128xf32, #tpu.memory_space<vmem>>, vector<16xf32>,
      %select_n3A_997 = arith.select %and3A_985, %get3A_389, %broadcast_in_dim3A_6 : vector<16xi1>, vector<16xf32>
      %swap3A_998 = arith.constant 2 : i32
      %swap3A_999 = arith.constant 0 : i32
      %swap3A_1000 = arith.constant 0 : i32
      %swap3A_1001 = arith.constant 1 : i32
      %swap3A_1002 = arith.index_cast %swap3A_998 : i32 to index
      %swap3A_1003 = arith.index_cast %swap3A_999 : i32 to index
      %swap3A_1004 = arith.index_cast %swap3A_1000 : i32 to index
      %swap3A_1005 = arith.index_cast %swap3A_1001 : i32 to index
      %swap3A_1006 = arith.index_cast %mul3A_381 : i32 to index
      %swap3A_1007 = tpu.vector_load %arg7[%swap3A_1002, %swap3A_1003, %swap3A_1004, %swap3A_1005, %swap3A_1006] {strides = array<i32>} : memref<3x3x2x8x128xf32, #tpu.memory_space<vmem>>, vector<16xf32>,
      tpu.vector_store %arg7[%swap3A_1002, %swap3A_1003, %swap3A_1004, %swap3A_1005, %swap3A_1006], %select_n3A_997 {strides = array<i32>} : memref<3x3x2x8x128xf32, #tpu.memory_space<vmem>>, vector<16xf32>,
      %select_n3A_1008 = arith.select %and3A_985, %mul3A_975, %broadcast_in_dim3A_6 : vector<16xi1>, vector<16xf32>
      %swap3A_1009 = arith.constant 2 : i32
      %swap3A_1010 = arith.constant 0 : i32
      %swap3A_1011 = arith.constant 0 : i32
      %swap3A_1012 = arith.constant 2 : i32
      %swap3A_1013 = arith.index_cast %swap3A_1009 : i32 to index
      %swap3A_1014 = arith.index_cast %swap3A_1010 : i32 to index
      %swap3A_1015 = arith.index_cast %swap3A_1011 : i32 to index
      %swap3A_1016 = arith.index_cast %swap3A_1012 : i32 to index
      %swap3A_1017 = arith.index_cast %mul3A_381 : i32 to index
      %swap3A_1018 = tpu.vector_load %arg7[%swap3A_1013, %swap3A_1014, %swap3A_1015, %swap3A_1016, %swap3A_1017] {strides = array<i32>} : memref<3x3x2x8x128xf32, #tpu.memory_space<vmem>>, vector<16xf32>,
      tpu.vector_store %arg7[%swap3A_1013, %swap3A_1014, %swap3A_1015, %swap3A_1016, %swap3A_1017], %select_n3A_1008 {strides = array<i32>} : memref<3x3x2x8x128xf32, #tpu.memory_space<vmem>>, vector<16xf32>,
      %select_n3A_1019 = arith.select %and3A_985, %mul3A_976, %broadcast_in_dim3A_6 : vector<16xi1>, vector<16xf32>
      %swap3A_1020 = arith.constant 2 : i32
      %swap3A_1021 = arith.constant 0 : i32
      %swap3A_1022 = arith.constant 0 : i32
      %swap3A_1023 = arith.constant 3 : i32
      %swap3A_1024 = arith.index_cast %swap3A_1020 : i32 to index
      %swap3A_1025 = arith.index_cast %swap3A_1021 : i32 to index
      %swap3A_1026 = arith.index_cast %swap3A_1022 : i32 to index
      %swap3A_1027 = arith.index_cast %swap3A_1023 : i32 to index
      %swap3A_1028 = arith.index_cast %mul3A_381 : i32 to index
      %swap3A_1029 = tpu.vector_load %arg7[%swap3A_1024, %swap3A_1025, %swap3A_1026, %swap3A_1027, %swap3A_1028] {strides = array<i32>} : memref<3x3x2x8x128xf32, #tpu.memory_space<vmem>>, vector<16xf32>,
      tpu.vector_store %arg7[%swap3A_1024, %swap3A_1025, %swap3A_1026, %swap3A_1027, %swap3A_1028], %select_n3A_1019 {strides = array<i32>} : memref<3x3x2x8x128xf32, #tpu.memory_space<vmem>>, vector<16xf32>,
      %select_n3A_1030 = arith.select %and3A_985, %mul3A_977, %broadcast_in_dim3A_6 : vector<16xi1>, vector<16xf32>
      %swap3A_1031 = arith.constant 2 : i32
      %swap3A_1032 = arith.constant 0 : i32
      %swap3A_1033 = arith.constant 0 : i32
      %swap3A_1034 = arith.constant 4 : i32
      %swap3A_1035 = arith.index_cast %swap3A_1031 : i32 to index
      %swap3A_1036 = arith.index_cast %swap3A_1032 : i32 to index
      %swap3A_1037 = arith.index_cast %swap3A_1033 : i32 to index
      %swap3A_1038 = arith.index_cast %swap3A_1034 : i32 to index
      %swap3A_1039 = arith.index_cast %mul3A_381 : i32 to index
      %swap3A_1040 = tpu.vector_load %arg7[%swap3A_1035, %swap3A_1036, %swap3A_1037, %swap3A_1038, %swap3A_1039] {strides = array<i32>} : memref<3x3x2x8x128xf32, #tpu.memory_space<vmem>>, vector<16xf32>,
      tpu.vector_store %arg7[%swap3A_1035, %swap3A_1036, %swap3A_1037, %swap3A_1038, %swap3A_1039], %select_n3A_1030 {strides = array<i32>} : memref<3x3x2x8x128xf32, #tpu.memory_space<vmem>>, vector<16xf32>,
      %select_n3A_1041 = arith.select %and3A_985, %mul3A_978, %broadcast_in_dim3A_6 : vector<16xi1>, vector<16xf32>
      %swap3A_1042 = arith.constant 2 : i32
      %swap3A_1043 = arith.constant 0 : i32
      %swap3A_1044 = arith.constant 0 : i32
      %swap3A_1045 = arith.constant 5 : i32
      %swap3A_1046 = arith.index_cast %swap3A_1042 : i32 to index
      %swap3A_1047 = arith.index_cast %swap3A_1043 : i32 to index
      %swap3A_1048 = arith.index_cast %swap3A_1044 : i32 to index
      %swap3A_1049 = arith.index_cast %swap3A_1045 : i32 to index
      %swap3A_1050 = arith.index_cast %mul3A_381 : i32 to index
      %swap3A_1051 = tpu.vector_load %arg7[%swap3A_1046, %swap3A_1047, %swap3A_1048, %swap3A_1049, %swap3A_1050] {strides = array<i32>} : memref<3x3x2x8x128xf32, #tpu.memory_space<vmem>>, vector<16xf32>,
      tpu.vector_store %arg7[%swap3A_1046, %swap3A_1047, %swap3A_1048, %swap3A_1049, %swap3A_1050], %select_n3A_1041 {strides = array<i32>} : memref<3x3x2x8x128xf32, #tpu.memory_space<vmem>>, vector<16xf32>,
      %select_n3A_1052 = arith.select %and3A_985, %broadcast_in_dim3A_354, %broadcast_in_dim3A_6 : vector<16xi1>, vector<16xf32>
      %swap3A_1053 = arith.constant 2 : i32
      %swap3A_1054 = arith.constant 0 : i32
      %swap3A_1055 = arith.constant 0 : i32
      %swap3A_1056 = arith.constant 6 : i32
      %swap3A_1057 = arith.index_cast %swap3A_1053 : i32 to index
      %swap3A_1058 = arith.index_cast %swap3A_1054 : i32 to index
      %swap3A_1059 = arith.index_cast %swap3A_1055 : i32 to index
      %swap3A_1060 = arith.index_cast %swap3A_1056 : i32 to index
      %swap3A_1061 = arith.index_cast %mul3A_381 : i32 to index
      %swap3A_1062 = tpu.vector_load %arg7[%swap3A_1057, %swap3A_1058, %swap3A_1059, %swap3A_1060, %swap3A_1061] {strides = array<i32>} : memref<3x3x2x8x128xf32, #tpu.memory_space<vmem>>, vector<16xf32>,
      tpu.vector_store %arg7[%swap3A_1057, %swap3A_1058, %swap3A_1059, %swap3A_1060, %swap3A_1061], %select_n3A_1052 {strides = array<i32>} : memref<3x3x2x8x128xf32, #tpu.memory_space<vmem>>, vector<16xf32>,
      %swap3A_1063 = arith.constant 2 : i32
      %swap3A_1064 = arith.constant 0 : i32
      %swap3A_1065 = arith.constant 0 : i32
      %swap3A_1066 = arith.constant 7 : i32
      %swap3A_1067 = arith.index_cast %swap3A_1063 : i32 to index
      %swap3A_1068 = arith.index_cast %swap3A_1064 : i32 to index
      %swap3A_1069 = arith.index_cast %swap3A_1065 : i32 to index
      %swap3A_1070 = arith.index_cast %swap3A_1066 : i32 to index
      %swap3A_1071 = arith.index_cast %mul3A_381 : i32 to index
      %swap3A_1072 = tpu.vector_load %arg7[%swap3A_1067, %swap3A_1068, %swap3A_1069, %swap3A_1070, %swap3A_1071] {strides = array<i32>} : memref<3x3x2x8x128xf32, #tpu.memory_space<vmem>>, vector<16xf32>,
      tpu.vector_store %arg7[%swap3A_1067, %swap3A_1068, %swap3A_1069, %swap3A_1070, %swap3A_1071], %broadcast_in_dim3A_6 {strides = array<i32>} : memref<3x3x2x8x128xf32, #tpu.memory_space<vmem>>, vector<16xf32>,
      %lt3A_1073 = arith.cmpf olt, %get3A_401, %mul3A_309 : vector<16xf32>
      %lt3A_1074 = arith.cmpf olt, %mul3A_312, %get3A_401 : vector<16xf32>
      %and3A_1075 = arith.andi %lt3A_1073, %lt3A_1074 : vector<16xi1>
      %lt3A_1076 = arith.cmpf olt, %get3A_405, %mul3A_315 : vector<16xf32>
      %and3A_1077 = arith.andi %and3A_1075, %lt3A_1076 : vector<16xi1>
      %lt3A_1078 = arith.cmpf olt, %mul3A_318, %get3A_405 : vector<16xf32>
      %and3A_1079 = arith.andi %and3A_1077, %lt3A_1078 : vector<16xi1>
      %select_n3A_1080 = arith.select %and3A_1079, %get3A_385, %broadcast_in_dim3A_6 : vector<16xi1>, vector<16xf32>
      %swap3A_1081 = arith.constant 2 : i32
      %swap3A_1082 = arith.constant 1 : i32
      %swap3A_1083 = arith.constant 0 : i32
      %swap3A_1084 = arith.constant 0 : i32
      %swap3A_1085 = arith.index_cast %swap3A_1081 : i32 to index
      %swap3A_1086 = arith.index_cast %swap3A_1082 : i32 to index
      %swap3A_1087 = arith.index_cast %swap3A_1083 : i32 to index
      %swap3A_1088 = arith.index_cast %swap3A_1084 : i32 to index
      %swap3A_1089 = arith.index_cast %mul3A_381 : i32 to index
      %swap3A_1090 = tpu.vector_load %arg7[%swap3A_1085, %swap3A_1086, %swap3A_1087, %swap3A_1088, %swap3A_1089] {strides = array<i32>} : memref<3x3x2x8x128xf32, #tpu.memory_space<vmem>>, vector<16xf32>,
      tpu.vector_store %arg7[%swap3A_1085, %swap3A_1086, %swap3A_1087, %swap3A_1088, %swap3A_1089], %select_n3A_1080 {strides = array<i32>} : memref<3x3x2x8x128xf32, #tpu.memory_space<vmem>>, vector<16xf32>,
      %select_n3A_1091 = arith.select %and3A_1079, %get3A_389, %broadcast_in_dim3A_6 : vector<16xi1>, vector<16xf32>
      %swap3A_1092 = arith.constant 2 : i32
      %swap3A_1093 = arith.constant 1 : i32
      %swap3A_1094 = arith.constant 0 : i32
      %swap3A_1095 = arith.constant 1 : i32
      %swap3A_1096 = arith.index_cast %swap3A_1092 : i32 to index
      %swap3A_1097 = arith.index_cast %swap3A_1093 : i32 to index
      %swap3A_1098 = arith.index_cast %swap3A_1094 : i32 to index
      %swap3A_1099 = arith.index_cast %swap3A_1095 : i32 to index
      %swap3A_1100 = arith.index_cast %mul3A_381 : i32 to index
      %swap3A_1101 = tpu.vector_load %arg7[%swap3A_1096, %swap3A_1097, %swap3A_1098, %swap3A_1099, %swap3A_1100] {strides = array<i32>} : memref<3x3x2x8x128xf32, #tpu.memory_space<vmem>>, vector<16xf32>,
      tpu.vector_store %arg7[%swap3A_1096, %swap3A_1097, %swap3A_1098, %swap3A_1099, %swap3A_1100], %select_n3A_1091 {strides = array<i32>} : memref<3x3x2x8x128xf32, #tpu.memory_space<vmem>>, vector<16xf32>,
      %select_n3A_1102 = arith.select %and3A_1079, %mul3A_975, %broadcast_in_dim3A_6 : vector<16xi1>, vector<16xf32>
      %swap3A_1103 = arith.constant 2 : i32
      %swap3A_1104 = arith.constant 1 : i32
      %swap3A_1105 = arith.constant 0 : i32
      %swap3A_1106 = arith.constant 2 : i32
      %swap3A_1107 = arith.index_cast %swap3A_1103 : i32 to index
      %swap3A_1108 = arith.index_cast %swap3A_1104 : i32 to index
      %swap3A_1109 = arith.index_cast %swap3A_1105 : i32 to index
      %swap3A_1110 = arith.index_cast %swap3A_1106 : i32 to index
      %swap3A_1111 = arith.index_cast %mul3A_381 : i32 to index
      %swap3A_1112 = tpu.vector_load %arg7[%swap3A_1107, %swap3A_1108, %swap3A_1109, %swap3A_1110, %swap3A_1111] {strides = array<i32>} : memref<3x3x2x8x128xf32, #tpu.memory_space<vmem>>, vector<16xf32>,
      tpu.vector_store %arg7[%swap3A_1107, %swap3A_1108, %swap3A_1109, %swap3A_1110, %swap3A_1111], %select_n3A_1102 {strides = array<i32>} : memref<3x3x2x8x128xf32, #tpu.memory_space<vmem>>, vector<16xf32>,
      %select_n3A_1113 = arith.select %and3A_1079, %mul3A_976, %broadcast_in_dim3A_6 : vector<16xi1>, vector<16xf32>
      %swap3A_1114 = arith.constant 2 : i32
      %swap3A_1115 = arith.constant 1 : i32
      %swap3A_1116 = arith.constant 0 : i32
      %swap3A_1117 = arith.constant 3 : i32
      %swap3A_1118 = arith.index_cast %swap3A_1114 : i32 to index
      %swap3A_1119 = arith.index_cast %swap3A_1115 : i32 to index
      %swap3A_1120 = arith.index_cast %swap3A_1116 : i32 to index
      %swap3A_1121 = arith.index_cast %swap3A_1117 : i32 to index
      %swap3A_1122 = arith.index_cast %mul3A_381 : i32 to index
      %swap3A_1123 = tpu.vector_load %arg7[%swap3A_1118, %swap3A_1119, %swap3A_1120, %swap3A_1121, %swap3A_1122] {strides = array<i32>} : memref<3x3x2x8x128xf32, #tpu.memory_space<vmem>>, vector<16xf32>,
      tpu.vector_store %arg7[%swap3A_1118, %swap3A_1119, %swap3A_1120, %swap3A_1121, %swap3A_1122], %select_n3A_1113 {strides = array<i32>} : memref<3x3x2x8x128xf32, #tpu.memory_space<vmem>>, vector<16xf32>,
      %select_n3A_1124 = arith.select %and3A_1079, %mul3A_977, %broadcast_in_dim3A_6 : vector<16xi1>, vector<16xf32>
      %swap3A_1125 = arith.constant 2 : i32
      %swap3A_1126 = arith.constant 1 : i32
      %swap3A_1127 = arith.constant 0 : i32
      %swap3A_1128 = arith.constant 4 : i32
      %swap3A_1129 = arith.index_cast %swap3A_1125 : i32 to index
      %swap3A_1130 = arith.index_cast %swap3A_1126 : i32 to index
      %swap3A_1131 = arith.index_cast %swap3A_1127 : i32 to index
      %swap3A_1132 = arith.index_cast %swap3A_1128 : i32 to index
      %swap3A_1133 = arith.index_cast %mul3A_381 : i32 to index
      %swap3A_1134 = tpu.vector_load %arg7[%swap3A_1129, %swap3A_1130, %swap3A_1131, %swap3A_1132, %swap3A_1133] {strides = array<i32>} : memref<3x3x2x8x128xf32, #tpu.memory_space<vmem>>, vector<16xf32>,
      tpu.vector_store %arg7[%swap3A_1129, %swap3A_1130, %swap3A_1131, %swap3A_1132, %swap3A_1133], %select_n3A_1124 {strides = array<i32>} : memref<3x3x2x8x128xf32, #tpu.memory_space<vmem>>, vector<16xf32>,
      %select_n3A_1135 = arith.select %and3A_1079, %mul3A_978, %broadcast_in_dim3A_6 : vector<16xi1>, vector<16xf32>
      %swap3A_1136 = arith.constant 2 : i32
      %swap3A_1137 = arith.constant 1 : i32
      %swap3A_1138 = arith.constant 0 : i32
      %swap3A_1139 = arith.constant 5 : i32
      %swap3A_1140 = arith.index_cast %swap3A_1136 : i32 to index
      %swap3A_1141 = arith.index_cast %swap3A_1137 : i32 to index
      %swap3A_1142 = arith.index_cast %swap3A_1138 : i32 to index
      %swap3A_1143 = arith.index_cast %swap3A_1139 : i32 to index
      %swap3A_1144 = arith.index_cast %mul3A_381 : i32 to index
      %swap3A_1145 = tpu.vector_load %arg7[%swap3A_1140, %swap3A_1141, %swap3A_1142, %swap3A_1143, %swap3A_1144] {strides = array<i32>} : memref<3x3x2x8x128xf32, #tpu.memory_space<vmem>>, vector<16xf32>,
      tpu.vector_store %arg7[%swap3A_1140, %swap3A_1141, %swap3A_1142, %swap3A_1143, %swap3A_1144], %select_n3A_1135 {strides = array<i32>} : memref<3x3x2x8x128xf32, #tpu.memory_space<vmem>>, vector<16xf32>,
      %select_n3A_1146 = arith.select %and3A_1079, %broadcast_in_dim3A_356, %broadcast_in_dim3A_6 : vector<16xi1>, vector<16xf32>
      %swap3A_1147 = arith.constant 2 : i32
      %swap3A_1148 = arith.constant 1 : i32
      %swap3A_1149 = arith.constant 0 : i32
      %swap3A_1150 = arith.constant 6 : i32
      %swap3A_1151 = arith.index_cast %swap3A_1147 : i32 to index
      %swap3A_1152 = arith.index_cast %swap3A_1148 : i32 to index
      %swap3A_1153 = arith.index_cast %swap3A_1149 : i32 to index
      %swap3A_1154 = arith.index_cast %swap3A_1150 : i32 to index
      %swap3A_1155 = arith.index_cast %mul3A_381 : i32 to index
      %swap3A_1156 = tpu.vector_load %arg7[%swap3A_1151, %swap3A_1152, %swap3A_1153, %swap3A_1154, %swap3A_1155] {strides = array<i32>} : memref<3x3x2x8x128xf32, #tpu.memory_space<vmem>>, vector<16xf32>,
      tpu.vector_store %arg7[%swap3A_1151, %swap3A_1152, %swap3A_1153, %swap3A_1154, %swap3A_1155], %select_n3A_1146 {strides = array<i32>} : memref<3x3x2x8x128xf32, #tpu.memory_space<vmem>>, vector<16xf32>,
      %swap3A_1157 = arith.constant 2 : i32
      %swap3A_1158 = arith.constant 1 : i32
      %swap3A_1159 = arith.constant 0 : i32
      %swap3A_1160 = arith.constant 7 : i32
      %swap3A_1161 = arith.index_cast %swap3A_1157 : i32 to index
      %swap3A_1162 = arith.index_cast %swap3A_1158 : i32 to index
      %swap3A_1163 = arith.index_cast %swap3A_1159 : i32 to index
      %swap3A_1164 = arith.index_cast %swap3A_1160 : i32 to index
      %swap3A_1165 = arith.index_cast %mul3A_381 : i32 to index
      %swap3A_1166 = tpu.vector_load %arg7[%swap3A_1161, %swap3A_1162, %swap3A_1163, %swap3A_1164, %swap3A_1165] {strides = array<i32>} : memref<3x3x2x8x128xf32, #tpu.memory_space<vmem>>, vector<16xf32>,
      tpu.vector_store %arg7[%swap3A_1161, %swap3A_1162, %swap3A_1163, %swap3A_1164, %swap3A_1165], %broadcast_in_dim3A_6 {strides = array<i32>} : memref<3x3x2x8x128xf32, #tpu.memory_space<vmem>>, vector<16xf32>,
      %lt3A_1167 = arith.cmpf olt, %get3A_401, %mul3A_343 : vector<16xf32>
      %lt3A_1168 = arith.cmpf olt, %mul3A_346, %get3A_401 : vector<16xf32>
      %and3A_1169 = arith.andi %lt3A_1167, %lt3A_1168 : vector<16xi1>
      %lt3A_1170 = arith.cmpf olt, %get3A_405, %mul3A_349 : vector<16xf32>
      %and3A_1171 = arith.andi %and3A_1169, %lt3A_1170 : vector<16xi1>
      %lt3A_1172 = arith.cmpf olt, %mul3A_352, %get3A_405 : vector<16xf32>
      %and3A_1173 = arith.andi %and3A_1171, %lt3A_1172 : vector<16xi1>
      %select_n3A_1174 = arith.select %and3A_1173, %get3A_385, %broadcast_in_dim3A_6 : vector<16xi1>, vector<16xf32>
      %swap3A_1175 = arith.constant 2 : i32
      %swap3A_1176 = arith.constant 2 : i32
      %swap3A_1177 = arith.constant 0 : i32
      %swap3A_1178 = arith.constant 0 : i32
      %swap3A_1179 = arith.index_cast %swap3A_1175 : i32 to index
      %swap3A_1180 = arith.index_cast %swap3A_1176 : i32 to index
      %swap3A_1181 = arith.index_cast %swap3A_1177 : i32 to index
      %swap3A_1182 = arith.index_cast %swap3A_1178 : i32 to index
      %swap3A_1183 = arith.index_cast %mul3A_381 : i32 to index
      %swap3A_1184 = tpu.vector_load %arg7[%swap3A_1179, %swap3A_1180, %swap3A_1181, %swap3A_1182, %swap3A_1183] {strides = array<i32>} : memref<3x3x2x8x128xf32, #tpu.memory_space<vmem>>, vector<16xf32>,
      tpu.vector_store %arg7[%swap3A_1179, %swap3A_1180, %swap3A_1181, %swap3A_1182, %swap3A_1183], %select_n3A_1174 {strides = array<i32>} : memref<3x3x2x8x128xf32, #tpu.memory_space<vmem>>, vector<16xf32>,
      %select_n3A_1185 = arith.select %and3A_1173, %get3A_389, %broadcast_in_dim3A_6 : vector<16xi1>, vector<16xf32>
      %swap3A_1186 = arith.constant 2 : i32
      %swap3A_1187 = arith.constant 2 : i32
      %swap3A_1188 = arith.constant 0 : i32
      %swap3A_1189 = arith.constant 1 : i32
      %swap3A_1190 = arith.index_cast %swap3A_1186 : i32 to index
      %swap3A_1191 = arith.index_cast %swap3A_1187 : i32 to index
      %swap3A_1192 = arith.index_cast %swap3A_1188 : i32 to index
      %swap3A_1193 = arith.index_cast %swap3A_1189 : i32 to index
      %swap3A_1194 = arith.index_cast %mul3A_381 : i32 to index
      %swap3A_1195 = tpu.vector_load %arg7[%swap3A_1190, %swap3A_1191, %swap3A_1192, %swap3A_1193, %swap3A_1194] {strides = array<i32>} : memref<3x3x2x8x128xf32, #tpu.memory_space<vmem>>, vector<16xf32>,
      tpu.vector_store %arg7[%swap3A_1190, %swap3A_1191, %swap3A_1192, %swap3A_1193, %swap3A_1194], %select_n3A_1185 {strides = array<i32>} : memref<3x3x2x8x128xf32, #tpu.memory_space<vmem>>, vector<16xf32>,
      %select_n3A_1196 = arith.select %and3A_1173, %mul3A_975, %broadcast_in_dim3A_6 : vector<16xi1>, vector<16xf32>
      %swap3A_1197 = arith.constant 2 : i32
      %swap3A_1198 = arith.constant 2 : i32
      %swap3A_1199 = arith.constant 0 : i32
      %swap3A_1200 = arith.constant 2 : i32
      %swap3A_1201 = arith.index_cast %swap3A_1197 : i32 to index
      %swap3A_1202 = arith.index_cast %swap3A_1198 : i32 to index
      %swap3A_1203 = arith.index_cast %swap3A_1199 : i32 to index
      %swap3A_1204 = arith.index_cast %swap3A_1200 : i32 to index
      %swap3A_1205 = arith.index_cast %mul3A_381 : i32 to index
      %swap3A_1206 = tpu.vector_load %arg7[%swap3A_1201, %swap3A_1202, %swap3A_1203, %swap3A_1204, %swap3A_1205] {strides = array<i32>} : memref<3x3x2x8x128xf32, #tpu.memory_space<vmem>>, vector<16xf32>,
      tpu.vector_store %arg7[%swap3A_1201, %swap3A_1202, %swap3A_1203, %swap3A_1204, %swap3A_1205], %select_n3A_1196 {strides = array<i32>} : memref<3x3x2x8x128xf32, #tpu.memory_space<vmem>>, vector<16xf32>,
      %select_n3A_1207 = arith.select %and3A_1173, %mul3A_976, %broadcast_in_dim3A_6 : vector<16xi1>, vector<16xf32>
      %swap3A_1208 = arith.constant 2 : i32
      %swap3A_1209 = arith.constant 2 : i32
      %swap3A_1210 = arith.constant 0 : i32
      %swap3A_1211 = arith.constant 3 : i32
      %swap3A_1212 = arith.index_cast %swap3A_1208 : i32 to index
      %swap3A_1213 = arith.index_cast %swap3A_1209 : i32 to index
      %swap3A_1214 = arith.index_cast %swap3A_1210 : i32 to index
      %swap3A_1215 = arith.index_cast %swap3A_1211 : i32 to index
      %swap3A_1216 = arith.index_cast %mul3A_381 : i32 to index
      %swap3A_1217 = tpu.vector_load %arg7[%swap3A_1212, %swap3A_1213, %swap3A_1214, %swap3A_1215, %swap3A_1216] {strides = array<i32>} : memref<3x3x2x8x128xf32, #tpu.memory_space<vmem>>, vector<16xf32>,
      tpu.vector_store %arg7[%swap3A_1212, %swap3A_1213, %swap3A_1214, %swap3A_1215, %swap3A_1216], %select_n3A_1207 {strides = array<i32>} : memref<3x3x2x8x128xf32, #tpu.memory_space<vmem>>, vector<16xf32>,
      %select_n3A_1218 = arith.select %and3A_1173, %mul3A_977, %broadcast_in_dim3A_6 : vector<16xi1>, vector<16xf32>
      %swap3A_1219 = arith.constant 2 : i32
      %swap3A_1220 = arith.constant 2 : i32
      %swap3A_1221 = arith.constant 0 : i32
      %swap3A_1222 = arith.constant 4 : i32
      %swap3A_1223 = arith.index_cast %swap3A_1219 : i32 to index
      %swap3A_1224 = arith.index_cast %swap3A_1220 : i32 to index
      %swap3A_1225 = arith.index_cast %swap3A_1221 : i32 to index
      %swap3A_1226 = arith.index_cast %swap3A_1222 : i32 to index
      %swap3A_1227 = arith.index_cast %mul3A_381 : i32 to index
      %swap3A_1228 = tpu.vector_load %arg7[%swap3A_1223, %swap3A_1224, %swap3A_1225, %swap3A_1226, %swap3A_1227] {strides = array<i32>} : memref<3x3x2x8x128xf32, #tpu.memory_space<vmem>>, vector<16xf32>,
      tpu.vector_store %arg7[%swap3A_1223, %swap3A_1224, %swap3A_1225, %swap3A_1226, %swap3A_1227], %select_n3A_1218 {strides = array<i32>} : memref<3x3x2x8x128xf32, #tpu.memory_space<vmem>>, vector<16xf32>,
      %select_n3A_1229 = arith.select %and3A_1173, %mul3A_978, %broadcast_in_dim3A_6 : vector<16xi1>, vector<16xf32>
      %swap3A_1230 = arith.constant 2 : i32
      %swap3A_1231 = arith.constant 2 : i32
      %swap3A_1232 = arith.constant 0 : i32
      %swap3A_1233 = arith.constant 5 : i32
      %swap3A_1234 = arith.index_cast %swap3A_1230 : i32 to index
      %swap3A_1235 = arith.index_cast %swap3A_1231 : i32 to index
      %swap3A_1236 = arith.index_cast %swap3A_1232 : i32 to index
      %swap3A_1237 = arith.index_cast %swap3A_1233 : i32 to index
      %swap3A_1238 = arith.index_cast %mul3A_381 : i32 to index
      %swap3A_1239 = tpu.vector_load %arg7[%swap3A_1234, %swap3A_1235, %swap3A_1236, %swap3A_1237, %swap3A_1238] {strides = array<i32>} : memref<3x3x2x8x128xf32, #tpu.memory_space<vmem>>, vector<16xf32>,
      tpu.vector_store %arg7[%swap3A_1234, %swap3A_1235, %swap3A_1236, %swap3A_1237, %swap3A_1238], %select_n3A_1229 {strides = array<i32>} : memref<3x3x2x8x128xf32, #tpu.memory_space<vmem>>, vector<16xf32>,
      %select_n3A_1240 = arith.select %and3A_1173, %broadcast_in_dim3A_358, %broadcast_in_dim3A_6 : vector<16xi1>, vector<16xf32>
      %swap3A_1241 = arith.constant 2 : i32
      %swap3A_1242 = arith.constant 2 : i32
      %swap3A_1243 = arith.constant 0 : i32
      %swap3A_1244 = arith.constant 6 : i32
      %swap3A_1245 = arith.index_cast %swap3A_1241 : i32 to index
      %swap3A_1246 = arith.index_cast %swap3A_1242 : i32 to index
      %swap3A_1247 = arith.index_cast %swap3A_1243 : i32 to index
      %swap3A_1248 = arith.index_cast %swap3A_1244 : i32 to index
      %swap3A_1249 = arith.index_cast %mul3A_381 : i32 to index
      %swap3A_1250 = tpu.vector_load %arg7[%swap3A_1245, %swap3A_1246, %swap3A_1247, %swap3A_1248, %swap3A_1249] {strides = array<i32>} : memref<3x3x2x8x128xf32, #tpu.memory_space<vmem>>, vector<16xf32>,
      tpu.vector_store %arg7[%swap3A_1245, %swap3A_1246, %swap3A_1247, %swap3A_1248, %swap3A_1249], %select_n3A_1240 {strides = array<i32>} : memref<3x3x2x8x128xf32, #tpu.memory_space<vmem>>, vector<16xf32>,
      %swap3A_1251 = arith.constant 2 : i32
      %swap3A_1252 = arith.constant 2 : i32
      %swap3A_1253 = arith.constant 0 : i32
      %swap3A_1254 = arith.constant 7 : i32
      %swap3A_1255 = arith.index_cast %swap3A_1251 : i32 to index
      %swap3A_1256 = arith.index_cast %swap3A_1252 : i32 to index
      %swap3A_1257 = arith.index_cast %swap3A_1253 : i32 to index
      %swap3A_1258 = arith.index_cast %swap3A_1254 : i32 to index
      %swap3A_1259 = arith.index_cast %mul3A_381 : i32 to index
      %swap3A_1260 = tpu.vector_load %arg7[%swap3A_1255, %swap3A_1256, %swap3A_1257, %swap3A_1258, %swap3A_1259] {strides = array<i32>} : memref<3x3x2x8x128xf32, #tpu.memory_space<vmem>>, vector<16xf32>,
      tpu.vector_store %arg7[%swap3A_1255, %swap3A_1256, %swap3A_1257, %swap3A_1258, %swap3A_1259], %broadcast_in_dim3A_6 {strides = array<i32>} : memref<3x3x2x8x128xf32, #tpu.memory_space<vmem>>, vector<16xf32>,
    }
    %scan3A_366 = arith.constant 8 : i32
    %scan3A_367 = arith.constant 0 : i32
    %scan3A_368 = arith.constant 0 : i32
    %scan3A_369 = arith.constant 8 : i32
    %scan3A_370 = arith.addi %scan3A_368, %scan3A_369 : i32
    %scan3A_371 = arith.constant 1 : i32
    scf.for %scan3A_375 = %scan3A_368 to %scan3A_370 step %scan3A_371  : i32 {
      %mul3A_376 = arith.constant 16 : i32
      %mul3A_377 = arith.muli %scan3A_375, %mul3A_376 : i32
      %add3A_378 = arith.constant 128 : i32
      %add3A_379 = arith.addi %add3A_378, %mul3A_377 : i32
      %mul3A_380 = arith.constant 16 : i32
      %mul3A_381 = arith.muli %scan3A_375, %mul3A_380 : i32
      %get3A_382 = arith.constant 0 : i32
      %get3A_383 = arith.index_cast %get3A_382 : i32 to index
      %get3A_384 = arith.index_cast %add3A_379 : i32 to index
      %get3A_385 = tpu.vector_load %arg5[%get3A_383, %get3A_384] {strides = array<i32>} : memref<6x256xf32, #tpu.memory_space<vmem>>, vector<16xf32>,
      %get3A_386 = arith.constant 1 : i32
      %get3A_387 = arith.index_cast %get3A_386 : i32 to index
      %get3A_388 = arith.index_cast %add3A_379 : i32 to index
      %get3A_389 = tpu.vector_load %arg5[%get3A_387, %get3A_388] {strides = array<i32>} : memref<6x256xf32, #tpu.memory_space<vmem>>, vector<16xf32>,
      %get3A_390 = arith.constant 2 : i32
      %get3A_391 = arith.index_cast %get3A_390 : i32 to index
      %get3A_392 = arith.index_cast %add3A_379 : i32 to index
      %get3A_393 = tpu.vector_load %arg5[%get3A_391, %get3A_392] {strides = array<i32>} : memref<6x256xf32, #tpu.memory_space<vmem>>, vector<16xf32>,
      %get3A_394 = arith.constant 3 : i32
      %get3A_395 = arith.index_cast %get3A_394 : i32 to index
      %get3A_396 = arith.index_cast %add3A_379 : i32 to index
      %get3A_397 = tpu.vector_load %arg5[%get3A_395, %get3A_396] {strides = array<i32>} : memref<6x256xf32, #tpu.memory_space<vmem>>, vector<16xf32>,
      %get3A_398 = arith.constant 4 : i32
      %get3A_399 = arith.index_cast %get3A_398 : i32 to index
      %get3A_400 = arith.index_cast %add3A_379 : i32 to index
      %get3A_401 = tpu.vector_load %arg5[%get3A_399, %get3A_400] {strides = array<i32>} : memref<6x256xf32, #tpu.memory_space<vmem>>, vector<16xf32>,
      %get3A_402 = arith.constant 5 : i32
      %get3A_403 = arith.index_cast %get3A_402 : i32 to index
      %get3A_404 = arith.index_cast %add3A_379 : i32 to index
      %get3A_405 = tpu.vector_load %arg5[%get3A_403, %get3A_404] {strides = array<i32>} : memref<6x256xf32, #tpu.memory_space<vmem>>, vector<16xf32>,
      %mul3A_406 = arith.mulf %get3A_393, %div3A : vector<16xf32>
      %mul3A_407 = arith.mulf %get3A_397, %div3A : vector<16xf32>
      %mul3A_408 = arith.mulf %get3A_401, %div3A : vector<16xf32>
      %mul3A_409 = arith.mulf %get3A_405, %div3A : vector<16xf32>
      %lt3A = arith.cmpf olt, %get3A_401, %mul3A_43 : vector<16xf32>
      %lt3A_410 = arith.cmpf olt, %mul3A_46, %get3A_401 : vector<16xf32>
      %and3A = arith.andi %lt3A, %lt3A_410 : vector<16xi1>
      %lt3A_411 = arith.cmpf olt, %get3A_405, %mul3A_49 : vector<16xf32>
      %and3A_412 = arith.andi %and3A, %lt3A_411 : vector<16xi1>
      %lt3A_413 = arith.cmpf olt, %mul3A_52, %get3A_405 : vector<16xf32>
      %and3A_414 = arith.andi %and3A_412, %lt3A_413 : vector<16xi1>
      %select_n3A_415 = arith.select %and3A_414, %get3A_385, %broadcast_in_dim3A_6 : vector<16xi1>, vector<16xf32>
      %swap3A = arith.constant 0 : i32
      %swap3A_416 = arith.constant 0 : i32
      %swap3A_417 = arith.constant 1 : i32
      %swap3A_418 = arith.constant 0 : i32
      %swap3A_419 = arith.index_cast %swap3A : i32 to index
      %swap3A_420 = arith.index_cast %swap3A_416 : i32 to index
      %swap3A_421 = arith.index_cast %swap3A_417 : i32 to index
      %swap3A_422 = arith.index_cast %swap3A_418 : i32 to index
      %swap3A_423 = arith.index_cast %mul3A_381 : i32 to index
      %swap3A_424 = tpu.vector_load %arg7[%swap3A_419, %swap3A_420, %swap3A_421, %swap3A_422, %swap3A_423] {strides = array<i32>} : memref<3x3x2x8x128xf32, #tpu.memory_space<vmem>>, vector<16xf32>,
      tpu.vector_store %arg7[%swap3A_419, %swap3A_420, %swap3A_421, %swap3A_422, %swap3A_423], %select_n3A_415 {strides = array<i32>} : memref<3x3x2x8x128xf32, #tpu.memory_space<vmem>>, vector<16xf32>,
      %select_n3A_425 = arith.select %and3A_414, %get3A_389, %broadcast_in_dim3A_6 : vector<16xi1>, vector<16xf32>
      %swap3A_426 = arith.constant 0 : i32
      %swap3A_427 = arith.constant 0 : i32
      %swap3A_428 = arith.constant 1 : i32
      %swap3A_429 = arith.constant 1 : i32
      %swap3A_430 = arith.index_cast %swap3A_426 : i32 to index
      %swap3A_431 = arith.index_cast %swap3A_427 : i32 to index
      %swap3A_432 = arith.index_cast %swap3A_428 : i32 to index
      %swap3A_433 = arith.index_cast %swap3A_429 : i32 to index
      %swap3A_434 = arith.index_cast %mul3A_381 : i32 to index
      %swap3A_435 = tpu.vector_load %arg7[%swap3A_430, %swap3A_431, %swap3A_432, %swap3A_433, %swap3A_434] {strides = array<i32>} : memref<3x3x2x8x128xf32, #tpu.memory_space<vmem>>, vector<16xf32>,
      tpu.vector_store %arg7[%swap3A_430, %swap3A_431, %swap3A_432, %swap3A_433, %swap3A_434], %select_n3A_425 {strides = array<i32>} : memref<3x3x2x8x128xf32, #tpu.memory_space<vmem>>, vector<16xf32>,
      %select_n3A_436 = arith.select %and3A_414, %mul3A_406, %broadcast_in_dim3A_6 : vector<16xi1>, vector<16xf32>
      %swap3A_437 = arith.constant 0 : i32
      %swap3A_438 = arith.constant 0 : i32
      %swap3A_439 = arith.constant 1 : i32
      %swap3A_440 = arith.constant 2 : i32
      %swap3A_441 = arith.index_cast %swap3A_437 : i32 to index
      %swap3A_442 = arith.index_cast %swap3A_438 : i32 to index
      %swap3A_443 = arith.index_cast %swap3A_439 : i32 to index
      %swap3A_444 = arith.index_cast %swap3A_440 : i32 to index
      %swap3A_445 = arith.index_cast %mul3A_381 : i32 to index
      %swap3A_446 = tpu.vector_load %arg7[%swap3A_441, %swap3A_442, %swap3A_443, %swap3A_444, %swap3A_445] {strides = array<i32>} : memref<3x3x2x8x128xf32, #tpu.memory_space<vmem>>, vector<16xf32>,
      tpu.vector_store %arg7[%swap3A_441, %swap3A_442, %swap3A_443, %swap3A_444, %swap3A_445], %select_n3A_436 {strides = array<i32>} : memref<3x3x2x8x128xf32, #tpu.memory_space<vmem>>, vector<16xf32>,
      %select_n3A_447 = arith.select %and3A_414, %mul3A_407, %broadcast_in_dim3A_6 : vector<16xi1>, vector<16xf32>
      %swap3A_448 = arith.constant 0 : i32
      %swap3A_449 = arith.constant 0 : i32
      %swap3A_450 = arith.constant 1 : i32
      %swap3A_451 = arith.constant 3 : i32
      %swap3A_452 = arith.index_cast %swap3A_448 : i32 to index
      %swap3A_453 = arith.index_cast %swap3A_449 : i32 to index
      %swap3A_454 = arith.index_cast %swap3A_450 : i32 to index
      %swap3A_455 = arith.index_cast %swap3A_451 : i32 to index
      %swap3A_456 = arith.index_cast %mul3A_381 : i32 to index
      %swap3A_457 = tpu.vector_load %arg7[%swap3A_452, %swap3A_453, %swap3A_454, %swap3A_455, %swap3A_456] {strides = array<i32>} : memref<3x3x2x8x128xf32, #tpu.memory_space<vmem>>, vector<16xf32>,
      tpu.vector_store %arg7[%swap3A_452, %swap3A_453, %swap3A_454, %swap3A_455, %swap3A_456], %select_n3A_447 {strides = array<i32>} : memref<3x3x2x8x128xf32, #tpu.memory_space<vmem>>, vector<16xf32>,
      %select_n3A_458 = arith.select %and3A_414, %mul3A_408, %broadcast_in_dim3A_6 : vector<16xi1>, vector<16xf32>
      %swap3A_459 = arith.constant 0 : i32
      %swap3A_460 = arith.constant 0 : i32
      %swap3A_461 = arith.constant 1 : i32
      %swap3A_462 = arith.constant 4 : i32
      %swap3A_463 = arith.index_cast %swap3A_459 : i32 to index
      %swap3A_464 = arith.index_cast %swap3A_460 : i32 to index
      %swap3A_465 = arith.index_cast %swap3A_461 : i32 to index
      %swap3A_466 = arith.index_cast %swap3A_462 : i32 to index
      %swap3A_467 = arith.index_cast %mul3A_381 : i32 to index
      %swap3A_468 = tpu.vector_load %arg7[%swap3A_463, %swap3A_464, %swap3A_465, %swap3A_466, %swap3A_467] {strides = array<i32>} : memref<3x3x2x8x128xf32, #tpu.memory_space<vmem>>, vector<16xf32>,
      tpu.vector_store %arg7[%swap3A_463, %swap3A_464, %swap3A_465, %swap3A_466, %swap3A_467], %select_n3A_458 {strides = array<i32>} : memref<3x3x2x8x128xf32, #tpu.memory_space<vmem>>, vector<16xf32>,
      %select_n3A_469 = arith.select %and3A_414, %mul3A_409, %broadcast_in_dim3A_6 : vector<16xi1>, vector<16xf32>
      %swap3A_470 = arith.constant 0 : i32
      %swap3A_471 = arith.constant 0 : i32
      %swap3A_472 = arith.constant 1 : i32
      %swap3A_473 = arith.constant 5 : i32
      %swap3A_474 = arith.index_cast %swap3A_470 : i32 to index
      %swap3A_475 = arith.index_cast %swap3A_471 : i32 to index
      %swap3A_476 = arith.index_cast %swap3A_472 : i32 to index
      %swap3A_477 = arith.index_cast %swap3A_473 : i32 to index
      %swap3A_478 = arith.index_cast %mul3A_381 : i32 to index
      %swap3A_479 = tpu.vector_load %arg7[%swap3A_474, %swap3A_475, %swap3A_476, %swap3A_477, %swap3A_478] {strides = array<i32>} : memref<3x3x2x8x128xf32, #tpu.memory_space<vmem>>, vector<16xf32>,
      tpu.vector_store %arg7[%swap3A_474, %swap3A_475, %swap3A_476, %swap3A_477, %swap3A_478], %select_n3A_469 {strides = array<i32>} : memref<3x3x2x8x128xf32, #tpu.memory_space<vmem>>, vector<16xf32>,
      %select_n3A_480 = arith.select %and3A_414, %broadcast_in_dim3A_354, %broadcast_in_dim3A_6 : vector<16xi1>, vector<16xf32>
      %swap3A_481 = arith.constant 0 : i32
      %swap3A_482 = arith.constant 0 : i32
      %swap3A_483 = arith.constant 1 : i32
      %swap3A_484 = arith.constant 6 : i32
      %swap3A_485 = arith.index_cast %swap3A_481 : i32 to index
      %swap3A_486 = arith.index_cast %swap3A_482 : i32 to index
      %swap3A_487 = arith.index_cast %swap3A_483 : i32 to index
      %swap3A_488 = arith.index_cast %swap3A_484 : i32 to index
      %swap3A_489 = arith.index_cast %mul3A_381 : i32 to index
      %swap3A_490 = tpu.vector_load %arg7[%swap3A_485, %swap3A_486, %swap3A_487, %swap3A_488, %swap3A_489] {strides = array<i32>} : memref<3x3x2x8x128xf32, #tpu.memory_space<vmem>>, vector<16xf32>,
      tpu.vector_store %arg7[%swap3A_485, %swap3A_486, %swap3A_487, %swap3A_488, %swap3A_489], %select_n3A_480 {strides = array<i32>} : memref<3x3x2x8x128xf32, #tpu.memory_space<vmem>>, vector<16xf32>,
      %swap3A_491 = arith.constant 0 : i32
      %swap3A_492 = arith.constant 0 : i32
      %swap3A_493 = arith.constant 1 : i32
      %swap3A_494 = arith.constant 7 : i32
      %swap3A_495 = arith.index_cast %swap3A_491 : i32 to index
      %swap3A_496 = arith.index_cast %swap3A_492 : i32 to index
      %swap3A_497 = arith.index_cast %swap3A_493 : i32 to index
      %swap3A_498 = arith.index_cast %swap3A_494 : i32 to index
      %swap3A_499 = arith.index_cast %mul3A_381 : i32 to index
      %swap3A_500 = tpu.vector_load %arg7[%swap3A_495, %swap3A_496, %swap3A_497, %swap3A_498, %swap3A_499] {strides = array<i32>} : memref<3x3x2x8x128xf32, #tpu.memory_space<vmem>>, vector<16xf32>,
      tpu.vector_store %arg7[%swap3A_495, %swap3A_496, %swap3A_497, %swap3A_498, %swap3A_499], %broadcast_in_dim3A_6 {strides = array<i32>} : memref<3x3x2x8x128xf32, #tpu.memory_space<vmem>>, vector<16xf32>,
      %lt3A_501 = arith.cmpf olt, %get3A_401, %mul3A_77 : vector<16xf32>
      %lt3A_502 = arith.cmpf olt, %mul3A_80, %get3A_401 : vector<16xf32>
      %and3A_503 = arith.andi %lt3A_501, %lt3A_502 : vector<16xi1>
      %lt3A_504 = arith.cmpf olt, %get3A_405, %mul3A_83 : vector<16xf32>
      %and3A_505 = arith.andi %and3A_503, %lt3A_504 : vector<16xi1>
      %lt3A_506 = arith.cmpf olt, %mul3A_86, %get3A_405 : vector<16xf32>
      %and3A_507 = arith.andi %and3A_505, %lt3A_506 : vector<16xi1>
      %select_n3A_508 = arith.select %and3A_507, %get3A_385, %broadcast_in_dim3A_6 : vector<16xi1>, vector<16xf32>
      %swap3A_509 = arith.constant 0 : i32
      %swap3A_510 = arith.constant 1 : i32
      %swap3A_511 = arith.constant 1 : i32
      %swap3A_512 = arith.constant 0 : i32
      %swap3A_513 = arith.index_cast %swap3A_509 : i32 to index
      %swap3A_514 = arith.index_cast %swap3A_510 : i32 to index
      %swap3A_515 = arith.index_cast %swap3A_511 : i32 to index
      %swap3A_516 = arith.index_cast %swap3A_512 : i32 to index
      %swap3A_517 = arith.index_cast %mul3A_381 : i32 to index
      %swap3A_518 = tpu.vector_load %arg7[%swap3A_513, %swap3A_514, %swap3A_515, %swap3A_516, %swap3A_517] {strides = array<i32>} : memref<3x3x2x8x128xf32, #tpu.memory_space<vmem>>, vector<16xf32>,
      tpu.vector_store %arg7[%swap3A_513, %swap3A_514, %swap3A_515, %swap3A_516, %swap3A_517], %select_n3A_508 {strides = array<i32>} : memref<3x3x2x8x128xf32, #tpu.memory_space<vmem>>, vector<16xf32>,
      %select_n3A_519 = arith.select %and3A_507, %get3A_389, %broadcast_in_dim3A_6 : vector<16xi1>, vector<16xf32>
      %swap3A_520 = arith.constant 0 : i32
      %swap3A_521 = arith.constant 1 : i32
      %swap3A_522 = arith.constant 1 : i32
      %swap3A_523 = arith.constant 1 : i32
      %swap3A_524 = arith.index_cast %swap3A_520 : i32 to index
      %swap3A_525 = arith.index_cast %swap3A_521 : i32 to index
      %swap3A_526 = arith.index_cast %swap3A_522 : i32 to index
      %swap3A_527 = arith.index_cast %swap3A_523 : i32 to index
      %swap3A_528 = arith.index_cast %mul3A_381 : i32 to index
      %swap3A_529 = tpu.vector_load %arg7[%swap3A_524, %swap3A_525, %swap3A_526, %swap3A_527, %swap3A_528] {strides = array<i32>} : memref<3x3x2x8x128xf32, #tpu.memory_space<vmem>>, vector<16xf32>,
      tpu.vector_store %arg7[%swap3A_524, %swap3A_525, %swap3A_526, %swap3A_527, %swap3A_528], %select_n3A_519 {strides = array<i32>} : memref<3x3x2x8x128xf32, #tpu.memory_space<vmem>>, vector<16xf32>,
      %select_n3A_530 = arith.select %and3A_507, %mul3A_406, %broadcast_in_dim3A_6 : vector<16xi1>, vector<16xf32>
      %swap3A_531 = arith.constant 0 : i32
      %swap3A_532 = arith.constant 1 : i32
      %swap3A_533 = arith.constant 1 : i32
      %swap3A_534 = arith.constant 2 : i32
      %swap3A_535 = arith.index_cast %swap3A_531 : i32 to index
      %swap3A_536 = arith.index_cast %swap3A_532 : i32 to index
      %swap3A_537 = arith.index_cast %swap3A_533 : i32 to index
      %swap3A_538 = arith.index_cast %swap3A_534 : i32 to index
      %swap3A_539 = arith.index_cast %mul3A_381 : i32 to index
      %swap3A_540 = tpu.vector_load %arg7[%swap3A_535, %swap3A_536, %swap3A_537, %swap3A_538, %swap3A_539] {strides = array<i32>} : memref<3x3x2x8x128xf32, #tpu.memory_space<vmem>>, vector<16xf32>,
      tpu.vector_store %arg7[%swap3A_535, %swap3A_536, %swap3A_537, %swap3A_538, %swap3A_539], %select_n3A_530 {strides = array<i32>} : memref<3x3x2x8x128xf32, #tpu.memory_space<vmem>>, vector<16xf32>,
      %select_n3A_541 = arith.select %and3A_507, %mul3A_407, %broadcast_in_dim3A_6 : vector<16xi1>, vector<16xf32>
      %swap3A_542 = arith.constant 0 : i32
      %swap3A_543 = arith.constant 1 : i32
      %swap3A_544 = arith.constant 1 : i32
      %swap3A_545 = arith.constant 3 : i32
      %swap3A_546 = arith.index_cast %swap3A_542 : i32 to index
      %swap3A_547 = arith.index_cast %swap3A_543 : i32 to index
      %swap3A_548 = arith.index_cast %swap3A_544 : i32 to index
      %swap3A_549 = arith.index_cast %swap3A_545 : i32 to index
      %swap3A_550 = arith.index_cast %mul3A_381 : i32 to index
      %swap3A_551 = tpu.vector_load %arg7[%swap3A_546, %swap3A_547, %swap3A_548, %swap3A_549, %swap3A_550] {strides = array<i32>} : memref<3x3x2x8x128xf32, #tpu.memory_space<vmem>>, vector<16xf32>,
      tpu.vector_store %arg7[%swap3A_546, %swap3A_547, %swap3A_548, %swap3A_549, %swap3A_550], %select_n3A_541 {strides = array<i32>} : memref<3x3x2x8x128xf32, #tpu.memory_space<vmem>>, vector<16xf32>,
      %select_n3A_552 = arith.select %and3A_507, %mul3A_408, %broadcast_in_dim3A_6 : vector<16xi1>, vector<16xf32>
      %swap3A_553 = arith.constant 0 : i32
      %swap3A_554 = arith.constant 1 : i32
      %swap3A_555 = arith.constant 1 : i32
      %swap3A_556 = arith.constant 4 : i32
      %swap3A_557 = arith.index_cast %swap3A_553 : i32 to index
      %swap3A_558 = arith.index_cast %swap3A_554 : i32 to index
      %swap3A_559 = arith.index_cast %swap3A_555 : i32 to index
      %swap3A_560 = arith.index_cast %swap3A_556 : i32 to index
      %swap3A_561 = arith.index_cast %mul3A_381 : i32 to index
      %swap3A_562 = tpu.vector_load %arg7[%swap3A_557, %swap3A_558, %swap3A_559, %swap3A_560, %swap3A_561] {strides = array<i32>} : memref<3x3x2x8x128xf32, #tpu.memory_space<vmem>>, vector<16xf32>,
      tpu.vector_store %arg7[%swap3A_557, %swap3A_558, %swap3A_559, %swap3A_560, %swap3A_561], %select_n3A_552 {strides = array<i32>} : memref<3x3x2x8x128xf32, #tpu.memory_space<vmem>>, vector<16xf32>,
      %select_n3A_563 = arith.select %and3A_507, %mul3A_409, %broadcast_in_dim3A_6 : vector<16xi1>, vector<16xf32>
      %swap3A_564 = arith.constant 0 : i32
      %swap3A_565 = arith.constant 1 : i32
      %swap3A_566 = arith.constant 1 : i32
      %swap3A_567 = arith.constant 5 : i32
      %swap3A_568 = arith.index_cast %swap3A_564 : i32 to index
      %swap3A_569 = arith.index_cast %swap3A_565 : i32 to index
      %swap3A_570 = arith.index_cast %swap3A_566 : i32 to index
      %swap3A_571 = arith.index_cast %swap3A_567 : i32 to index
      %swap3A_572 = arith.index_cast %mul3A_381 : i32 to index
      %swap3A_573 = tpu.vector_load %arg7[%swap3A_568, %swap3A_569, %swap3A_570, %swap3A_571, %swap3A_572] {strides = array<i32>} : memref<3x3x2x8x128xf32, #tpu.memory_space<vmem>>, vector<16xf32>,
      tpu.vector_store %arg7[%swap3A_568, %swap3A_569, %swap3A_570, %swap3A_571, %swap3A_572], %select_n3A_563 {strides = array<i32>} : memref<3x3x2x8x128xf32, #tpu.memory_space<vmem>>, vector<16xf32>,
      %select_n3A_574 = arith.select %and3A_507, %broadcast_in_dim3A_356, %broadcast_in_dim3A_6 : vector<16xi1>, vector<16xf32>
      %swap3A_575 = arith.constant 0 : i32
      %swap3A_576 = arith.constant 1 : i32
      %swap3A_577 = arith.constant 1 : i32
      %swap3A_578 = arith.constant 6 : i32
      %swap3A_579 = arith.index_cast %swap3A_575 : i32 to index
      %swap3A_580 = arith.index_cast %swap3A_576 : i32 to index
      %swap3A_581 = arith.index_cast %swap3A_577 : i32 to index
      %swap3A_582 = arith.index_cast %swap3A_578 : i32 to index
      %swap3A_583 = arith.index_cast %mul3A_381 : i32 to index
      %swap3A_584 = tpu.vector_load %arg7[%swap3A_579, %swap3A_580, %swap3A_581, %swap3A_582, %swap3A_583] {strides = array<i32>} : memref<3x3x2x8x128xf32, #tpu.memory_space<vmem>>, vector<16xf32>,
      tpu.vector_store %arg7[%swap3A_579, %swap3A_580, %swap3A_581, %swap3A_582, %swap3A_583], %select_n3A_574 {strides = array<i32>} : memref<3x3x2x8x128xf32, #tpu.memory_space<vmem>>, vector<16xf32>,
      %swap3A_585 = arith.constant 0 : i32
      %swap3A_586 = arith.constant 1 : i32
      %swap3A_587 = arith.constant 1 : i32
      %swap3A_588 = arith.constant 7 : i32
      %swap3A_589 = arith.index_cast %swap3A_585 : i32 to index
      %swap3A_590 = arith.index_cast %swap3A_586 : i32 to index
      %swap3A_591 = arith.index_cast %swap3A_587 : i32 to index
      %swap3A_592 = arith.index_cast %swap3A_588 : i32 to index
      %swap3A_593 = arith.index_cast %mul3A_381 : i32 to index
      %swap3A_594 = tpu.vector_load %arg7[%swap3A_589, %swap3A_590, %swap3A_591, %swap3A_592, %swap3A_593] {strides = array<i32>} : memref<3x3x2x8x128xf32, #tpu.memory_space<vmem>>, vector<16xf32>,
      tpu.vector_store %arg7[%swap3A_589, %swap3A_590, %swap3A_591, %swap3A_592, %swap3A_593], %broadcast_in_dim3A_6 {strides = array<i32>} : memref<3x3x2x8x128xf32, #tpu.memory_space<vmem>>, vector<16xf32>,
      %lt3A_595 = arith.cmpf olt, %get3A_401, %mul3A_111 : vector<16xf32>
      %lt3A_596 = arith.cmpf olt, %mul3A_114, %get3A_401 : vector<16xf32>
      %and3A_597 = arith.andi %lt3A_595, %lt3A_596 : vector<16xi1>
      %lt3A_598 = arith.cmpf olt, %get3A_405, %mul3A_117 : vector<16xf32>
      %and3A_599 = arith.andi %and3A_597, %lt3A_598 : vector<16xi1>
      %lt3A_600 = arith.cmpf olt, %mul3A_120, %get3A_405 : vector<16xf32>
      %and3A_601 = arith.andi %and3A_599, %lt3A_600 : vector<16xi1>
      %select_n3A_602 = arith.select %and3A_601, %get3A_385, %broadcast_in_dim3A_6 : vector<16xi1>, vector<16xf32>
      %swap3A_603 = arith.constant 0 : i32
      %swap3A_604 = arith.constant 2 : i32
      %swap3A_605 = arith.constant 1 : i32
      %swap3A_606 = arith.constant 0 : i32
      %swap3A_607 = arith.index_cast %swap3A_603 : i32 to index
      %swap3A_608 = arith.index_cast %swap3A_604 : i32 to index
      %swap3A_609 = arith.index_cast %swap3A_605 : i32 to index
      %swap3A_610 = arith.index_cast %swap3A_606 : i32 to index
      %swap3A_611 = arith.index_cast %mul3A_381 : i32 to index
      %swap3A_612 = tpu.vector_load %arg7[%swap3A_607, %swap3A_608, %swap3A_609, %swap3A_610, %swap3A_611] {strides = array<i32>} : memref<3x3x2x8x128xf32, #tpu.memory_space<vmem>>, vector<16xf32>,
      tpu.vector_store %arg7[%swap3A_607, %swap3A_608, %swap3A_609, %swap3A_610, %swap3A_611], %select_n3A_602 {strides = array<i32>} : memref<3x3x2x8x128xf32, #tpu.memory_space<vmem>>, vector<16xf32>,
      %select_n3A_613 = arith.select %and3A_601, %get3A_389, %broadcast_in_dim3A_6 : vector<16xi1>, vector<16xf32>
      %swap3A_614 = arith.constant 0 : i32
      %swap3A_615 = arith.constant 2 : i32
      %swap3A_616 = arith.constant 1 : i32
      %swap3A_617 = arith.constant 1 : i32
      %swap3A_618 = arith.index_cast %swap3A_614 : i32 to index
      %swap3A_619 = arith.index_cast %swap3A_615 : i32 to index
      %swap3A_620 = arith.index_cast %swap3A_616 : i32 to index
      %swap3A_621 = arith.index_cast %swap3A_617 : i32 to index
      %swap3A_622 = arith.index_cast %mul3A_381 : i32 to index
      %swap3A_623 = tpu.vector_load %arg7[%swap3A_618, %swap3A_619, %swap3A_620, %swap3A_621, %swap3A_622] {strides = array<i32>} : memref<3x3x2x8x128xf32, #tpu.memory_space<vmem>>, vector<16xf32>,
      tpu.vector_store %arg7[%swap3A_618, %swap3A_619, %swap3A_620, %swap3A_621, %swap3A_622], %select_n3A_613 {strides = array<i32>} : memref<3x3x2x8x128xf32, #tpu.memory_space<vmem>>, vector<16xf32>,
      %select_n3A_624 = arith.select %and3A_601, %mul3A_406, %broadcast_in_dim3A_6 : vector<16xi1>, vector<16xf32>
      %swap3A_625 = arith.constant 0 : i32
      %swap3A_626 = arith.constant 2 : i32
      %swap3A_627 = arith.constant 1 : i32
      %swap3A_628 = arith.constant 2 : i32
      %swap3A_629 = arith.index_cast %swap3A_625 : i32 to index
      %swap3A_630 = arith.index_cast %swap3A_626 : i32 to index
      %swap3A_631 = arith.index_cast %swap3A_627 : i32 to index
      %swap3A_632 = arith.index_cast %swap3A_628 : i32 to index
      %swap3A_633 = arith.index_cast %mul3A_381 : i32 to index
      %swap3A_634 = tpu.vector_load %arg7[%swap3A_629, %swap3A_630, %swap3A_631, %swap3A_632, %swap3A_633] {strides = array<i32>} : memref<3x3x2x8x128xf32, #tpu.memory_space<vmem>>, vector<16xf32>,
      tpu.vector_store %arg7[%swap3A_629, %swap3A_630, %swap3A_631, %swap3A_632, %swap3A_633], %select_n3A_624 {strides = array<i32>} : memref<3x3x2x8x128xf32, #tpu.memory_space<vmem>>, vector<16xf32>,
      %select_n3A_635 = arith.select %and3A_601, %mul3A_407, %broadcast_in_dim3A_6 : vector<16xi1>, vector<16xf32>
      %swap3A_636 = arith.constant 0 : i32
      %swap3A_637 = arith.constant 2 : i32
      %swap3A_638 = arith.constant 1 : i32
      %swap3A_639 = arith.constant 3 : i32
      %swap3A_640 = arith.index_cast %swap3A_636 : i32 to index
      %swap3A_641 = arith.index_cast %swap3A_637 : i32 to index
      %swap3A_642 = arith.index_cast %swap3A_638 : i32 to index
      %swap3A_643 = arith.index_cast %swap3A_639 : i32 to index
      %swap3A_644 = arith.index_cast %mul3A_381 : i32 to index
      %swap3A_645 = tpu.vector_load %arg7[%swap3A_640, %swap3A_641, %swap3A_642, %swap3A_643, %swap3A_644] {strides = array<i32>} : memref<3x3x2x8x128xf32, #tpu.memory_space<vmem>>, vector<16xf32>,
      tpu.vector_store %arg7[%swap3A_640, %swap3A_641, %swap3A_642, %swap3A_643, %swap3A_644], %select_n3A_635 {strides = array<i32>} : memref<3x3x2x8x128xf32, #tpu.memory_space<vmem>>, vector<16xf32>,
      %select_n3A_646 = arith.select %and3A_601, %mul3A_408, %broadcast_in_dim3A_6 : vector<16xi1>, vector<16xf32>
      %swap3A_647 = arith.constant 0 : i32
      %swap3A_648 = arith.constant 2 : i32
      %swap3A_649 = arith.constant 1 : i32
      %swap3A_650 = arith.constant 4 : i32
      %swap3A_651 = arith.index_cast %swap3A_647 : i32 to index
      %swap3A_652 = arith.index_cast %swap3A_648 : i32 to index
      %swap3A_653 = arith.index_cast %swap3A_649 : i32 to index
      %swap3A_654 = arith.index_cast %swap3A_650 : i32 to index
      %swap3A_655 = arith.index_cast %mul3A_381 : i32 to index
      %swap3A_656 = tpu.vector_load %arg7[%swap3A_651, %swap3A_652, %swap3A_653, %swap3A_654, %swap3A_655] {strides = array<i32>} : memref<3x3x2x8x128xf32, #tpu.memory_space<vmem>>, vector<16xf32>,
      tpu.vector_store %arg7[%swap3A_651, %swap3A_652, %swap3A_653, %swap3A_654, %swap3A_655], %select_n3A_646 {strides = array<i32>} : memref<3x3x2x8x128xf32, #tpu.memory_space<vmem>>, vector<16xf32>,
      %select_n3A_657 = arith.select %and3A_601, %mul3A_409, %broadcast_in_dim3A_6 : vector<16xi1>, vector<16xf32>
      %swap3A_658 = arith.constant 0 : i32
      %swap3A_659 = arith.constant 2 : i32
      %swap3A_660 = arith.constant 1 : i32
      %swap3A_661 = arith.constant 5 : i32
      %swap3A_662 = arith.index_cast %swap3A_658 : i32 to index
      %swap3A_663 = arith.index_cast %swap3A_659 : i32 to index
      %swap3A_664 = arith.index_cast %swap3A_660 : i32 to index
      %swap3A_665 = arith.index_cast %swap3A_661 : i32 to index
      %swap3A_666 = arith.index_cast %mul3A_381 : i32 to index
      %swap3A_667 = tpu.vector_load %arg7[%swap3A_662, %swap3A_663, %swap3A_664, %swap3A_665, %swap3A_666] {strides = array<i32>} : memref<3x3x2x8x128xf32, #tpu.memory_space<vmem>>, vector<16xf32>,
      tpu.vector_store %arg7[%swap3A_662, %swap3A_663, %swap3A_664, %swap3A_665, %swap3A_666], %select_n3A_657 {strides = array<i32>} : memref<3x3x2x8x128xf32, #tpu.memory_space<vmem>>, vector<16xf32>,
      %select_n3A_668 = arith.select %and3A_601, %broadcast_in_dim3A_358, %broadcast_in_dim3A_6 : vector<16xi1>, vector<16xf32>
      %swap3A_669 = arith.constant 0 : i32
      %swap3A_670 = arith.constant 2 : i32
      %swap3A_671 = arith.constant 1 : i32
      %swap3A_672 = arith.constant 6 : i32
      %swap3A_673 = arith.index_cast %swap3A_669 : i32 to index
      %swap3A_674 = arith.index_cast %swap3A_670 : i32 to index
      %swap3A_675 = arith.index_cast %swap3A_671 : i32 to index
      %swap3A_676 = arith.index_cast %swap3A_672 : i32 to index
      %swap3A_677 = arith.index_cast %mul3A_381 : i32 to index
      %swap3A_678 = tpu.vector_load %arg7[%swap3A_673, %swap3A_674, %swap3A_675, %swap3A_676, %swap3A_677] {strides = array<i32>} : memref<3x3x2x8x128xf32, #tpu.memory_space<vmem>>, vector<16xf32>,
      tpu.vector_store %arg7[%swap3A_673, %swap3A_674, %swap3A_675, %swap3A_676, %swap3A_677], %select_n3A_668 {strides = array<i32>} : memref<3x3x2x8x128xf32, #tpu.memory_space<vmem>>, vector<16xf32>,
      %swap3A_679 = arith.constant 0 : i32
      %swap3A_680 = arith.constant 2 : i32
      %swap3A_681 = arith.constant 1 : i32
      %swap3A_682 = arith.constant 7 : i32
      %swap3A_683 = arith.index_cast %swap3A_679 : i32 to index
      %swap3A_684 = arith.index_cast %swap3A_680 : i32 to index
      %swap3A_685 = arith.index_cast %swap3A_681 : i32 to index
      %swap3A_686 = arith.index_cast %swap3A_682 : i32 to index
      %swap3A_687 = arith.index_cast %mul3A_381 : i32 to index
      %swap3A_688 = tpu.vector_load %arg7[%swap3A_683, %swap3A_684, %swap3A_685, %swap3A_686, %swap3A_687] {strides = array<i32>} : memref<3x3x2x8x128xf32, #tpu.memory_space<vmem>>, vector<16xf32>,
      tpu.vector_store %arg7[%swap3A_683, %swap3A_684, %swap3A_685, %swap3A_686, %swap3A_687], %broadcast_in_dim3A_6 {strides = array<i32>} : memref<3x3x2x8x128xf32, #tpu.memory_space<vmem>>, vector<16xf32>,
      %mul3A_689 = arith.mulf %get3A_393, %div3A_134 : vector<16xf32>
      %mul3A_690 = arith.mulf %get3A_397, %div3A_134 : vector<16xf32>
      %mul3A_691 = arith.mulf %get3A_401, %div3A_134 : vector<16xf32>
      %mul3A_692 = arith.mulf %get3A_405, %div3A_134 : vector<16xf32>
      %lt3A_693 = arith.cmpf olt, %get3A_401, %mul3A_159 : vector<16xf32>
      %lt3A_694 = arith.cmpf olt, %mul3A_162, %get3A_401 : vector<16xf32>
      %and3A_695 = arith.andi %lt3A_693, %lt3A_694 : vector<16xi1>
      %lt3A_696 = arith.cmpf olt, %get3A_405, %mul3A_165 : vector<16xf32>
      %and3A_697 = arith.andi %and3A_695, %lt3A_696 : vector<16xi1>
      %lt3A_698 = arith.cmpf olt, %mul3A_168, %get3A_405 : vector<16xf32>
      %and3A_699 = arith.andi %and3A_697, %lt3A_698 : vector<16xi1>
      %select_n3A_700 = arith.select %and3A_699, %get3A_385, %broadcast_in_dim3A_6 : vector<16xi1>, vector<16xf32>
      %swap3A_701 = arith.constant 1 : i32
      %swap3A_702 = arith.constant 0 : i32
      %swap3A_703 = arith.constant 1 : i32
      %swap3A_704 = arith.constant 0 : i32
      %swap3A_705 = arith.index_cast %swap3A_701 : i32 to index
      %swap3A_706 = arith.index_cast %swap3A_702 : i32 to index
      %swap3A_707 = arith.index_cast %swap3A_703 : i32 to index
      %swap3A_708 = arith.index_cast %swap3A_704 : i32 to index
      %swap3A_709 = arith.index_cast %mul3A_381 : i32 to index
      %swap3A_710 = tpu.vector_load %arg7[%swap3A_705, %swap3A_706, %swap3A_707, %swap3A_708, %swap3A_709] {strides = array<i32>} : memref<3x3x2x8x128xf32, #tpu.memory_space<vmem>>, vector<16xf32>,
      tpu.vector_store %arg7[%swap3A_705, %swap3A_706, %swap3A_707, %swap3A_708, %swap3A_709], %select_n3A_700 {strides = array<i32>} : memref<3x3x2x8x128xf32, #tpu.memory_space<vmem>>, vector<16xf32>,
      %select_n3A_711 = arith.select %and3A_699, %get3A_389, %broadcast_in_dim3A_6 : vector<16xi1>, vector<16xf32>
      %swap3A_712 = arith.constant 1 : i32
      %swap3A_713 = arith.constant 0 : i32
      %swap3A_714 = arith.constant 1 : i32
      %swap3A_715 = arith.constant 1 : i32
      %swap3A_716 = arith.index_cast %swap3A_712 : i32 to index
      %swap3A_717 = arith.index_cast %swap3A_713 : i32 to index
      %swap3A_718 = arith.index_cast %swap3A_714 : i32 to index
      %swap3A_719 = arith.index_cast %swap3A_715 : i32 to index
      %swap3A_720 = arith.index_cast %mul3A_381 : i32 to index
      %swap3A_721 = tpu.vector_load %arg7[%swap3A_716, %swap3A_717, %swap3A_718, %swap3A_719, %swap3A_720] {strides = array<i32>} : memref<3x3x2x8x128xf32, #tpu.memory_space<vmem>>, vector<16xf32>,
      tpu.vector_store %arg7[%swap3A_716, %swap3A_717, %swap3A_718, %swap3A_719, %swap3A_720], %select_n3A_711 {strides = array<i32>} : memref<3x3x2x8x128xf32, #tpu.memory_space<vmem>>, vector<16xf32>,
      %select_n3A_722 = arith.select %and3A_699, %mul3A_689, %broadcast_in_dim3A_6 : vector<16xi1>, vector<16xf32>
      %swap3A_723 = arith.constant 1 : i32
      %swap3A_724 = arith.constant 0 : i32
      %swap3A_725 = arith.constant 1 : i32
      %swap3A_726 = arith.constant 2 : i32
      %swap3A_727 = arith.index_cast %swap3A_723 : i32 to index
      %swap3A_728 = arith.index_cast %swap3A_724 : i32 to index
      %swap3A_729 = arith.index_cast %swap3A_725 : i32 to index
      %swap3A_730 = arith.index_cast %swap3A_726 : i32 to index
      %swap3A_731 = arith.index_cast %mul3A_381 : i32 to index
      %swap3A_732 = tpu.vector_load %arg7[%swap3A_727, %swap3A_728, %swap3A_729, %swap3A_730, %swap3A_731] {strides = array<i32>} : memref<3x3x2x8x128xf32, #tpu.memory_space<vmem>>, vector<16xf32>,
      tpu.vector_store %arg7[%swap3A_727, %swap3A_728, %swap3A_729, %swap3A_730, %swap3A_731], %select_n3A_722 {strides = array<i32>} : memref<3x3x2x8x128xf32, #tpu.memory_space<vmem>>, vector<16xf32>,
      %select_n3A_733 = arith.select %and3A_699, %mul3A_690, %broadcast_in_dim3A_6 : vector<16xi1>, vector<16xf32>
      %swap3A_734 = arith.constant 1 : i32
      %swap3A_735 = arith.constant 0 : i32
      %swap3A_736 = arith.constant 1 : i32
      %swap3A_737 = arith.constant 3 : i32
      %swap3A_738 = arith.index_cast %swap3A_734 : i32 to index
      %swap3A_739 = arith.index_cast %swap3A_735 : i32 to index
      %swap3A_740 = arith.index_cast %swap3A_736 : i32 to index
      %swap3A_741 = arith.index_cast %swap3A_737 : i32 to index
      %swap3A_742 = arith.index_cast %mul3A_381 : i32 to index
      %swap3A_743 = tpu.vector_load %arg7[%swap3A_738, %swap3A_739, %swap3A_740, %swap3A_741, %swap3A_742] {strides = array<i32>} : memref<3x3x2x8x128xf32, #tpu.memory_space<vmem>>, vector<16xf32>,
      tpu.vector_store %arg7[%swap3A_738, %swap3A_739, %swap3A_740, %swap3A_741, %swap3A_742], %select_n3A_733 {strides = array<i32>} : memref<3x3x2x8x128xf32, #tpu.memory_space<vmem>>, vector<16xf32>,
      %select_n3A_744 = arith.select %and3A_699, %mul3A_691, %broadcast_in_dim3A_6 : vector<16xi1>, vector<16xf32>
      %swap3A_745 = arith.constant 1 : i32
      %swap3A_746 = arith.constant 0 : i32
      %swap3A_747 = arith.constant 1 : i32
      %swap3A_748 = arith.constant 4 : i32
      %swap3A_749 = arith.index_cast %swap3A_745 : i32 to index
      %swap3A_750 = arith.index_cast %swap3A_746 : i32 to index
      %swap3A_751 = arith.index_cast %swap3A_747 : i32 to index
      %swap3A_752 = arith.index_cast %swap3A_748 : i32 to index
      %swap3A_753 = arith.index_cast %mul3A_381 : i32 to index
      %swap3A_754 = tpu.vector_load %arg7[%swap3A_749, %swap3A_750, %swap3A_751, %swap3A_752, %swap3A_753] {strides = array<i32>} : memref<3x3x2x8x128xf32, #tpu.memory_space<vmem>>, vector<16xf32>,
      tpu.vector_store %arg7[%swap3A_749, %swap3A_750, %swap3A_751, %swap3A_752, %swap3A_753], %select_n3A_744 {strides = array<i32>} : memref<3x3x2x8x128xf32, #tpu.memory_space<vmem>>, vector<16xf32>,
      %select_n3A_755 = arith.select %and3A_699, %mul3A_692, %broadcast_in_dim3A_6 : vector<16xi1>, vector<16xf32>
      %swap3A_756 = arith.constant 1 : i32
      %swap3A_757 = arith.constant 0 : i32
      %swap3A_758 = arith.constant 1 : i32
      %swap3A_759 = arith.constant 5 : i32
      %swap3A_760 = arith.index_cast %swap3A_756 : i32 to index
      %swap3A_761 = arith.index_cast %swap3A_757 : i32 to index
      %swap3A_762 = arith.index_cast %swap3A_758 : i32 to index
      %swap3A_763 = arith.index_cast %swap3A_759 : i32 to index
      %swap3A_764 = arith.index_cast %mul3A_381 : i32 to index
      %swap3A_765 = tpu.vector_load %arg7[%swap3A_760, %swap3A_761, %swap3A_762, %swap3A_763, %swap3A_764] {strides = array<i32>} : memref<3x3x2x8x128xf32, #tpu.memory_space<vmem>>, vector<16xf32>,
      tpu.vector_store %arg7[%swap3A_760, %swap3A_761, %swap3A_762, %swap3A_763, %swap3A_764], %select_n3A_755 {strides = array<i32>} : memref<3x3x2x8x128xf32, #tpu.memory_space<vmem>>, vector<16xf32>,
      %select_n3A_766 = arith.select %and3A_699, %broadcast_in_dim3A_354, %broadcast_in_dim3A_6 : vector<16xi1>, vector<16xf32>
      %swap3A_767 = arith.constant 1 : i32
      %swap3A_768 = arith.constant 0 : i32
      %swap3A_769 = arith.constant 1 : i32
      %swap3A_770 = arith.constant 6 : i32
      %swap3A_771 = arith.index_cast %swap3A_767 : i32 to index
      %swap3A_772 = arith.index_cast %swap3A_768 : i32 to index
      %swap3A_773 = arith.index_cast %swap3A_769 : i32 to index
      %swap3A_774 = arith.index_cast %swap3A_770 : i32 to index
      %swap3A_775 = arith.index_cast %mul3A_381 : i32 to index
      %swap3A_776 = tpu.vector_load %arg7[%swap3A_771, %swap3A_772, %swap3A_773, %swap3A_774, %swap3A_775] {strides = array<i32>} : memref<3x3x2x8x128xf32, #tpu.memory_space<vmem>>, vector<16xf32>,
      tpu.vector_store %arg7[%swap3A_771, %swap3A_772, %swap3A_773, %swap3A_774, %swap3A_775], %select_n3A_766 {strides = array<i32>} : memref<3x3x2x8x128xf32, #tpu.memory_space<vmem>>, vector<16xf32>,
      %swap3A_777 = arith.constant 1 : i32
      %swap3A_778 = arith.constant 0 : i32
      %swap3A_779 = arith.constant 1 : i32
      %swap3A_780 = arith.constant 7 : i32
      %swap3A_781 = arith.index_cast %swap3A_777 : i32 to index
      %swap3A_782 = arith.index_cast %swap3A_778 : i32 to index
      %swap3A_783 = arith.index_cast %swap3A_779 : i32 to index
      %swap3A_784 = arith.index_cast %swap3A_780 : i32 to index
      %swap3A_785 = arith.index_cast %mul3A_381 : i32 to index
      %swap3A_786 = tpu.vector_load %arg7[%swap3A_781, %swap3A_782, %swap3A_783, %swap3A_784, %swap3A_785] {strides = array<i32>} : memref<3x3x2x8x128xf32, #tpu.memory_space<vmem>>, vector<16xf32>,
      tpu.vector_store %arg7[%swap3A_781, %swap3A_782, %swap3A_783, %swap3A_784, %swap3A_785], %broadcast_in_dim3A_6 {strides = array<i32>} : memref<3x3x2x8x128xf32, #tpu.memory_space<vmem>>, vector<16xf32>,
      %lt3A_787 = arith.cmpf olt, %get3A_401, %mul3A_193 : vector<16xf32>
      %lt3A_788 = arith.cmpf olt, %mul3A_196, %get3A_401 : vector<16xf32>
      %and3A_789 = arith.andi %lt3A_787, %lt3A_788 : vector<16xi1>
      %lt3A_790 = arith.cmpf olt, %get3A_405, %mul3A_199 : vector<16xf32>
      %and3A_791 = arith.andi %and3A_789, %lt3A_790 : vector<16xi1>
      %lt3A_792 = arith.cmpf olt, %mul3A_202, %get3A_405 : vector<16xf32>
      %and3A_793 = arith.andi %and3A_791, %lt3A_792 : vector<16xi1>
      %select_n3A_794 = arith.select %and3A_793, %get3A_385, %broadcast_in_dim3A_6 : vector<16xi1>, vector<16xf32>
      %swap3A_795 = arith.constant 1 : i32
      %swap3A_796 = arith.constant 1 : i32
      %swap3A_797 = arith.constant 1 : i32
      %swap3A_798 = arith.constant 0 : i32
      %swap3A_799 = arith.index_cast %swap3A_795 : i32 to index
      %swap3A_800 = arith.index_cast %swap3A_796 : i32 to index
      %swap3A_801 = arith.index_cast %swap3A_797 : i32 to index
      %swap3A_802 = arith.index_cast %swap3A_798 : i32 to index
      %swap3A_803 = arith.index_cast %mul3A_381 : i32 to index
      %swap3A_804 = tpu.vector_load %arg7[%swap3A_799, %swap3A_800, %swap3A_801, %swap3A_802, %swap3A_803] {strides = array<i32>} : memref<3x3x2x8x128xf32, #tpu.memory_space<vmem>>, vector<16xf32>,
      tpu.vector_store %arg7[%swap3A_799, %swap3A_800, %swap3A_801, %swap3A_802, %swap3A_803], %select_n3A_794 {strides = array<i32>} : memref<3x3x2x8x128xf32, #tpu.memory_space<vmem>>, vector<16xf32>,
      %select_n3A_805 = arith.select %and3A_793, %get3A_389, %broadcast_in_dim3A_6 : vector<16xi1>, vector<16xf32>
      %swap3A_806 = arith.constant 1 : i32
      %swap3A_807 = arith.constant 1 : i32
      %swap3A_808 = arith.constant 1 : i32
      %swap3A_809 = arith.constant 1 : i32
      %swap3A_810 = arith.index_cast %swap3A_806 : i32 to index
      %swap3A_811 = arith.index_cast %swap3A_807 : i32 to index
      %swap3A_812 = arith.index_cast %swap3A_808 : i32 to index
      %swap3A_813 = arith.index_cast %swap3A_809 : i32 to index
      %swap3A_814 = arith.index_cast %mul3A_381 : i32 to index
      %swap3A_815 = tpu.vector_load %arg7[%swap3A_810, %swap3A_811, %swap3A_812, %swap3A_813, %swap3A_814] {strides = array<i32>} : memref<3x3x2x8x128xf32, #tpu.memory_space<vmem>>, vector<16xf32>,
      tpu.vector_store %arg7[%swap3A_810, %swap3A_811, %swap3A_812, %swap3A_813, %swap3A_814], %select_n3A_805 {strides = array<i32>} : memref<3x3x2x8x128xf32, #tpu.memory_space<vmem>>, vector<16xf32>,
      %select_n3A_816 = arith.select %and3A_793, %mul3A_689, %broadcast_in_dim3A_6 : vector<16xi1>, vector<16xf32>
      %swap3A_817 = arith.constant 1 : i32
      %swap3A_818 = arith.constant 1 : i32
      %swap3A_819 = arith.constant 1 : i32
      %swap3A_820 = arith.constant 2 : i32
      %swap3A_821 = arith.index_cast %swap3A_817 : i32 to index
      %swap3A_822 = arith.index_cast %swap3A_818 : i32 to index
      %swap3A_823 = arith.index_cast %swap3A_819 : i32 to index
      %swap3A_824 = arith.index_cast %swap3A_820 : i32 to index
      %swap3A_825 = arith.index_cast %mul3A_381 : i32 to index
      %swap3A_826 = tpu.vector_load %arg7[%swap3A_821, %swap3A_822, %swap3A_823, %swap3A_824, %swap3A_825] {strides = array<i32>} : memref<3x3x2x8x128xf32, #tpu.memory_space<vmem>>, vector<16xf32>,
      tpu.vector_store %arg7[%swap3A_821, %swap3A_822, %swap3A_823, %swap3A_824, %swap3A_825], %select_n3A_816 {strides = array<i32>} : memref<3x3x2x8x128xf32, #tpu.memory_space<vmem>>, vector<16xf32>,
      %select_n3A_827 = arith.select %and3A_793, %mul3A_690, %broadcast_in_dim3A_6 : vector<16xi1>, vector<16xf32>
      %swap3A_828 = arith.constant 1 : i32
      %swap3A_829 = arith.constant 1 : i32
      %swap3A_830 = arith.constant 1 : i32
      %swap3A_831 = arith.constant 3 : i32
      %swap3A_832 = arith.index_cast %swap3A_828 : i32 to index
      %swap3A_833 = arith.index_cast %swap3A_829 : i32 to index
      %swap3A_834 = arith.index_cast %swap3A_830 : i32 to index
      %swap3A_835 = arith.index_cast %swap3A_831 : i32 to index
      %swap3A_836 = arith.index_cast %mul3A_381 : i32 to index
      %swap3A_837 = tpu.vector_load %arg7[%swap3A_832, %swap3A_833, %swap3A_834, %swap3A_835, %swap3A_836] {strides = array<i32>} : memref<3x3x2x8x128xf32, #tpu.memory_space<vmem>>, vector<16xf32>,
      tpu.vector_store %arg7[%swap3A_832, %swap3A_833, %swap3A_834, %swap3A_835, %swap3A_836], %select_n3A_827 {strides = array<i32>} : memref<3x3x2x8x128xf32, #tpu.memory_space<vmem>>, vector<16xf32>,
      %select_n3A_838 = arith.select %and3A_793, %mul3A_691, %broadcast_in_dim3A_6 : vector<16xi1>, vector<16xf32>
      %swap3A_839 = arith.constant 1 : i32
      %swap3A_840 = arith.constant 1 : i32
      %swap3A_841 = arith.constant 1 : i32
      %swap3A_842 = arith.constant 4 : i32
      %swap3A_843 = arith.index_cast %swap3A_839 : i32 to index
      %swap3A_844 = arith.index_cast %swap3A_840 : i32 to index
      %swap3A_845 = arith.index_cast %swap3A_841 : i32 to index
      %swap3A_846 = arith.index_cast %swap3A_842 : i32 to index
      %swap3A_847 = arith.index_cast %mul3A_381 : i32 to index
      %swap3A_848 = tpu.vector_load %arg7[%swap3A_843, %swap3A_844, %swap3A_845, %swap3A_846, %swap3A_847] {strides = array<i32>} : memref<3x3x2x8x128xf32, #tpu.memory_space<vmem>>, vector<16xf32>,
      tpu.vector_store %arg7[%swap3A_843, %swap3A_844, %swap3A_845, %swap3A_846, %swap3A_847], %select_n3A_838 {strides = array<i32>} : memref<3x3x2x8x128xf32, #tpu.memory_space<vmem>>, vector<16xf32>,
      %select_n3A_849 = arith.select %and3A_793, %mul3A_692, %broadcast_in_dim3A_6 : vector<16xi1>, vector<16xf32>
      %swap3A_850 = arith.constant 1 : i32
      %swap3A_851 = arith.constant 1 : i32
      %swap3A_852 = arith.constant 1 : i32
      %swap3A_853 = arith.constant 5 : i32
      %swap3A_854 = arith.index_cast %swap3A_850 : i32 to index
      %swap3A_855 = arith.index_cast %swap3A_851 : i32 to index
      %swap3A_856 = arith.index_cast %swap3A_852 : i32 to index
      %swap3A_857 = arith.index_cast %swap3A_853 : i32 to index
      %swap3A_858 = arith.index_cast %mul3A_381 : i32 to index
      %swap3A_859 = tpu.vector_load %arg7[%swap3A_854, %swap3A_855, %swap3A_856, %swap3A_857, %swap3A_858] {strides = array<i32>} : memref<3x3x2x8x128xf32, #tpu.memory_space<vmem>>, vector<16xf32>,
      tpu.vector_store %arg7[%swap3A_854, %swap3A_855, %swap3A_856, %swap3A_857, %swap3A_858], %select_n3A_849 {strides = array<i32>} : memref<3x3x2x8x128xf32, #tpu.memory_space<vmem>>, vector<16xf32>,
      %select_n3A_860 = arith.select %and3A_793, %broadcast_in_dim3A_356, %broadcast_in_dim3A_6 : vector<16xi1>, vector<16xf32>
      %swap3A_861 = arith.constant 1 : i32
      %swap3A_862 = arith.constant 1 : i32
      %swap3A_863 = arith.constant 1 : i32
      %swap3A_864 = arith.constant 6 : i32
      %swap3A_865 = arith.index_cast %swap3A_861 : i32 to index
      %swap3A_866 = arith.index_cast %swap3A_862 : i32 to index
      %swap3A_867 = arith.index_cast %swap3A_863 : i32 to index
      %swap3A_868 = arith.index_cast %swap3A_864 : i32 to index
      %swap3A_869 = arith.index_cast %mul3A_381 : i32 to index
      %swap3A_870 = tpu.vector_load %arg7[%swap3A_865, %swap3A_866, %swap3A_867, %swap3A_868, %swap3A_869] {strides = array<i32>} : memref<3x3x2x8x128xf32, #tpu.memory_space<vmem>>, vector<16xf32>,
      tpu.vector_store %arg7[%swap3A_865, %swap3A_866, %swap3A_867, %swap3A_868, %swap3A_869], %select_n3A_860 {strides = array<i32>} : memref<3x3x2x8x128xf32, #tpu.memory_space<vmem>>, vector<16xf32>,
      %swap3A_871 = arith.constant 1 : i32
      %swap3A_872 = arith.constant 1 : i32
      %swap3A_873 = arith.constant 1 : i32
      %swap3A_874 = arith.constant 7 : i32
      %swap3A_875 = arith.index_cast %swap3A_871 : i32 to index
      %swap3A_876 = arith.index_cast %swap3A_872 : i32 to index
      %swap3A_877 = arith.index_cast %swap3A_873 : i32 to index
      %swap3A_878 = arith.index_cast %swap3A_874 : i32 to index
      %swap3A_879 = arith.index_cast %mul3A_381 : i32 to index
      %swap3A_880 = tpu.vector_load %arg7[%swap3A_875, %swap3A_876, %swap3A_877, %swap3A_878, %swap3A_879] {strides = array<i32>} : memref<3x3x2x8x128xf32, #tpu.memory_space<vmem>>, vector<16xf32>,
      tpu.vector_store %arg7[%swap3A_875, %swap3A_876, %swap3A_877, %swap3A_878, %swap3A_879], %broadcast_in_dim3A_6 {strides = array<i32>} : memref<3x3x2x8x128xf32, #tpu.memory_space<vmem>>, vector<16xf32>,
      %lt3A_881 = arith.cmpf olt, %get3A_401, %mul3A_227 : vector<16xf32>
      %lt3A_882 = arith.cmpf olt, %mul3A_230, %get3A_401 : vector<16xf32>
      %and3A_883 = arith.andi %lt3A_881, %lt3A_882 : vector<16xi1>
      %lt3A_884 = arith.cmpf olt, %get3A_405, %mul3A_233 : vector<16xf32>
      %and3A_885 = arith.andi %and3A_883, %lt3A_884 : vector<16xi1>
      %lt3A_886 = arith.cmpf olt, %mul3A_236, %get3A_405 : vector<16xf32>
      %and3A_887 = arith.andi %and3A_885, %lt3A_886 : vector<16xi1>
      %select_n3A_888 = arith.select %and3A_887, %get3A_385, %broadcast_in_dim3A_6 : vector<16xi1>, vector<16xf32>
      %swap3A_889 = arith.constant 1 : i32
      %swap3A_890 = arith.constant 2 : i32
      %swap3A_891 = arith.constant 1 : i32
      %swap3A_892 = arith.constant 0 : i32
      %swap3A_893 = arith.index_cast %swap3A_889 : i32 to index
      %swap3A_894 = arith.index_cast %swap3A_890 : i32 to index
      %swap3A_895 = arith.index_cast %swap3A_891 : i32 to index
      %swap3A_896 = arith.index_cast %swap3A_892 : i32 to index
      %swap3A_897 = arith.index_cast %mul3A_381 : i32 to index
      %swap3A_898 = tpu.vector_load %arg7[%swap3A_893, %swap3A_894, %swap3A_895, %swap3A_896, %swap3A_897] {strides = array<i32>} : memref<3x3x2x8x128xf32, #tpu.memory_space<vmem>>, vector<16xf32>,
      tpu.vector_store %arg7[%swap3A_893, %swap3A_894, %swap3A_895, %swap3A_896, %swap3A_897], %select_n3A_888 {strides = array<i32>} : memref<3x3x2x8x128xf32, #tpu.memory_space<vmem>>, vector<16xf32>,
      %select_n3A_899 = arith.select %and3A_887, %get3A_389, %broadcast_in_dim3A_6 : vector<16xi1>, vector<16xf32>
      %swap3A_900 = arith.constant 1 : i32
      %swap3A_901 = arith.constant 2 : i32
      %swap3A_902 = arith.constant 1 : i32
      %swap3A_903 = arith.constant 1 : i32
      %swap3A_904 = arith.index_cast %swap3A_900 : i32 to index
      %swap3A_905 = arith.index_cast %swap3A_901 : i32 to index
      %swap3A_906 = arith.index_cast %swap3A_902 : i32 to index
      %swap3A_907 = arith.index_cast %swap3A_903 : i32 to index
      %swap3A_908 = arith.index_cast %mul3A_381 : i32 to index
      %swap3A_909 = tpu.vector_load %arg7[%swap3A_904, %swap3A_905, %swap3A_906, %swap3A_907, %swap3A_908] {strides = array<i32>} : memref<3x3x2x8x128xf32, #tpu.memory_space<vmem>>, vector<16xf32>,
      tpu.vector_store %arg7[%swap3A_904, %swap3A_905, %swap3A_906, %swap3A_907, %swap3A_908], %select_n3A_899 {strides = array<i32>} : memref<3x3x2x8x128xf32, #tpu.memory_space<vmem>>, vector<16xf32>,
      %select_n3A_910 = arith.select %and3A_887, %mul3A_689, %broadcast_in_dim3A_6 : vector<16xi1>, vector<16xf32>
      %swap3A_911 = arith.constant 1 : i32
      %swap3A_912 = arith.constant 2 : i32
      %swap3A_913 = arith.constant 1 : i32
      %swap3A_914 = arith.constant 2 : i32
      %swap3A_915 = arith.index_cast %swap3A_911 : i32 to index
      %swap3A_916 = arith.index_cast %swap3A_912 : i32 to index
      %swap3A_917 = arith.index_cast %swap3A_913 : i32 to index
      %swap3A_918 = arith.index_cast %swap3A_914 : i32 to index
      %swap3A_919 = arith.index_cast %mul3A_381 : i32 to index
      %swap3A_920 = tpu.vector_load %arg7[%swap3A_915, %swap3A_916, %swap3A_917, %swap3A_918, %swap3A_919] {strides = array<i32>} : memref<3x3x2x8x128xf32, #tpu.memory_space<vmem>>, vector<16xf32>,
      tpu.vector_store %arg7[%swap3A_915, %swap3A_916, %swap3A_917, %swap3A_918, %swap3A_919], %select_n3A_910 {strides = array<i32>} : memref<3x3x2x8x128xf32, #tpu.memory_space<vmem>>, vector<16xf32>,
      %select_n3A_921 = arith.select %and3A_887, %mul3A_690, %broadcast_in_dim3A_6 : vector<16xi1>, vector<16xf32>
      %swap3A_922 = arith.constant 1 : i32
      %swap3A_923 = arith.constant 2 : i32
      %swap3A_924 = arith.constant 1 : i32
      %swap3A_925 = arith.constant 3 : i32
      %swap3A_926 = arith.index_cast %swap3A_922 : i32 to index
      %swap3A_927 = arith.index_cast %swap3A_923 : i32 to index
      %swap3A_928 = arith.index_cast %swap3A_924 : i32 to index
      %swap3A_929 = arith.index_cast %swap3A_925 : i32 to index
      %swap3A_930 = arith.index_cast %mul3A_381 : i32 to index
      %swap3A_931 = tpu.vector_load %arg7[%swap3A_926, %swap3A_927, %swap3A_928, %swap3A_929, %swap3A_930] {strides = array<i32>} : memref<3x3x2x8x128xf32, #tpu.memory_space<vmem>>, vector<16xf32>,
      tpu.vector_store %arg7[%swap3A_926, %swap3A_927, %swap3A_928, %swap3A_929, %swap3A_930], %select_n3A_921 {strides = array<i32>} : memref<3x3x2x8x128xf32, #tpu.memory_space<vmem>>, vector<16xf32>,
      %select_n3A_932 = arith.select %and3A_887, %mul3A_691, %broadcast_in_dim3A_6 : vector<16xi1>, vector<16xf32>
      %swap3A_933 = arith.constant 1 : i32
      %swap3A_934 = arith.constant 2 : i32
      %swap3A_935 = arith.constant 1 : i32
      %swap3A_936 = arith.constant 4 : i32
      %swap3A_937 = arith.index_cast %swap3A_933 : i32 to index
      %swap3A_938 = arith.index_cast %swap3A_934 : i32 to index
      %swap3A_939 = arith.index_cast %swap3A_935 : i32 to index
      %swap3A_940 = arith.index_cast %swap3A_936 : i32 to index
      %swap3A_941 = arith.index_cast %mul3A_381 : i32 to index
      %swap3A_942 = tpu.vector_load %arg7[%swap3A_937, %swap3A_938, %swap3A_939, %swap3A_940, %swap3A_941] {strides = array<i32>} : memref<3x3x2x8x128xf32, #tpu.memory_space<vmem>>, vector<16xf32>,
      tpu.vector_store %arg7[%swap3A_937, %swap3A_938, %swap3A_939, %swap3A_940, %swap3A_941], %select_n3A_932 {strides = array<i32>} : memref<3x3x2x8x128xf32, #tpu.memory_space<vmem>>, vector<16xf32>,
      %select_n3A_943 = arith.select %and3A_887, %mul3A_692, %broadcast_in_dim3A_6 : vector<16xi1>, vector<16xf32>
      %swap3A_944 = arith.constant 1 : i32
      %swap3A_945 = arith.constant 2 : i32
      %swap3A_946 = arith.constant 1 : i32
      %swap3A_947 = arith.constant 5 : i32
      %swap3A_948 = arith.index_cast %swap3A_944 : i32 to index
      %swap3A_949 = arith.index_cast %swap3A_945 : i32 to index
      %swap3A_950 = arith.index_cast %swap3A_946 : i32 to index
      %swap3A_951 = arith.index_cast %swap3A_947 : i32 to index
      %swap3A_952 = arith.index_cast %mul3A_381 : i32 to index
      %swap3A_953 = tpu.vector_load %arg7[%swap3A_948, %swap3A_949, %swap3A_950, %swap3A_951, %swap3A_952] {strides = array<i32>} : memref<3x3x2x8x128xf32, #tpu.memory_space<vmem>>, vector<16xf32>,
      tpu.vector_store %arg7[%swap3A_948, %swap3A_949, %swap3A_950, %swap3A_951, %swap3A_952], %select_n3A_943 {strides = array<i32>} : memref<3x3x2x8x128xf32, #tpu.memory_space<vmem>>, vector<16xf32>,
      %select_n3A_954 = arith.select %and3A_887, %broadcast_in_dim3A_358, %broadcast_in_dim3A_6 : vector<16xi1>, vector<16xf32>
      %swap3A_955 = arith.constant 1 : i32
      %swap3A_956 = arith.constant 2 : i32
      %swap3A_957 = arith.constant 1 : i32
      %swap3A_958 = arith.constant 6 : i32
      %swap3A_959 = arith.index_cast %swap3A_955 : i32 to index
      %swap3A_960 = arith.index_cast %swap3A_956 : i32 to index
      %swap3A_961 = arith.index_cast %swap3A_957 : i32 to index
      %swap3A_962 = arith.index_cast %swap3A_958 : i32 to index
      %swap3A_963 = arith.index_cast %mul3A_381 : i32 to index
      %swap3A_964 = tpu.vector_load %arg7[%swap3A_959, %swap3A_960, %swap3A_961, %swap3A_962, %swap3A_963] {strides = array<i32>} : memref<3x3x2x8x128xf32, #tpu.memory_space<vmem>>, vector<16xf32>,
      tpu.vector_store %arg7[%swap3A_959, %swap3A_960, %swap3A_961, %swap3A_962, %swap3A_963], %select_n3A_954 {strides = array<i32>} : memref<3x3x2x8x128xf32, #tpu.memory_space<vmem>>, vector<16xf32>,
      %swap3A_965 = arith.constant 1 : i32
      %swap3A_966 = arith.constant 2 : i32
      %swap3A_967 = arith.constant 1 : i32
      %swap3A_968 = arith.constant 7 : i32
      %swap3A_969 = arith.index_cast %swap3A_965 : i32 to index
      %swap3A_970 = arith.index_cast %swap3A_966 : i32 to index
      %swap3A_971 = arith.index_cast %swap3A_967 : i32 to index
      %swap3A_972 = arith.index_cast %swap3A_968 : i32 to index
      %swap3A_973 = arith.index_cast %mul3A_381 : i32 to index
      %swap3A_974 = tpu.vector_load %arg7[%swap3A_969, %swap3A_970, %swap3A_971, %swap3A_972, %swap3A_973] {strides = array<i32>} : memref<3x3x2x8x128xf32, #tpu.memory_space<vmem>>, vector<16xf32>,
      tpu.vector_store %arg7[%swap3A_969, %swap3A_970, %swap3A_971, %swap3A_972, %swap3A_973], %broadcast_in_dim3A_6 {strides = array<i32>} : memref<3x3x2x8x128xf32, #tpu.memory_space<vmem>>, vector<16xf32>,
      %mul3A_975 = arith.mulf %get3A_393, %div3A_250 : vector<16xf32>
      %mul3A_976 = arith.mulf %get3A_397, %div3A_250 : vector<16xf32>
      %mul3A_977 = arith.mulf %get3A_401, %div3A_250 : vector<16xf32>
      %mul3A_978 = arith.mulf %get3A_405, %div3A_250 : vector<16xf32>
      %lt3A_979 = arith.cmpf olt, %get3A_401, %mul3A_275 : vector<16xf32>
      %lt3A_980 = arith.cmpf olt, %mul3A_278, %get3A_401 : vector<16xf32>
      %and3A_981 = arith.andi %lt3A_979, %lt3A_980 : vector<16xi1>
      %lt3A_982 = arith.cmpf olt, %get3A_405, %mul3A_281 : vector<16xf32>
      %and3A_983 = arith.andi %and3A_981, %lt3A_982 : vector<16xi1>
      %lt3A_984 = arith.cmpf olt, %mul3A_284, %get3A_405 : vector<16xf32>
      %and3A_985 = arith.andi %and3A_983, %lt3A_984 : vector<16xi1>
      %select_n3A_986 = arith.select %and3A_985, %get3A_385, %broadcast_in_dim3A_6 : vector<16xi1>, vector<16xf32>
      %swap3A_987 = arith.constant 2 : i32
      %swap3A_988 = arith.constant 0 : i32
      %swap3A_989 = arith.constant 1 : i32
      %swap3A_990 = arith.constant 0 : i32
      %swap3A_991 = arith.index_cast %swap3A_987 : i32 to index
      %swap3A_992 = arith.index_cast %swap3A_988 : i32 to index
      %swap3A_993 = arith.index_cast %swap3A_989 : i32 to index
      %swap3A_994 = arith.index_cast %swap3A_990 : i32 to index
      %swap3A_995 = arith.index_cast %mul3A_381 : i32 to index
      %swap3A_996 = tpu.vector_load %arg7[%swap3A_991, %swap3A_992, %swap3A_993, %swap3A_994, %swap3A_995] {strides = array<i32>} : memref<3x3x2x8x128xf32, #tpu.memory_space<vmem>>, vector<16xf32>,
      tpu.vector_store %arg7[%swap3A_991, %swap3A_992, %swap3A_993, %swap3A_994, %swap3A_995], %select_n3A_986 {strides = array<i32>} : memref<3x3x2x8x128xf32, #tpu.memory_space<vmem>>, vector<16xf32>,
      %select_n3A_997 = arith.select %and3A_985, %get3A_389, %broadcast_in_dim3A_6 : vector<16xi1>, vector<16xf32>
      %swap3A_998 = arith.constant 2 : i32
      %swap3A_999 = arith.constant 0 : i32
      %swap3A_1000 = arith.constant 1 : i32
      %swap3A_1001 = arith.constant 1 : i32
      %swap3A_1002 = arith.index_cast %swap3A_998 : i32 to index
      %swap3A_1003 = arith.index_cast %swap3A_999 : i32 to index
      %swap3A_1004 = arith.index_cast %swap3A_1000 : i32 to index
      %swap3A_1005 = arith.index_cast %swap3A_1001 : i32 to index
      %swap3A_1006 = arith.index_cast %mul3A_381 : i32 to index
      %swap3A_1007 = tpu.vector_load %arg7[%swap3A_1002, %swap3A_1003, %swap3A_1004, %swap3A_1005, %swap3A_1006] {strides = array<i32>} : memref<3x3x2x8x128xf32, #tpu.memory_space<vmem>>, vector<16xf32>,
      tpu.vector_store %arg7[%swap3A_1002, %swap3A_1003, %swap3A_1004, %swap3A_1005, %swap3A_1006], %select_n3A_997 {strides = array<i32>} : memref<3x3x2x8x128xf32, #tpu.memory_space<vmem>>, vector<16xf32>,
      %select_n3A_1008 = arith.select %and3A_985, %mul3A_975, %broadcast_in_dim3A_6 : vector<16xi1>, vector<16xf32>
      %swap3A_1009 = arith.constant 2 : i32
      %swap3A_1010 = arith.constant 0 : i32
      %swap3A_1011 = arith.constant 1 : i32
      %swap3A_1012 = arith.constant 2 : i32
      %swap3A_1013 = arith.index_cast %swap3A_1009 : i32 to index
      %swap3A_1014 = arith.index_cast %swap3A_1010 : i32 to index
      %swap3A_1015 = arith.index_cast %swap3A_1011 : i32 to index
      %swap3A_1016 = arith.index_cast %swap3A_1012 : i32 to index
      %swap3A_1017 = arith.index_cast %mul3A_381 : i32 to index
      %swap3A_1018 = tpu.vector_load %arg7[%swap3A_1013, %swap3A_1014, %swap3A_1015, %swap3A_1016, %swap3A_1017] {strides = array<i32>} : memref<3x3x2x8x128xf32, #tpu.memory_space<vmem>>, vector<16xf32>,
      tpu.vector_store %arg7[%swap3A_1013, %swap3A_1014, %swap3A_1015, %swap3A_1016, %swap3A_1017], %select_n3A_1008 {strides = array<i32>} : memref<3x3x2x8x128xf32, #tpu.memory_space<vmem>>, vector<16xf32>,
      %select_n3A_1019 = arith.select %and3A_985, %mul3A_976, %broadcast_in_dim3A_6 : vector<16xi1>, vector<16xf32>
      %swap3A_1020 = arith.constant 2 : i32
      %swap3A_1021 = arith.constant 0 : i32
      %swap3A_1022 = arith.constant 1 : i32
      %swap3A_1023 = arith.constant 3 : i32
      %swap3A_1024 = arith.index_cast %swap3A_1020 : i32 to index
      %swap3A_1025 = arith.index_cast %swap3A_1021 : i32 to index
      %swap3A_1026 = arith.index_cast %swap3A_1022 : i32 to index
      %swap3A_1027 = arith.index_cast %swap3A_1023 : i32 to index
      %swap3A_1028 = arith.index_cast %mul3A_381 : i32 to index
      %swap3A_1029 = tpu.vector_load %arg7[%swap3A_1024, %swap3A_1025, %swap3A_1026, %swap3A_1027, %swap3A_1028] {strides = array<i32>} : memref<3x3x2x8x128xf32, #tpu.memory_space<vmem>>, vector<16xf32>,
      tpu.vector_store %arg7[%swap3A_1024, %swap3A_1025, %swap3A_1026, %swap3A_1027, %swap3A_1028], %select_n3A_1019 {strides = array<i32>} : memref<3x3x2x8x128xf32, #tpu.memory_space<vmem>>, vector<16xf32>,
      %select_n3A_1030 = arith.select %and3A_985, %mul3A_977, %broadcast_in_dim3A_6 : vector<16xi1>, vector<16xf32>
      %swap3A_1031 = arith.constant 2 : i32
      %swap3A_1032 = arith.constant 0 : i32
      %swap3A_1033 = arith.constant 1 : i32
      %swap3A_1034 = arith.constant 4 : i32
      %swap3A_1035 = arith.index_cast %swap3A_1031 : i32 to index
      %swap3A_1036 = arith.index_cast %swap3A_1032 : i32 to index
      %swap3A_1037 = arith.index_cast %swap3A_1033 : i32 to index
      %swap3A_1038 = arith.index_cast %swap3A_1034 : i32 to index
      %swap3A_1039 = arith.index_cast %mul3A_381 : i32 to index
      %swap3A_1040 = tpu.vector_load %arg7[%swap3A_1035, %swap3A_1036, %swap3A_1037, %swap3A_1038, %swap3A_1039] {strides = array<i32>} : memref<3x3x2x8x128xf32, #tpu.memory_space<vmem>>, vector<16xf32>,
      tpu.vector_store %arg7[%swap3A_1035, %swap3A_1036, %swap3A_1037, %swap3A_1038, %swap3A_1039], %select_n3A_1030 {strides = array<i32>} : memref<3x3x2x8x128xf32, #tpu.memory_space<vmem>>, vector<16xf32>,
      %select_n3A_1041 = arith.select %and3A_985, %mul3A_978, %broadcast_in_dim3A_6 : vector<16xi1>, vector<16xf32>
      %swap3A_1042 = arith.constant 2 : i32
      %swap3A_1043 = arith.constant 0 : i32
      %swap3A_1044 = arith.constant 1 : i32
      %swap3A_1045 = arith.constant 5 : i32
      %swap3A_1046 = arith.index_cast %swap3A_1042 : i32 to index
      %swap3A_1047 = arith.index_cast %swap3A_1043 : i32 to index
      %swap3A_1048 = arith.index_cast %swap3A_1044 : i32 to index
      %swap3A_1049 = arith.index_cast %swap3A_1045 : i32 to index
      %swap3A_1050 = arith.index_cast %mul3A_381 : i32 to index
      %swap3A_1051 = tpu.vector_load %arg7[%swap3A_1046, %swap3A_1047, %swap3A_1048, %swap3A_1049, %swap3A_1050] {strides = array<i32>} : memref<3x3x2x8x128xf32, #tpu.memory_space<vmem>>, vector<16xf32>,
      tpu.vector_store %arg7[%swap3A_1046, %swap3A_1047, %swap3A_1048, %swap3A_1049, %swap3A_1050], %select_n3A_1041 {strides = array<i32>} : memref<3x3x2x8x128xf32, #tpu.memory_space<vmem>>, vector<16xf32>,
      %select_n3A_1052 = arith.select %and3A_985, %broadcast_in_dim3A_354, %broadcast_in_dim3A_6 : vector<16xi1>, vector<16xf32>
      %swap3A_1053 = arith.constant 2 : i32
      %swap3A_1054 = arith.constant 0 : i32
      %swap3A_1055 = arith.constant 1 : i32
      %swap3A_1056 = arith.constant 6 : i32
      %swap3A_1057 = arith.index_cast %swap3A_1053 : i32 to index
      %swap3A_1058 = arith.index_cast %swap3A_1054 : i32 to index
      %swap3A_1059 = arith.index_cast %swap3A_1055 : i32 to index
      %swap3A_1060 = arith.index_cast %swap3A_1056 : i32 to index
      %swap3A_1061 = arith.index_cast %mul3A_381 : i32 to index
      %swap3A_1062 = tpu.vector_load %arg7[%swap3A_1057, %swap3A_1058, %swap3A_1059, %swap3A_1060, %swap3A_1061] {strides = array<i32>} : memref<3x3x2x8x128xf32, #tpu.memory_space<vmem>>, vector<16xf32>,
      tpu.vector_store %arg7[%swap3A_1057, %swap3A_1058, %swap3A_1059, %swap3A_1060, %swap3A_1061], %select_n3A_1052 {strides = array<i32>} : memref<3x3x2x8x128xf32, #tpu.memory_space<vmem>>, vector<16xf32>,
      %swap3A_1063 = arith.constant 2 : i32
      %swap3A_1064 = arith.constant 0 : i32
      %swap3A_1065 = arith.constant 1 : i32
      %swap3A_1066 = arith.constant 7 : i32
      %swap3A_1067 = arith.index_cast %swap3A_1063 : i32 to index
      %swap3A_1068 = arith.index_cast %swap3A_1064 : i32 to index
      %swap3A_1069 = arith.index_cast %swap3A_1065 : i32 to index
      %swap3A_1070 = arith.index_cast %swap3A_1066 : i32 to index
      %swap3A_1071 = arith.index_cast %mul3A_381 : i32 to index
      %swap3A_1072 = tpu.vector_load %arg7[%swap3A_1067, %swap3A_1068, %swap3A_1069, %swap3A_1070, %swap3A_1071] {strides = array<i32>} : memref<3x3x2x8x128xf32, #tpu.memory_space<vmem>>, vector<16xf32>,
      tpu.vector_store %arg7[%swap3A_1067, %swap3A_1068, %swap3A_1069, %swap3A_1070, %swap3A_1071], %broadcast_in_dim3A_6 {strides = array<i32>} : memref<3x3x2x8x128xf32, #tpu.memory_space<vmem>>, vector<16xf32>,
      %lt3A_1073 = arith.cmpf olt, %get3A_401, %mul3A_309 : vector<16xf32>
      %lt3A_1074 = arith.cmpf olt, %mul3A_312, %get3A_401 : vector<16xf32>
      %and3A_1075 = arith.andi %lt3A_1073, %lt3A_1074 : vector<16xi1>
      %lt3A_1076 = arith.cmpf olt, %get3A_405, %mul3A_315 : vector<16xf32>
      %and3A_1077 = arith.andi %and3A_1075, %lt3A_1076 : vector<16xi1>
      %lt3A_1078 = arith.cmpf olt, %mul3A_318, %get3A_405 : vector<16xf32>
      %and3A_1079 = arith.andi %and3A_1077, %lt3A_1078 : vector<16xi1>
      %select_n3A_1080 = arith.select %and3A_1079, %get3A_385, %broadcast_in_dim3A_6 : vector<16xi1>, vector<16xf32>
      %swap3A_1081 = arith.constant 2 : i32
      %swap3A_1082 = arith.constant 1 : i32
      %swap3A_1083 = arith.constant 1 : i32
      %swap3A_1084 = arith.constant 0 : i32
      %swap3A_1085 = arith.index_cast %swap3A_1081 : i32 to index
      %swap3A_1086 = arith.index_cast %swap3A_1082 : i32 to index
      %swap3A_1087 = arith.index_cast %swap3A_1083 : i32 to index
      %swap3A_1088 = arith.index_cast %swap3A_1084 : i32 to index
      %swap3A_1089 = arith.index_cast %mul3A_381 : i32 to index
      %swap3A_1090 = tpu.vector_load %arg7[%swap3A_1085, %swap3A_1086, %swap3A_1087, %swap3A_1088, %swap3A_1089] {strides = array<i32>} : memref<3x3x2x8x128xf32, #tpu.memory_space<vmem>>, vector<16xf32>,
      tpu.vector_store %arg7[%swap3A_1085, %swap3A_1086, %swap3A_1087, %swap3A_1088, %swap3A_1089], %select_n3A_1080 {strides = array<i32>} : memref<3x3x2x8x128xf32, #tpu.memory_space<vmem>>, vector<16xf32>,
      %select_n3A_1091 = arith.select %and3A_1079, %get3A_389, %broadcast_in_dim3A_6 : vector<16xi1>, vector<16xf32>
      %swap3A_1092 = arith.constant 2 : i32
      %swap3A_1093 = arith.constant 1 : i32
      %swap3A_1094 = arith.constant 1 : i32
      %swap3A_1095 = arith.constant 1 : i32
      %swap3A_1096 = arith.index_cast %swap3A_1092 : i32 to index
      %swap3A_1097 = arith.index_cast %swap3A_1093 : i32 to index
      %swap3A_1098 = arith.index_cast %swap3A_1094 : i32 to index
      %swap3A_1099 = arith.index_cast %swap3A_1095 : i32 to index
      %swap3A_1100 = arith.index_cast %mul3A_381 : i32 to index
      %swap3A_1101 = tpu.vector_load %arg7[%swap3A_1096, %swap3A_1097, %swap3A_1098, %swap3A_1099, %swap3A_1100] {strides = array<i32>} : memref<3x3x2x8x128xf32, #tpu.memory_space<vmem>>, vector<16xf32>,
      tpu.vector_store %arg7[%swap3A_1096, %swap3A_1097, %swap3A_1098, %swap3A_1099, %swap3A_1100], %select_n3A_1091 {strides = array<i32>} : memref<3x3x2x8x128xf32, #tpu.memory_space<vmem>>, vector<16xf32>,
      %select_n3A_1102 = arith.select %and3A_1079, %mul3A_975, %broadcast_in_dim3A_6 : vector<16xi1>, vector<16xf32>
      %swap3A_1103 = arith.constant 2 : i32
      %swap3A_1104 = arith.constant 1 : i32
      %swap3A_1105 = arith.constant 1 : i32
      %swap3A_1106 = arith.constant 2 : i32
      %swap3A_1107 = arith.index_cast %swap3A_1103 : i32 to index
      %swap3A_1108 = arith.index_cast %swap3A_1104 : i32 to index
      %swap3A_1109 = arith.index_cast %swap3A_1105 : i32 to index
      %swap3A_1110 = arith.index_cast %swap3A_1106 : i32 to index
      %swap3A_1111 = arith.index_cast %mul3A_381 : i32 to index
      %swap3A_1112 = tpu.vector_load %arg7[%swap3A_1107, %swap3A_1108, %swap3A_1109, %swap3A_1110, %swap3A_1111] {strides = array<i32>} : memref<3x3x2x8x128xf32, #tpu.memory_space<vmem>>, vector<16xf32>,
      tpu.vector_store %arg7[%swap3A_1107, %swap3A_1108, %swap3A_1109, %swap3A_1110, %swap3A_1111], %select_n3A_1102 {strides = array<i32>} : memref<3x3x2x8x128xf32, #tpu.memory_space<vmem>>, vector<16xf32>,
      %select_n3A_1113 = arith.select %and3A_1079, %mul3A_976, %broadcast_in_dim3A_6 : vector<16xi1>, vector<16xf32>
      %swap3A_1114 = arith.constant 2 : i32
      %swap3A_1115 = arith.constant 1 : i32
      %swap3A_1116 = arith.constant 1 : i32
      %swap3A_1117 = arith.constant 3 : i32
      %swap3A_1118 = arith.index_cast %swap3A_1114 : i32 to index
      %swap3A_1119 = arith.index_cast %swap3A_1115 : i32 to index
      %swap3A_1120 = arith.index_cast %swap3A_1116 : i32 to index
      %swap3A_1121 = arith.index_cast %swap3A_1117 : i32 to index
      %swap3A_1122 = arith.index_cast %mul3A_381 : i32 to index
      %swap3A_1123 = tpu.vector_load %arg7[%swap3A_1118, %swap3A_1119, %swap3A_1120, %swap3A_1121, %swap3A_1122] {strides = array<i32>} : memref<3x3x2x8x128xf32, #tpu.memory_space<vmem>>, vector<16xf32>,
      tpu.vector_store %arg7[%swap3A_1118, %swap3A_1119, %swap3A_1120, %swap3A_1121, %swap3A_1122], %select_n3A_1113 {strides = array<i32>} : memref<3x3x2x8x128xf32, #tpu.memory_space<vmem>>, vector<16xf32>,
      %select_n3A_1124 = arith.select %and3A_1079, %mul3A_977, %broadcast_in_dim3A_6 : vector<16xi1>, vector<16xf32>
      %swap3A_1125 = arith.constant 2 : i32
      %swap3A_1126 = arith.constant 1 : i32
      %swap3A_1127 = arith.constant 1 : i32
      %swap3A_1128 = arith.constant 4 : i32
      %swap3A_1129 = arith.index_cast %swap3A_1125 : i32 to index
      %swap3A_1130 = arith.index_cast %swap3A_1126 : i32 to index
      %swap3A_1131 = arith.index_cast %swap3A_1127 : i32 to index
      %swap3A_1132 = arith.index_cast %swap3A_1128 : i32 to index
      %swap3A_1133 = arith.index_cast %mul3A_381 : i32 to index
      %swap3A_1134 = tpu.vector_load %arg7[%swap3A_1129, %swap3A_1130, %swap3A_1131, %swap3A_1132, %swap3A_1133] {strides = array<i32>} : memref<3x3x2x8x128xf32, #tpu.memory_space<vmem>>, vector<16xf32>,
      tpu.vector_store %arg7[%swap3A_1129, %swap3A_1130, %swap3A_1131, %swap3A_1132, %swap3A_1133], %select_n3A_1124 {strides = array<i32>} : memref<3x3x2x8x128xf32, #tpu.memory_space<vmem>>, vector<16xf32>,
      %select_n3A_1135 = arith.select %and3A_1079, %mul3A_978, %broadcast_in_dim3A_6 : vector<16xi1>, vector<16xf32>
      %swap3A_1136 = arith.constant 2 : i32
      %swap3A_1137 = arith.constant 1 : i32
      %swap3A_1138 = arith.constant 1 : i32
      %swap3A_1139 = arith.constant 5 : i32
      %swap3A_1140 = arith.index_cast %swap3A_1136 : i32 to index
      %swap3A_1141 = arith.index_cast %swap3A_1137 : i32 to index
      %swap3A_1142 = arith.index_cast %swap3A_1138 : i32 to index
      %swap3A_1143 = arith.index_cast %swap3A_1139 : i32 to index
      %swap3A_1144 = arith.index_cast %mul3A_381 : i32 to index
      %swap3A_1145 = tpu.vector_load %arg7[%swap3A_1140, %swap3A_1141, %swap3A_1142, %swap3A_1143, %swap3A_1144] {strides = array<i32>} : memref<3x3x2x8x128xf32, #tpu.memory_space<vmem>>, vector<16xf32>,
      tpu.vector_store %arg7[%swap3A_1140, %swap3A_1141, %swap3A_1142, %swap3A_1143, %swap3A_1144], %select_n3A_1135 {strides = array<i32>} : memref<3x3x2x8x128xf32, #tpu.memory_space<vmem>>, vector<16xf32>,
      %select_n3A_1146 = arith.select %and3A_1079, %broadcast_in_dim3A_356, %broadcast_in_dim3A_6 : vector<16xi1>, vector<16xf32>
      %swap3A_1147 = arith.constant 2 : i32
      %swap3A_1148 = arith.constant 1 : i32
      %swap3A_1149 = arith.constant 1 : i32
      %swap3A_1150 = arith.constant 6 : i32
      %swap3A_1151 = arith.index_cast %swap3A_1147 : i32 to index
      %swap3A_1152 = arith.index_cast %swap3A_1148 : i32 to index
      %swap3A_1153 = arith.index_cast %swap3A_1149 : i32 to index
      %swap3A_1154 = arith.index_cast %swap3A_1150 : i32 to index
      %swap3A_1155 = arith.index_cast %mul3A_381 : i32 to index
      %swap3A_1156 = tpu.vector_load %arg7[%swap3A_1151, %swap3A_1152, %swap3A_1153, %swap3A_1154, %swap3A_1155] {strides = array<i32>} : memref<3x3x2x8x128xf32, #tpu.memory_space<vmem>>, vector<16xf32>,
      tpu.vector_store %arg7[%swap3A_1151, %swap3A_1152, %swap3A_1153, %swap3A_1154, %swap3A_1155], %select_n3A_1146 {strides = array<i32>} : memref<3x3x2x8x128xf32, #tpu.memory_space<vmem>>, vector<16xf32>,
      %swap3A_1157 = arith.constant 2 : i32
      %swap3A_1158 = arith.constant 1 : i32
      %swap3A_1159 = arith.constant 1 : i32
      %swap3A_1160 = arith.constant 7 : i32
      %swap3A_1161 = arith.index_cast %swap3A_1157 : i32 to index
      %swap3A_1162 = arith.index_cast %swap3A_1158 : i32 to index
      %swap3A_1163 = arith.index_cast %swap3A_1159 : i32 to index
      %swap3A_1164 = arith.index_cast %swap3A_1160 : i32 to index
      %swap3A_1165 = arith.index_cast %mul3A_381 : i32 to index
      %swap3A_1166 = tpu.vector_load %arg7[%swap3A_1161, %swap3A_1162, %swap3A_1163, %swap3A_1164, %swap3A_1165] {strides = array<i32>} : memref<3x3x2x8x128xf32, #tpu.memory_space<vmem>>, vector<16xf32>,
      tpu.vector_store %arg7[%swap3A_1161, %swap3A_1162, %swap3A_1163, %swap3A_1164, %swap3A_1165], %broadcast_in_dim3A_6 {strides = array<i32>} : memref<3x3x2x8x128xf32, #tpu.memory_space<vmem>>, vector<16xf32>,
      %lt3A_1167 = arith.cmpf olt, %get3A_401, %mul3A_343 : vector<16xf32>
      %lt3A_1168 = arith.cmpf olt, %mul3A_346, %get3A_401 : vector<16xf32>
      %and3A_1169 = arith.andi %lt3A_1167, %lt3A_1168 : vector<16xi1>
      %lt3A_1170 = arith.cmpf olt, %get3A_405, %mul3A_349 : vector<16xf32>
      %and3A_1171 = arith.andi %and3A_1169, %lt3A_1170 : vector<16xi1>
      %lt3A_1172 = arith.cmpf olt, %mul3A_352, %get3A_405 : vector<16xf32>
      %and3A_1173 = arith.andi %and3A_1171, %lt3A_1172 : vector<16xi1>
      %select_n3A_1174 = arith.select %and3A_1173, %get3A_385, %broadcast_in_dim3A_6 : vector<16xi1>, vector<16xf32>
      %swap3A_1175 = arith.constant 2 : i32
      %swap3A_1176 = arith.constant 2 : i32
      %swap3A_1177 = arith.constant 1 : i32
      %swap3A_1178 = arith.constant 0 : i32
      %swap3A_1179 = arith.index_cast %swap3A_1175 : i32 to index
      %swap3A_1180 = arith.index_cast %swap3A_1176 : i32 to index
      %swap3A_1181 = arith.index_cast %swap3A_1177 : i32 to index
      %swap3A_1182 = arith.index_cast %swap3A_1178 : i32 to index
      %swap3A_1183 = arith.index_cast %mul3A_381 : i32 to index
      %swap3A_1184 = tpu.vector_load %arg7[%swap3A_1179, %swap3A_1180, %swap3A_1181, %swap3A_1182, %swap3A_1183] {strides = array<i32>} : memref<3x3x2x8x128xf32, #tpu.memory_space<vmem>>, vector<16xf32>,
      tpu.vector_store %arg7[%swap3A_1179, %swap3A_1180, %swap3A_1181, %swap3A_1182, %swap3A_1183], %select_n3A_1174 {strides = array<i32>} : memref<3x3x2x8x128xf32, #tpu.memory_space<vmem>>, vector<16xf32>,
      %select_n3A_1185 = arith.select %and3A_1173, %get3A_389, %broadcast_in_dim3A_6 : vector<16xi1>, vector<16xf32>
      %swap3A_1186 = arith.constant 2 : i32
      %swap3A_1187 = arith.constant 2 : i32
      %swap3A_1188 = arith.constant 1 : i32
      %swap3A_1189 = arith.constant 1 : i32
      %swap3A_1190 = arith.index_cast %swap3A_1186 : i32 to index
      %swap3A_1191 = arith.index_cast %swap3A_1187 : i32 to index
      %swap3A_1192 = arith.index_cast %swap3A_1188 : i32 to index
      %swap3A_1193 = arith.index_cast %swap3A_1189 : i32 to index
      %swap3A_1194 = arith.index_cast %mul3A_381 : i32 to index
      %swap3A_1195 = tpu.vector_load %arg7[%swap3A_1190, %swap3A_1191, %swap3A_1192, %swap3A_1193, %swap3A_1194] {strides = array<i32>} : memref<3x3x2x8x128xf32, #tpu.memory_space<vmem>>, vector<16xf32>,
      tpu.vector_store %arg7[%swap3A_1190, %swap3A_1191, %swap3A_1192, %swap3A_1193, %swap3A_1194], %select_n3A_1185 {strides = array<i32>} : memref<3x3x2x8x128xf32, #tpu.memory_space<vmem>>, vector<16xf32>,
      %select_n3A_1196 = arith.select %and3A_1173, %mul3A_975, %broadcast_in_dim3A_6 : vector<16xi1>, vector<16xf32>
      %swap3A_1197 = arith.constant 2 : i32
      %swap3A_1198 = arith.constant 2 : i32
      %swap3A_1199 = arith.constant 1 : i32
      %swap3A_1200 = arith.constant 2 : i32
      %swap3A_1201 = arith.index_cast %swap3A_1197 : i32 to index
      %swap3A_1202 = arith.index_cast %swap3A_1198 : i32 to index
      %swap3A_1203 = arith.index_cast %swap3A_1199 : i32 to index
      %swap3A_1204 = arith.index_cast %swap3A_1200 : i32 to index
      %swap3A_1205 = arith.index_cast %mul3A_381 : i32 to index
      %swap3A_1206 = tpu.vector_load %arg7[%swap3A_1201, %swap3A_1202, %swap3A_1203, %swap3A_1204, %swap3A_1205] {strides = array<i32>} : memref<3x3x2x8x128xf32, #tpu.memory_space<vmem>>, vector<16xf32>,
      tpu.vector_store %arg7[%swap3A_1201, %swap3A_1202, %swap3A_1203, %swap3A_1204, %swap3A_1205], %select_n3A_1196 {strides = array<i32>} : memref<3x3x2x8x128xf32, #tpu.memory_space<vmem>>, vector<16xf32>,
      %select_n3A_1207 = arith.select %and3A_1173, %mul3A_976, %broadcast_in_dim3A_6 : vector<16xi1>, vector<16xf32>
      %swap3A_1208 = arith.constant 2 : i32
      %swap3A_1209 = arith.constant 2 : i32
      %swap3A_1210 = arith.constant 1 : i32
      %swap3A_1211 = arith.constant 3 : i32
      %swap3A_1212 = arith.index_cast %swap3A_1208 : i32 to index
      %swap3A_1213 = arith.index_cast %swap3A_1209 : i32 to index
      %swap3A_1214 = arith.index_cast %swap3A_1210 : i32 to index
      %swap3A_1215 = arith.index_cast %swap3A_1211 : i32 to index
      %swap3A_1216 = arith.index_cast %mul3A_381 : i32 to index
      %swap3A_1217 = tpu.vector_load %arg7[%swap3A_1212, %swap3A_1213, %swap3A_1214, %swap3A_1215, %swap3A_1216] {strides = array<i32>} : memref<3x3x2x8x128xf32, #tpu.memory_space<vmem>>, vector<16xf32>,
      tpu.vector_store %arg7[%swap3A_1212, %swap3A_1213, %swap3A_1214, %swap3A_1215, %swap3A_1216], %select_n3A_1207 {strides = array<i32>} : memref<3x3x2x8x128xf32, #tpu.memory_space<vmem>>, vector<16xf32>,
      %select_n3A_1218 = arith.select %and3A_1173, %mul3A_977, %broadcast_in_dim3A_6 : vector<16xi1>, vector<16xf32>
      %swap3A_1219 = arith.constant 2 : i32
      %swap3A_1220 = arith.constant 2 : i32
      %swap3A_1221 = arith.constant 1 : i32
      %swap3A_1222 = arith.constant 4 : i32
      %swap3A_1223 = arith.index_cast %swap3A_1219 : i32 to index
      %swap3A_1224 = arith.index_cast %swap3A_1220 : i32 to index
      %swap3A_1225 = arith.index_cast %swap3A_1221 : i32 to index
      %swap3A_1226 = arith.index_cast %swap3A_1222 : i32 to index
      %swap3A_1227 = arith.index_cast %mul3A_381 : i32 to index
      %swap3A_1228 = tpu.vector_load %arg7[%swap3A_1223, %swap3A_1224, %swap3A_1225, %swap3A_1226, %swap3A_1227] {strides = array<i32>} : memref<3x3x2x8x128xf32, #tpu.memory_space<vmem>>, vector<16xf32>,
      tpu.vector_store %arg7[%swap3A_1223, %swap3A_1224, %swap3A_1225, %swap3A_1226, %swap3A_1227], %select_n3A_1218 {strides = array<i32>} : memref<3x3x2x8x128xf32, #tpu.memory_space<vmem>>, vector<16xf32>,
      %select_n3A_1229 = arith.select %and3A_1173, %mul3A_978, %broadcast_in_dim3A_6 : vector<16xi1>, vector<16xf32>
      %swap3A_1230 = arith.constant 2 : i32
      %swap3A_1231 = arith.constant 2 : i32
      %swap3A_1232 = arith.constant 1 : i32
      %swap3A_1233 = arith.constant 5 : i32
      %swap3A_1234 = arith.index_cast %swap3A_1230 : i32 to index
      %swap3A_1235 = arith.index_cast %swap3A_1231 : i32 to index
      %swap3A_1236 = arith.index_cast %swap3A_1232 : i32 to index
      %swap3A_1237 = arith.index_cast %swap3A_1233 : i32 to index
      %swap3A_1238 = arith.index_cast %mul3A_381 : i32 to index
      %swap3A_1239 = tpu.vector_load %arg7[%swap3A_1234, %swap3A_1235, %swap3A_1236, %swap3A_1237, %swap3A_1238] {strides = array<i32>} : memref<3x3x2x8x128xf32, #tpu.memory_space<vmem>>, vector<16xf32>,
      tpu.vector_store %arg7[%swap3A_1234, %swap3A_1235, %swap3A_1236, %swap3A_1237, %swap3A_1238], %select_n3A_1229 {strides = array<i32>} : memref<3x3x2x8x128xf32, #tpu.memory_space<vmem>>, vector<16xf32>,
      %select_n3A_1240 = arith.select %and3A_1173, %broadcast_in_dim3A_358, %broadcast_in_dim3A_6 : vector<16xi1>, vector<16xf32>
      %swap3A_1241 = arith.constant 2 : i32
      %swap3A_1242 = arith.constant 2 : i32
      %swap3A_1243 = arith.constant 1 : i32
      %swap3A_1244 = arith.constant 6 : i32
      %swap3A_1245 = arith.index_cast %swap3A_1241 : i32 to index
      %swap3A_1246 = arith.index_cast %swap3A_1242 : i32 to index
      %swap3A_1247 = arith.index_cast %swap3A_1243 : i32 to index
      %swap3A_1248 = arith.index_cast %swap3A_1244 : i32 to index
      %swap3A_1249 = arith.index_cast %mul3A_381 : i32 to index
      %swap3A_1250 = tpu.vector_load %arg7[%swap3A_1245, %swap3A_1246, %swap3A_1247, %swap3A_1248, %swap3A_1249] {strides = array<i32>} : memref<3x3x2x8x128xf32, #tpu.memory_space<vmem>>, vector<16xf32>,
      tpu.vector_store %arg7[%swap3A_1245, %swap3A_1246, %swap3A_1247, %swap3A_1248, %swap3A_1249], %select_n3A_1240 {strides = array<i32>} : memref<3x3x2x8x128xf32, #tpu.memory_space<vmem>>, vector<16xf32>,
      %swap3A_1251 = arith.constant 2 : i32
      %swap3A_1252 = arith.constant 2 : i32
      %swap3A_1253 = arith.constant 1 : i32
      %swap3A_1254 = arith.constant 7 : i32
      %swap3A_1255 = arith.index_cast %swap3A_1251 : i32 to index
      %swap3A_1256 = arith.index_cast %swap3A_1252 : i32 to index
      %swap3A_1257 = arith.index_cast %swap3A_1253 : i32 to index
      %swap3A_1258 = arith.index_cast %swap3A_1254 : i32 to index
      %swap3A_1259 = arith.index_cast %mul3A_381 : i32 to index
      %swap3A_1260 = tpu.vector_load %arg7[%swap3A_1255, %swap3A_1256, %swap3A_1257, %swap3A_1258, %swap3A_1259] {strides = array<i32>} : memref<3x3x2x8x128xf32, #tpu.memory_space<vmem>>, vector<16xf32>,
      tpu.vector_store %arg7[%swap3A_1255, %swap3A_1256, %swap3A_1257, %swap3A_1258, %swap3A_1259], %broadcast_in_dim3A_6 {strides = array<i32>} : memref<3x3x2x8x128xf32, #tpu.memory_space<vmem>>, vector<16xf32>,
    }
    %scan3A_372 = arith.constant 8 : i32
    %mul3A_373 = arith.constant 2 : i32
    %mul3A_374 = arith.muli %add3A, %mul3A_373 : i32
    "tpu.region"() ({
      %run_scoped3A = tpu.sem_alloc : memref<!tpu.dma_semaphore, #tpu.memory_space<semaphore_mem>>
      %dma_start3A_375 = arith.constant 0 : i32
      %dma_start3A_376 = arith.constant 0 : i32
      %dma_start3A_377 = arith.constant 0 : i32
      %dma_start3A_378 = arith.constant 0 : i32
      %dma_start3A_379 = tpu.memref_slice %arg4[%dma_start3A_375, %dma_start3A_376, %mul3A_374, %dma_start3A_377, %dma_start3A_378] : memref<3x3x64x8x128xf32, #tpu.memory_space<hbm>> -> memref<3x3x2x8x128xf32, #tpu.memory_space<hbm>>
      %dma_start3A_380 = arith.constant 0 : i32
      %dma_start3A_381 = arith.constant 0 : i32
      %dma_start3A_382 = arith.constant 0 : i32
      %dma_start3A_383 = arith.constant 0 : i32
      %dma_start3A_384 = tpu.memref_slice %arg4[%dma_start3A_380, %dma_start3A_381, %mul3A_374, %dma_start3A_382, %dma_start3A_383] : memref<3x3x64x8x128xf32, #tpu.memory_space<hbm>> -> memref<3x3x2x8x128xf32, #tpu.memory_space<hbm>>
      tpu.enqueue_dma source(%arg7 : memref<3x3x2x8x128xf32, #tpu.memory_space<vmem>>) target(%dma_start3A_384 : memref<3x3x2x8x128xf32, #tpu.memory_space<hbm>>) target_semaphore(%run_scoped3A : memref<!tpu.dma_semaphore, #tpu.memory_space<semaphore_mem>>)
      %dma_wait3A_385 = arith.constant 0 : i32
      %dma_wait3A_386 = arith.constant 0 : i32
      %dma_wait3A_387 = arith.constant 0 : i32
      %dma_wait3A_388 = arith.constant 0 : i32
      %dma_wait3A_389 = tpu.memref_slice %arg4[%dma_wait3A_385, %dma_wait3A_386, %mul3A_374, %dma_wait3A_387, %dma_wait3A_388] : memref<3x3x64x8x128xf32, #tpu.memory_space<hbm>> -> memref<3x3x2x8x128xf32, #tpu.memory_space<hbm>>
      %dma_wait3A_390 = arith.constant 0 : i32
      %dma_wait3A_391 = arith.constant 0 : i32
      %dma_wait3A_392 = arith.constant 0 : i32
      %dma_wait3A_393 = arith.constant 0 : i32
      %dma_wait3A_394 = tpu.memref_slice %arg4[%dma_wait3A_390, %dma_wait3A_391, %mul3A_374, %dma_wait3A_392, %dma_wait3A_393] : memref<3x3x64x8x128xf32, #tpu.memory_space<hbm>> -> memref<3x3x2x8x128xf32, #tpu.memory_space<hbm>>
      tpu.wait_dma2 semaphore(%run_scoped3A : memref<!tpu.dma_semaphore, #tpu.memory_space<semaphore_mem>>) src(%arg7 : memref<3x3x2x8x128xf32, #tpu.memory_space<vmem>>) dst(%dma_wait3A_394 : memref<3x3x2x8x128xf32, #tpu.memory_space<hbm>>)
      tpu.yield
    }) : () -> ()
    return
  }
}

</mosaic_0001>

<sc_bundles>
// kernel: kernel.3.cloned.1.call-start
scs
__scs_entry_jumppad:
0x0: {  	(pc) =	sbr.rel $0x88, $3  }
0x1: {  	(tag) =	ssettag $0x0;
	lr =	simm.s32 $0x1  }
0x2: {  	[smem:$0x3F9E] =	sst lr;
	_ =	strace $0xD0000000  }
0x3: {  	_ = 	snop  }
0x4: {  	_ = 	snop  }
0x5: {  	_ = 	snop  }
0x6: {  	_ = 	snop  }
0x7: {  	_ = 	snop  }
__scs_overlays_trampoline_lowered:
0x8: {  	[smem:$0x3FAD] =	sst s0  }
0x9: {  	[smem:$0x3FAE] =	sst s1  }
0xa: {  	[smem:$0x3FAF] =	sst s2  }
0xb: {  	[smem:$0x3FB0] =	sst s3  }
0xc: {  	[smem:$0x3FB1] =	sst s4  }
0xd: {  	[smem:$0x3FB2] =	sst s5  }
0xe: {  	[smem:$0x3FB3] =	sst s6  }
0xf: {  	[smem:$0x3FB4] =	sst s7  }
0x10: {  	[smem:$0x3FB5] =	sst s8  }
0x11: {  	[smem:$0x3FB6] =	sst s9;
	s0 =	simm.s32 @!p0 $0x0  }
0x12: {  	s1 =	sld [smem:$0x3F9C];
	s0 =	simm.s32 @p0 $0x1  }
0x13: {  	[smem:$0x3FB7] =	sst s0;
	s0 =	simm.s32 @!p1 $0x0  }
0x14: {  	s2 =	sld [smem:$0x3F9B];
	s0 =	simm.s32 @p1 $0x1  }
0x15: {  	[smem:$0x3FB8] =	sst s0;
	s0 =	simm.s32 @!p2 $0x0  }
0x16: {  	s3 =	sld [smem:$0x3FDB];
	s0 =	simm.s32 @p2 $0x1  }
0x17: {  	s4 =	simm.s32 $0x1BF5;
	[smem:$0x3FBA] =	sst s0  }
0x18: {  	s0 =	sld [smem:$0x3F9D];
	_ =	swait.ge [sflag:s4], $0x0  }
0x19: {  	s7 =	sld [smem:$0x3F9E]  }
0x1a: {  	s8 =	sadd.s32 $0xFFFFE003, lr  }
0x1b: {  	s9 =	sadd.s32 $0xFFFFFEF7, lr;
	s5 =	simm.s32 $0xFFFFFFFF;
	p2 =	slt.u32 s8, $0xFFFFF086  }
0x1c: {  	p1 =	slt.u32 s9, $0xF7A;
	s5 =	simm.s32 @!p2 $0x0  }
0x1d: {  	s5 =	simm.s32 @p1 $0x1;
	p0 =	seq.s32 s7, s2  }
0x1e: {  	s7 =	smul.u32 @!p0 $0xF7A, s2;
	p2 =	seq.s32 @!p0 s5, $0x0  }
0x1f: {  	s9 =	smul.u32 $0xF7A, s1;
	s8 =	simm.s32 @!p0 $0x1BF5;
	p2 =	por !p2, p0  }
0x20: {  	[sflag:s8] =	ssyncset.s32 @!p0 $0xFFFFF086;
	s6 =	sadd.s32 @!p0 s3, s7;
	s7 =	simm.s32 @!p0 $0x108  }
0x21: {  	s3 =	sadd.s32 s3, s9;
	s6 =	sadd.s32 @!p0 $0x88, s6;
	s7 =	simm.s32 @p2 $0x1082  }
0x22: {  	[simem:s7], [sflag:s8] =	dma.local @!p0 [hbm:s6], $0xF7A  }
0x23: {  	s9 =	sor.u32 $0xD0000000, s2;
	s6 =	simm.s32 $0x108;
	_ =	swait.ge @!p0 [sflag:s8], $0x0  }
0x24: {  	s3 =	sadd.s32 $0x88, s3;
	s6 =	simm.s32 @!p1 $0x1082;
	[sflag:s4] =	ssyncset.s32 $0xFFFFF086  }
0x25: {  	[simem:s6], [sflag:s4] =	dma.local [hbm:s3], $0xF7A  }
0x26: {  	[smem:$0x3F9E] =	sst s1;
	(tag) =	ssettag s2;
	_ =	strace s9  }
0x27: {  	s1 =	sld [smem:$0x3FAE]  }
0x28: {  	s2 =	sld [smem:$0x3FAF]  }
0x29: {  	s4 =	sld [smem:$0x3FB1]  }
0x2a: {  	p0 =	seq.s32 s5, $0x0;
	s5 =	sld [smem:$0x3FB2]  }
0x2b: {  	s6 =	sld [smem:$0x3FB3]  }
0x2c: {  	s7 =	sld [smem:$0x3FB4]  }
0x2d: {  	s3 =	simm.s32 $0x108;
	s8 =	sld [smem:$0x3FB5]  }
0x2e: {  	s3 =	simm.s32 @!p0 $0x1082;
	s9 =	sld [smem:$0x3FB6]  }
0x2f: {  	lr =	sadd.s32 s0, s3;
	s0 =	sld [smem:$0x3FAD]  }
0x30: {  	s3 =	sld [smem:$0x3FB0]  }
0x31: {  	[smem:$0x3FB9] =	sst s10  }
0x32: {  	s10 =	sld [smem:$0x3FB7];
	_ =	sdelay $0x3  }
0x33: {  	p0 =	seq.s32 s10, $0x1;
	s10 =	sld [smem:$0x3FB9];
	_ =	sdelay $0x3  }
0x34: {  	[smem:$0x3FB9] =	sst s10  }
0x35: {  	s10 =	sld [smem:$0x3FB8];
	_ =	sdelay $0x3  }
0x36: {  	p1 =	seq.s32 s10, $0x1;
	s10 =	sld [smem:$0x3FB9];
	_ =	sdelay $0x3  }
0x37: {  	[smem:$0x3FB9] =	sst s10  }
0x38: {  	s10 =	sld [smem:$0x3FBA]  }
0x39: {  	_ = 	snop;
	(pc) =	sbr.ind lr, $3  }
0x3a: {  	_ = 	snop  }
0x3b: {  	_ = 	snop  }
0x3c: {  	p2 =	seq.s32 s10, $0x1;
	s10 =	sld [smem:$0x3FB9]  }
0x3d: {  	_ =	shalt  }
0x3e: {  	_ =	shalt  }
0x3f: {  	_ =	shalt  }
0x40: {  	_ =	shalt  }
0x41: {  	_ =	shalt  }
0x42: {  	_ =	shalt  }
0x43: {  	_ =	shalt  }
0x44: {  	_ =	shalt  }
0x45: {  	_ =	shalt  }
0x46: {  	_ =	shalt  }
0x47: {  	_ =	shalt  }
0x48: {  	_ =	shalt  }
0x49: {  	_ =	shalt  }
0x4a: {  	_ =	shalt  }
0x4b: {  	_ =	shalt  }
0x4c: {  	_ =	shalt  }
0x4d: {  	_ =	shalt  }
0x4e: {  	_ =	shalt  }
0x4f: {  	_ =	shalt  }
0x50: {  	_ =	shalt  }
0x51: {  	_ =	shalt  }
0x52: {  	_ =	shalt  }
0x53: {  	_ =	shalt  }
0x54: {  	_ =	shalt  }
0x55: {  	_ =	shalt  }
0x56: {  	_ =	shalt  }
0x57: {  	_ =	shalt  }
0x58: {  	_ =	shalt  }
0x59: {  	_ =	shalt  }
0x5a: {  	_ =	shalt  }
0x5b: {  	_ =	shalt  }
0x5c: {  	_ =	shalt  }
0x5d: {  	_ =	shalt  }
0x5e: {  	_ =	shalt  }
0x5f: {  	_ =	shalt  }
0x60: {  	_ =	shalt  }
0x61: {  	_ =	shalt  }
0x62: {  	_ =	shalt  }
0x63: {  	_ =	shalt  }
0x64: {  	_ =	shalt  }
0x65: {  	_ =	shalt  }
0x66: {  	_ =	shalt  }
0x67: {  	_ =	shalt  }
0x68: {  	_ =	shalt  }
0x69: {  	_ =	shalt  }
0x6a: {  	_ =	shalt  }
0x6b: {  	_ =	shalt  }
0x6c: {  	_ =	shalt  }
0x6d: {  	_ =	shalt  }
0x6e: {  	_ =	shalt  }
0x6f: {  	_ =	shalt  }
0x70: {  	_ =	shalt  }
0x71: {  	_ =	shalt  }
0x72: {  	_ =	shalt  }
0x73: {  	_ =	shalt  }
0x74: {  	_ =	shalt  }
0x75: {  	_ =	shalt  }
0x76: {  	_ =	shalt  }
0x77: {  	_ =	shalt  }
0x78: {  	_ =	shalt  }
0x79: {  	_ =	shalt  }
0x7a: {  	_ =	shalt  }
0x7b: {  	_ =	shalt  }
0x7c: {  	_ =	shalt  }
0x7d: {  	_ =	shalt  }
0x7e: {  	_ =	shalt  }
0x7f: {  	_ =	shalt  }
0x80: {  	_ =	shalt  }
0x81: {  	_ =	shalt  }
0x82: {  	_ =	shalt  }
0x83: {  	_ =	shalt  }
0x84: {  	_ =	shalt  }
0x85: {  	_ =	shalt  }
0x86: {  	_ =	shalt  }
0x87: {  	_ =	shalt  }
.Lfunc_end0:
.L_simem_size_0:
called_computation_lowered:
.L_overlay_start_0:
0x88: {  	s2 =	sld [smem:$0x3FD9]  }
0x89: {  	s3 =	sld [smem:$0x3FFE];
	_ =	sdelay $0x1  }
0x8a: {  	s1 =	srdreg.scid  }
0x8b: {  	s0 =	sand.u32 $0x1, s1  }
0x8c: {  	s14 =	sshll.u32 s0, $0xA;
	s2 =	sadd.s32 s3, s2  }
0x8d: {  	s2 =	sadd.s32 s2, s14  }
0x8e: {  	[smem:$0x3FC5] =	sst s2  }
0x8f: {  	_ = 	snop  }
0x90: {  	s2 =	sld [smem:$0x3FD0];
	_ =	sdelay $0x2  }
0x91: {  	s15 =	simm.s32 $0xA;
	s4 =	simm.s32 $0x10  }
0x92: {  	[smem:s4], [sflag:s15] =	dma.local [hbm:s2], $0x1  }
0x93: {  	_ =	swait.eq [sflag:s15], $0x1  }
0x94: {  	[sflag:s15] =	ssyncset.done $0x0  }
0x95: {  	[sflag:s15] =	ssyncadd.s32 $0xFFFFFFFF  }
0x96: {  	s16 =	sld [smem:$0x10];
	(tm) =	ssettm $0x1  }
0x97: {  	s17 =	sld [smem:$0x3FFB];
	_ =	sdelay $0x3  }
0x98: {  	_ =	strace s17  }
0x99: {  	s3 =	sld [smem:$0x3FFC];
	_ =	sdelay $0x3  }
0x9a: {  	_ =	strace s3  }
0x9b: {  	s3 =	sld [smem:$0x3FFD];
	_ =	sdelay $0x3  }
0x9c: {  	_ =	strace s3  }
0x9d: {  	_ =	strace $0x8FFFFFFF  }
0x9e: {  	s18 =	sld [smem:$0x3FDB];
	_ =	sdelay $0x1  }
0x9f: {  	s19 =	simm.s32 $_scs_section_size  }
0xa0: {  	s5 =	simm.s32 $_size__tile_overlayer_lowered;
	s6 =	simm.s32 $_tile_overlayer_lowered  }
0xa1: {  	s22 =	simm.s32 $0x1BFF;
	s21 =	sshll.u32 s6, $0x1;
	s3 =	sadd.s32 s19, s18  }
0xa2: {  	s7 =	simm.s32 $0x0;
	s20 =	sshll.u32 s5, $0x1;
	s5 =	sadd.s32 s21, s3  }
0xa3: {  	[timem:s7], [sflag:s22] =	dma.local [hbm:s5], s20  }
0xa4: {  	_ =	swait.ge [sflag:s22], s20  }
0xa5: {  	s4 =	ssub.s32 $0x0, s20;
	[sflag:s22] =	ssyncset.done $0x0  }
0xa6: {  	[sflag:s22] =	ssyncadd.s32 s4;
	_ =	sdelay $0x1  }
0xa7: {  	s23 =	simm.s32 $0x1B8B  }
0xa8: {  	_ =	swait.ge [sflag:s23], $0x1  }
0xa9: {  	[sflag:s23] =	ssyncset.done $0x0  }
0xaa: {  	s25 =	simm.s32 $0x1B8E;
	s24 =	sld [smem:$0x3FFE];
	[sflag:s23] =	ssyncadd.s32 $0xFFFFFFFF  }
0xab: {  	s26 =	simm.s32 $execute0_lowered;
	[smem:$0x3FD2] =	sst s25  }
0xac: {  	s5 =	sshll.u32 s26, $0x1;
	_ =	strace $0x80000046;
	[dreg:$0x1] =	wrdreg $0xFFFFFFFF  }
0xad: {  	s28 =	simm.s32 $_size_execute0_lowered;
	s3 =	sadd.s32 s3, s5;
	[dreg:$0x0] =	wrdreg $0x0  }
0xae: {  	s5 =	sshll.u32 s28, $0x1;
	[dreg:$0x2] =	wrdreg s3  }
0xaf: {  	[dreg:$0x3] =	wrdreg s5  }
0xb0: {  	[dreg:$0x4] =	wrdreg $0xC0  }
0xb1: {  	_ =	task [dreg:s7], $0x5FFFF  }
0xb2: {  	[dreg:$0x1] =	wrdreg $0xFFFFFFFF  }
0xb3: {  	[dreg:$0x0] =	wrdreg $0x60  }
0xb4: {  	[dreg:$0x2] =	wrdreg s24  }
0xb5: {  	[dreg:$0x3] =	wrdreg s16  }
0xb6: {  	[dreg:$0x4] =	wrdreg $0x9  }
0xb7: {  	_ =	task.clear_ibuf [dreg:s7], $0x5FFFF;
	_ =	strace $0x90000046  }
0xb8: {  	s29 =	simm.s32 $0x9;
	_ =	strace $0x80000048  }
0xb9: {  	_ =	swait.ge [sflag:s29], $0x1  }
0xba: {  	[sflag:s29] =	ssyncadd.s32 $0xFFFFFFFF  }
0xbb: {  	_ =	strace $0x90000048  }
0xbc: {  	_ =	sfence  }
0xbd: {  	s30 =	sld [smem:$0x0];
	_ =	sdelay $0x2  }
0xbe: {  	s31 =	sshll.u32 s1, $0xD;
	s1 =	sshrl.u32 s1, $0x2  }
0xbf: {  	s3 =	sand.u32 $0x4000, s31;
	s1 =	sadd.s32 s1, s30  }
0xc0: {  	s0 =	sor.u32 s3, s0;
	s1 =	sshll.u32 s1, $0x11  }
0xc1: {  	s0 =	sor.u32 s1, s0  }
0xc2: {  	s0 =	sadd.s32 $0x8F2B, s0  }
0xc3: {  	[sflag:s0] =	ssyncadd.remote.s32 $0x1  }
0xc4: {  	_ =	sfence.sel $0xFFFF  }
0xc5: {  	[dreg:$0x0] =	wrdreg $0xFFFFFFFF;
	(pc) =	sbr.abs _section_cstart, $3  }
0xc6: {  	[dreg:$0x1] =	wrdreg $0xFFFFFFFF  }
0xc7: {  	_ =	task.clear_ibuf [dreg:s7], $0x2FFFF;
	_ =	strace $0x9FFFFFFF  }
0xc8: {  	(tm) =	ssettm $0x7FFFFFFF  }
0xc9: {  	_ =	shalt  }
tec
execute0_lowered:
.L_overlay_start_1:
0x0: {  	(tag) =	ssettag $0x1  }
0x1: {  	s3 =	rddreg [dreg:$0x0]  }
0x2: {  	s1 =	srdreg.scid;
	s0 =	stileid.u32  }
0x3: {  	s5 =	rddreg [dreg:$0x1];
	s2 =	simm.s32 $0x0;
	s9 =	simm.s32 $0x600  }
0x4: {  	s10 =	simm.s32 $0x2;
	s11 =	simm.s32 $0x1;
	s12 =	simm.s32 $0x800  }
0x5: {  	s13 =	simm.s32 $0x10000;
	s14 =	simm.s32 $0x618;
	s15 =	simm.s32 $0x0  }
0x6: {  	s4 =	sand.u32 $0x1, s1;
	s6 =	sshll.u32 s0, $0x1;
	s1 =	rddreg [dreg:$0x2]  }
0x7: {  	[smem:$0x7FF] =	sst s2;
	s6 =	sor.u32 s4, s6;
	s4 =	ssub.s32 $0x2, s4  }
0x8: {  	vm0 =	vmmov $0x1;
	v0 =	vimm.s32 $0x0;
	_ =	strace $0x80000047;
	s7 =	sshll.u32 s6, $0x5;
	s8 =	sshrl.u32 s4, $0x1  }
0x9: {  	vm15 =	vmmov $0x7fff;
	v63 =	vimm.s32 $0x0;
	v0 =	vsel vm0, $0xFFFFFFFF, v0;
	s6 =	sshll.u32 s6, $0x8;
	s7 =	sadd.s32 s7, s3;
	s3 =	sadd.s32 $0x1E00, s3  }
0xa: {  	[tilespmem:$0x1FFE0] =	vst v0;
	v0 =	vsel vm15, $0xFFFFFFFF, v63;
	s8 =	ssub.s32 s4, s8;
	s5 =	sadd.s32 s5, s6;
	s4 =	sadd.s32 $0x600, s7  }
0xb: {  	[tilespmem:$0x1FFF0] =	vst v0;
	s6 =	smax.u32 s8, $0x1;
	s7 =	simm.s32 $0x100;
	s8 =	simm.s32 $0x2000  }
.LBB2_1:
0xc: {  	[tilespmem:s2], [sflag:$0x1] =	stream.strided.gather [hbm4b:s4+s7], $0x600, s8, s7, $0x38;
	[tilespmem:$0x4E18] =	vst v63  }
0xd: {  	_ = 	snop  }
0xe: {  	[tilespmem:s9], [sflag:$0x2] =	stream.linear.gather [hbm4b:s3+s2], $0x18, $0x38;
	[tilespmem:$0x4E18] =	vst v63  }
0xf: {  	_ =	swait.ge [sflag:s10], $0x18  }
0x10: {  	[sflag:s10] =	ssyncset.done $0x0  }
0x11: {  	v0 =	vld [tilespmem:$0x1FFE0];
	[sflag:s10] =	ssyncadd.s32 $0xFFFFFFE8  }
0x12: {  	v1 =	vld [tilespmem:$0x608]  }
0x13: {  	v2 =	vld [tilespmem:$0x600];
	_ =	sdelay $0x2  }
0x14: {  	vm0 =	vcmask $0x272C  }
0x15: {  	vm1 =	vnez.u8 v0;
	v3 =	vsel vm0, $0x0, v1  }
0x16: {  	vm6 =	vcmask $0x308;
	(xrf2) =	vadd.scan.msk.f32 $0xffff, v3;
	v3 =	vnsel vm1, $0x0, v2  }
0x17: {  	vm7 =	vcmask $0x70C;
	(xrf2) =	vadd.scan.msk.f32 $0xffff, v3;
	v3 =	vsel vm6, $0x0, v2  }
0x18: {  	vm8 =	vcmask $0xB10;
	(xrf2) =	vadd.scan.msk.f32 $0xffff, v3;
	v3 =	vsel vm7, $0x0, v2  }
0x19: {  	vm9 =	vcmask $0xF14;
	(xrf2) =	vadd.scan.msk.f32 $0xffff, v3;
	v3 =	vsel vm8, $0x0, v2  }
0x1a: {  	vm10 =	vcmask $0x1318;
	(xrf2) =	vadd.scan.msk.f32 $0xffff, v3;
	v3 =	vsel vm9, $0x0, v2  }
0x1b: {  	vm11 =	vcmask $0x2B30;
	(xrf2) =	vadd.scan.msk.f32 $0xffff, v3;
	v3 =	vsel vm10, $0x0, v2  }
0x1c: {  	vm2 =	vcmask $0x171C;
	(xrf2) =	vadd.scan.msk.f32 $0xffff, v3;
	v3 =	vsel vm11, $0x0, v1  }
0x1d: {  	vm12 =	vcmask $0x1B20;
	(xrf2) =	vadd.scan.msk.f32 $0xffff, v3;
	v3 =	vsel vm2, $0x0, v2  }
0x1e: {  	vm13 =	vcmask $0x1F24;
	(xrf2) =	vadd.scan.msk.f32 $0xffff, v3;
	v3 =	vsel vm12, $0x0, v2  }
0x1f: {  	vm3 =	vcmask $0x2328;
	(xrf2) =	vadd.scan.msk.f32 $0xffff, v3;
	v3 =	vsel vm13, $0x0, v2  }
0x20: {  	v4, _, _ =	vpop (xrf2);
	(xrf2) =	vadd.scan.msk.f32 $0xffff, v3;
	v3 =	vsel vm3, $0x0, v2  }
0x21: {  	v5, _, _ =	vpop (xrf2);
	(xrf2) =	vadd.scan.msk.f32 $0xffff, v3;
	v3 =	vsel vm0, $0x0, v2  }
0x22: {  	vm14 =	vcmask $0x2F34;
	v6, _, _ =	vpop (xrf2);
	(xrf2) =	vadd.scan.msk.f32 $0xffff, v3;
	v3 =	vsel vm11, $0x0, v2  }
0x23: {  	v7, _, _ =	vpop (xrf2);
	(xrf2) =	vadd.scan.msk.f32 $0xffff, v3;
	v3 =	vsel vm14, $0x0, v1;
	_ =	sdelay $0x1  }
0x24: {  	v8, _, _ =	vpop (xrf2);
	(xrf2) =	vadd.scan.msk.f32 $0xffff, v3  }
0x25: {  	v0 =	vld [tilespmem:$0x1FFF0];
	v3, _, _ =	vpop (xrf2)  }
0x26: {  	v9, _, _ =	vpop (xrf2)  }
0x27: {  	v4 =	vbroadcast v4, $0xF;
	v10, _, _ =	vpop (xrf2)  }
0x28: {  	vm15 =	vcmask $0x3338;
	v11 =	vsel vm14, $0x0, v2;
	v12, _, _ =	vpop (xrf2)  }
0x29: {  	vm4 =	vcmask $0x373C;
	(erf) = vrcp.f32 v4;
	(xrf2) =	vadd.scan.msk.f32 $0xffff, v11;
	v11 =	vsel vm15, $0x0, v2;
	v13, _, _ =	vpop (xrf2)  }
0x2a: {  	vm5 =	vnez.u8 v0;
	v15, _, _ =	vpop (xrf2);
	(xrf2) =	vadd.scan.msk.f32 $0xffff, v11;
	v11 =	vsel vm4, $0x0, v2  }
0x2b: {  	v2 =	vsel vm5, $0x0, v2;
	v32, _, _ =	vpop (xrf2);
	(xrf2) =	vadd.scan.msk.f32 $0xffff, v11  }
0x2c: {  	v33, _, _ =	vpop (xrf2);
	(xrf2) =	vadd.scan.msk.f32 $0xffff, v2;
	v2 =	vsel vm13, $0x0, v1  }
0x2d: {  	v36, _, _ =	vpop (xrf2);
	(xrf2) =	vadd.scan.msk.f32 $0xffff, v2;
	v2 =	vbroadcast v10, $0xF  }
0x2e: {  	v1 =	vsel vm3, $0x0, v1;
	v10, _, _ =	vpop (xrf2)  }
0x2f: {  	(xrf2) =	vadd.scan.msk.f32 $0xffff, v1;
	v50 =	vbroadcast v10, $0xF;
	(erf) = vrcp.f32 v2;
	_ =	sdelay $0x1  }
0x30: {  	(erf) = vrcp.f32 v50  }
0x31: {  	v11 =	vpop (erf)  }
0x32: {  	v51, _, _ =	vpop (xrf2)  }
0x33: {  	v31, _, _ =	vpop (xrf2)  }
0x34: {  	v39, _, _ =	vpop (xrf2)  }
0x35: {  	v30, _, _ =	vpop (xrf2)  }
0x36: {  	v10, _, _ =	vpop (xrf2)  }
0x37: {  	v2 =	vpop (erf);
	v54 =	vbroadcast v10, $0xF  }
0x38: {  	v5 =	vbroadcast v5, $0xF;
	v52, _, _ =	vpop (xrf2)  }
0x39: {  	v53 =	vbroadcast v8, $0xF;
	v1 =	vpop (erf);
	v8 =	vmul.f32 $4.000000000e+00, v54  }
0x3a: {  	v55 =	vbroadcast v9, $0xF;
	v9 =	vmul.f32 $2.500000000e-01, v54;
	_ =	swait.ge [sflag:s11], $0x600  }
0x3b: {  	v6 =	vbroadcast v6, $0xF;
	v25 =	vmul.f32 $4.000000000e+00, v5;
	[tilespmem:$0x1FE70] =	vst v8  }
0x3c: {  	v26 =	vmul.f32 $2.500000000e-01, v5;
	[tilespmem:$0x1FE80] =	vst v9  }
0x3d: {  	v7 =	vbroadcast v7, $0xF;
	v23 =	vmul.f32 $4.000000000e+00, v6;
	[tilespmem:$0x1FEB0] =	vst v25  }
0x3e: {  	v24 =	vmul.f32 $2.500000000e-01, v6;
	[tilespmem:$0x1FEC0] =	vst v26  }
0x3f: {  	v22 =	vmul.f32 $4.000000000e+00, v7;
	v3 =	vbroadcast v3, $0xF;
	[tilespmem:$0x1FED0] =	vst v23  }
0x40: {  	v21 =	vmul.f32 $2.500000000e-01, v7;
	[tilespmem:$0x1FEE0] =	vst v24  }
0x41: {  	v14 =	vmul.f32 $4.000000000e+00, v3;
	[tilespmem:$0x1FEF0] =	vst v22  }
0x42: {  	v17 =	vmul.f32 $2.500000000e-01, v3;
	[tilespmem:$0x1FF00] =	vst v21  }
0x43: {  	v19 =	vmul.f32 $4.000000000e+00, v53;
	v3 =	vbroadcast v12, $0xF;
	[tilespmem:$0x1FF10] =	vst v14  }
0x44: {  	v16 =	vmul.f32 $2.500000000e-01, v53;
	[sflag:s11] =	ssyncset.done $0x0;
	[tilespmem:$0x1FF20] =	vst v17  }
0x45: {  	s16 =	simm.s32 $0x0;
	v12 =	vmul.f32 $2.500000000e-01, v3;
	[tilespmem:$0x1FF30] =	vst v19;
	[sflag:s11] =	ssyncadd.s32 $0xFFFFFA00  }
0x46: {  	v20 =	vmul.f32 $4.000000000e+00, v55;
	v5 =	vbroadcast v52, $0xF;
	[tilespmem:$0x1FF40] =	vst v16;
	v41 =	vld [tilespmem:s16+$0x500]  }
0x47: {  	v18 =	vmul.f32 $2.500000000e-01, v55;
	[tilespmem:$0x1FF50] =	vst v12  }
0x48: {  	v56 =	vmul.f32 $4.000000000e+00, v5;
	[tilespmem:$0x1FF60] =	vst v20  }
0x49: {  	v0 =	vmul.f32 $2.500000000e-01, v5;
	[tilespmem:$0x1FF70] =	vst v18  }
0x4a: {  	[tilespmem:$0x1FE90] =	vst v56  }
0x4b: {  	[tilespmem:$0x1FEA0] =	vst v0;
	vm9 =	vlt.f32 v0, v41;
	v0 =	vimm.f32 $0.0e+00  }
0x4c: {  	[tilespmem:s16+$0x918] =	vst v0  }
0x4d: {  	v40 =	vld [tilespmem:s16+$0x400];
	[tilespmem:s16+$0x998] =	vst v0  }
0x4e: {  	[tilespmem:s16+$0x1198] =	vst v0  }
0x4f: {  	v4 =	vbroadcast v51, $0xF;
	[tilespmem:s16+$0x1998] =	vst v0  }
0x50: {  	[tilespmem:s16+$0x2118] =	vst v0  }
0x51: {  	v57 =	vbroadcast v13, $0xF;
	v29 =	vmul.f32 $4.000000000e+00, v4;
	v44 =	vld [tilespmem:s16+$0x200];
	[tilespmem:s16+$0x2198] =	vst v0  }
0x52: {  	v34 =	vmul.f32 $2.500000000e-01, v4;
	v30 =	vbroadcast v30, $0xF;
	v45 =	vld [tilespmem:s16+$0x300];
	vm6 =	vlt.f32 v40, v8;
	[tilespmem:s16+$0x2998] =	vst v0  }
0x53: {  	v42 =	vld [tilespmem:s16+$0x0];
	vm7 =	vlt.f32 v9, v40;
	vm8 =	vlt.f32 v41, v56;
	vm10 =	vlt.f32 v40, v25;
	[tilespmem:s16+$0x3198] =	vst v0  }
0x54: {  	v43 =	vld [tilespmem:s16+$0x100];
	vm4 =	vlt.f32 v40, v22;
	vm5 =	vlt.f32 v21, v40;
	vm0 =	vmand vm6, vm7;
	[tilespmem:s16+$0x3918] =	vst v0  }
0x55: {  	vm15 =	vlt.f32 v41, v19;
	[tilespmem:s16+$0x3998] =	vst v0;
	vm4 =	vmand vm4, vm5;
	vm0 =	vmand vm0, vm8  }
0x56: {  	vm1 =	vlt.f32 v16, v41;
	[tilespmem:s16+$0x4198] =	vst v0;
	vm4 =	vmand vm4, vm15;
	vm2 =	vmand vm9, vm0  }
0x57: {  	vm11 =	vlt.f32 v26, v40;
	[tilespmem:s16+$0x4998] =	vst v0;
	vm4 =	vmand vm1, vm4;
	v58 =	vsel vm2, $0x40000000, v0  }
0x58: {  	vm14 =	vlt.f32 v40, v14;
	v62 =	vmul.f32 v44, v11;
	v16 =	vnsel vm4, $0x0, v42;
	[tilespmem:s16+$0x4918] =	vst v58  }
0x59: {  	v4 =	vmul.f32 v45, v11;
	vm6 =	vlt.f32 v17, v40;
	v17 =	vnsel vm4, $0x0, v43;
	[tilespmem:s16+$0xE18] =	vst v16  }
0x5a: {  	v6 =	vmul.f32 v40, v11;
	v13 =	vmul.f32 v41, v11;
	v19 =	vnsel vm4, $0x0, v62;
	[tilespmem:s16+$0xE98] =	vst v17  }
0x5b: {  	vm3 =	vmand vm14, vm6;
	vm14 =	vlt.f32 v41, v20;
	v20 =	vnsel vm4, $0x0, v4;
	[tilespmem:s16+$0xF18] =	vst v19  }
0x5c: {  	vm12 =	vlt.f32 v41, v23;
	vm0 =	vmand vm10, vm11;
	v21 =	vnsel vm4, $0x0, v6;
	[tilespmem:s16+$0xF98] =	vst v20  }
0x5d: {  	vm13 =	vlt.f32 v24, v41;
	vm0 =	vmand vm0, vm12;
	v22 =	vnsel vm4, $0x0, v13;
	[tilespmem:s16+$0x1018] =	vst v21  }
0x5e: {  	vm12 =	vlt.f32 v12, v40;
	v23 =	vsel vm4, $0x3F800000, v0;
	v12 =	vmul.f32 $4.000000000e+00, v30;
	[tilespmem:s16+$0x1098] =	vst v22  }
0x5f: {  	v8 =	vmul.f32 $4.000000000e+00, v3;
	v3 =	vbroadcast v15, $0xF;
	vm0 =	vmand vm13, vm0;
	[tilespmem:s16+$0x1118] =	vst v23  }
0x60: {  	v59 =	vbroadcast v32, $0xF;
	v63 =	vnsel vm0, $0x0, v42;
	[tilespmem:$0x1FFA0] =	vst v12  }
0x61: {  	v7 =	vmul.f32 $4.000000000e+00, v3;
	v5 =	vmul.f32 $2.500000000e-01, v3;
	v46 =	vnsel vm0, $0x0, v43;
	[tilespmem:s16+$0x618] =	vst v63  }
0x62: {  	vm8 =	vlt.f32 v40, v8;
	vm15 =	vlt.f32 v18, v41;
	v47 =	vnsel vm0, $0x0, v62;
	[tilespmem:s16+$0x698] =	vst v46  }
0x63: {  	vm3 =	vmand vm3, vm14;
	vm9 =	vlt.f32 v5, v40;
	v48 =	vnsel vm0, $0x0, v4;
	[tilespmem:s16+$0x718] =	vst v47  }
0x64: {  	vm13 =	vlt.f32 v40, v7;
	v14 =	vnsel vm0, $0x0, v6;
	v15 =	vnsel vm0, $0x0, v13;
	[tilespmem:s16+$0x798] =	vst v48  }
0x65: {  	vm0 =	vmand vm8, vm12;
	vm8 =	vmand vm13, vm9;
	vm13 =	vmand vm15, vm3;
	[tilespmem:s16+$0x818] =	vst v14  }
0x66: {  	v38 =	vmul.f32 $4.000000000e+00, v59;
	[tilespmem:s16+$0x898] =	vst v15;
	v52 =	vnsel vm13, $0x0, v42  }
0x67: {  	v37 =	vmul.f32 $2.500000000e-01, v59;
	v60 =	vbroadcast v36, $0xF;
	v53 =	vnsel vm13, $0x0, v43;
	[tilespmem:s16+$0x1618] =	vst v52  }
0x68: {  	v61 =	vbroadcast v39, $0xF;
	v3 =	vbroadcast v33, $0xF;
	v33 =	vnsel vm13, $0x0, v62;
	[tilespmem:s16+$0x1698] =	vst v53  }
0x69: {  	v31 =	vbroadcast v31, $0xF;
	v10 =	vmul.f32 $4.000000000e+00, v57;
	v39 =	vnsel vm13, $0x0, v4;
	[tilespmem:s16+$0x1718] =	vst v33  }
0x6a: {  	v27 =	vmul.f32 $4.000000000e+00, v61;
	v28 =	vmul.f32 $2.500000000e-01, v61;
	v54 =	vnsel vm13, $0x0, v6;
	[tilespmem:s16+$0x1798] =	vst v39  }
0x6b: {  	v9 =	vmul.f32 $2.500000000e-01, v57;
	vm14 =	vlt.f32 v40, v29;
	v55 =	vnsel vm13, $0x0, v13;
	[tilespmem:s16+$0x1818] =	vst v54  }
0x6c: {  	vm15 =	vlt.f32 v34, v40;
	v56 =	vsel vm13, $0x40000000, v0;
	v62 =	vmul.f32 $4.000000000e+00, v31;
	[tilespmem:s16+$0x1898] =	vst v55  }
0x6d: {  	v36 =	vmovc v9;
	vm4 =	vmand vm14, vm15;
	vm15 =	vlt.f32 v9, v41;
	v9 =	vmul.f32 $2.500000000e-01, v60;
	[tilespmem:s16+$0x1918] =	vst v56  }
0x6e: {  	v57 =	vmul.f32 v44, v2;
	vm12 =	vlt.f32 v41, v10;
	v63 =	vmul.f32 $2.500000000e-01, v31;
	[tilespmem:$0x1FF90] =	vst v62  }
0x6f: {  	v59 =	vmul.f32 v45, v2;
	vm0 =	vmand vm0, vm12;
	v14 =	vmul.f32 $2.500000000e-01, v30;
	[tilespmem:$0x1FFB0] =	vst v9  }
0x70: {  	v61 =	vmul.f32 v40, v2;
	v50 =	vmul.f32 v41, v2;
	vm0 =	vmand vm15, vm0;
	[tilespmem:$0x1FFC0] =	vst v63  }
0x71: {  	v35 =	vmul.f32 $4.000000000e+00, v3;
	v3 =	vmul.f32 $2.500000000e-01, v3;
	v58 =	vnsel vm0, $0x0, v42;
	[tilespmem:$0x1FFD0] =	vst v14  }
0x72: {  	vm10 =	vlt.f32 v40, v27;
	vm11 =	vlt.f32 v28, v40;
	v49 =	vnsel vm0, $0x0, v57;
	[tilespmem:s16+$0x1E18] =	vst v58  }
0x73: {  	vm6 =	vlt.f32 v40, v35;
	vm1 =	vlt.f32 v3, v40;
	v51 =	vnsel vm0, $0x0, v59;
	[tilespmem:s16+$0x1F18] =	vst v49  }
0x74: {  	vm3 =	vmand vm6, vm1;
	vm14 =	vlt.f32 v41, v38;
	v13 =	vnsel vm0, $0x0, v61;
	[tilespmem:s16+$0x1F98] =	vst v51  }
0x75: {  	vm1 =	vlt.f32 v37, v41;
	vm6 =	vmand vm8, vm14;
	v15 =	vnsel vm0, $0x0, v50;
	[tilespmem:s16+$0x2018] =	vst v13  }
0x76: {  	vm6 =	vmand vm1, vm6;
	v39 =	vmovc v10;
	v10 =	vmul.f32 $4.000000000e+00, v60;
	v60 =	vnsel vm0, $0x0, v43;
	[tilespmem:s16+$0x2098] =	vst v15  }
0x77: {  	vm5 =	vmand vm10, vm11;
	v16 =	vnsel vm6, $0x0, v42;
	[tilespmem:s16+$0x1E98] =	vst v60  }
0x78: {  	v40 =	vmul.f32 v40, v1;
	vm12 =	vlt.f32 v41, v12;
	v17 =	vnsel vm6, $0x0, v43;
	[tilespmem:s16+$0x2618] =	vst v16  }
0x79: {  	vm11 =	vlt.f32 v41, v62;
	vm13 =	vlt.f32 v9, v41;
	v18 =	vnsel vm6, $0x0, v57;
	[tilespmem:s16+$0x2698] =	vst v17  }
0x7a: {  	vm14 =	vlt.f32 v63, v41;
	vm15 =	vlt.f32 v14, v41;
	v19 =	vnsel vm6, $0x0, v59;
	[tilespmem:s16+$0x2718] =	vst v18  }
0x7b: {  	v62 =	vmul.f32 v44, v1;
	v63 =	vmul.f32 v45, v1;
	v20 =	vnsel vm6, $0x0, v61;
	[tilespmem:s16+$0x2798] =	vst v19  }
0x7c: {  	v21 =	vnsel vm6, $0x0, v50;
	v52 =	vsel vm6, $0x3F800000, v0;
	[tilespmem:s16+$0x2818] =	vst v20;
	vm10 =	vlt.f32 v41, v10  }
0x7d: {  	[tilespmem:s16+$0x2918] =	vst v52;
	v52 =	vnsel vm2, $0x0, v42;
	v49 =	vnsel vm2, $0x0, v62;
	vm0 =	vmand vm3, vm10  }
0x7e: {  	[tilespmem:s16+$0x2898] =	vst v21;
	vm3 =	vmand vm4, vm11;
	vm4 =	vmand vm5, vm12;
	vm5 =	vmand vm13, vm0  }
0x7f: {  	[tilespmem:$0x1FF80] =	vst v10;
	v41 =	vmul.f32 v41, v1;
	vm3 =	vmand vm14, vm3;
	v22 =	vnsel vm5, $0x0, v42  }
0x80: {  	vm0 =	vmand vm15, vm4;
	v53 =	vnsel vm5, $0x0, v43;
	v46 =	vnsel vm5, $0x0, v57;
	[tilespmem:s16+$0x2E18] =	vst v22  }
0x81: {  	v47 =	vnsel vm5, $0x0, v59;
	v48 =	vnsel vm5, $0x0, v61;
	v50 =	vnsel vm5, $0x0, v50;
	[tilespmem:s16+$0x2E98] =	vst v53  }
0x82: {  	v30 =	vmovc v3;
	v23 =	vsel vm5, $0x40000000, v0;
	v3 =	vnsel vm3, $0x0, v42;
	v61 =	vnsel vm3, $0x0, v43;
	[tilespmem:s16+$0x2F18] =	vst v46  }
0x83: {  	v45 =	vnsel vm3, $0x0, v62;
	v44 =	vnsel vm3, $0x0, v63;
	v60 =	vnsel vm3, $0x0, v40;
	[tilespmem:s16+$0x2F98] =	vst v47  }
0x84: {  	v59 =	vnsel vm3, $0x0, v41;
	v58 =	vnsel vm0, $0x0, v42;
	v57 =	vnsel vm0, $0x0, v43;
	[tilespmem:s16+$0x3018] =	vst v48  }
0x85: {  	v56 =	vnsel vm0, $0x0, v62;
	v55 =	vnsel vm0, $0x0, v63;
	v54 =	vnsel vm0, $0x0, v40;
	[tilespmem:s16+$0x3098] =	vst v50  }
0x86: {  	v32 =	vmovc v7;
	v51 =	vsel vm0, $0x3F800000, v0;
	v53 =	vnsel vm0, $0x0, v41;
	[tilespmem:s16+$0x3118] =	vst v23;
	v50 =	vnsel vm2, $0x0, v43  }
0x87: {  	s17 =	simm.s32 $0x10;
	s18 =	simm.s32 $0x80;
	v31 =	vmovc v5;
	v33 =	vmovc v8;
	v48 =	vnsel vm2, $0x0, v63;
	v47 =	vnsel vm2, $0x0, v40;
	v46 =	vnsel vm2, $0x0, v41;
	[tilespmem:s16+$0x3618] =	vst v3  }
.LBB2_2:
0x88: {  	v42 =	vld [tilespmem:s17+$0x400]  }
0x89: {  	v0 =	vld [tilespmem:$0x1FEB0];
	_ =	sdelay $0x4  }
0x8a: {  	vm0 =	vlt.f32 v42, v0;
	v0 =	vimm.s32 $0x0  }
0x8b: {  	v0 =	vsel vm0, $0xFFFFFFFF, v0  }
0x8c: {  	[tilespmem:$0x1FE50] =	vst v0;
	v0 =	vld [tilespmem:$0x1FE70];
	_ =	sdelay $0x4  }
0x8d: {  	vm2 =	vlt.f32 v42, v0;
	v0 =	vld [tilespmem:$0x1FE80];
	_ =	sdelay $0x4  }
0x8e: {  	vm4 =	vlt.f32 v0, v42;
	v0 =	vld [tilespmem:$0x1FEC0];
	_ =	sdelay $0x2  }
0x8f: {  	[tilespmem:s16+$0x3698] =	vst v61  }
0x90: {  	v43 =	vld [tilespmem:s17+$0x500]  }
0x91: {  	vm3 =	vlt.f32 v0, v42;
	v0 =	vld [tilespmem:$0x1FE90];
	_ =	sdelay $0x4  }
0x92: {  	vm13 =	vlt.f32 v43, v0;
	v0 =	vld [tilespmem:$0x1FEF0];
	_ =	sdelay $0x4  }
0x93: {  	vm5 =	vlt.f32 v42, v0;
	v0 =	vld [tilespmem:$0x1FEA0]  }
0x94: {  	v3 =	vld [tilespmem:$0x1FF50];
	_ =	sdelay $0x3  }
0x95: {  	vm2 =	vmand vm2, vm4;
	vm14 =	vlt.f32 v0, v43;
	v0 =	vld [tilespmem:$0x1FF00]  }
0x96: {  	vm2 =	vmand vm2, vm13;
	vm13 =	vlt.f32 v3, v42;
	v3 =	vld [tilespmem:$0x1FE50];
	_ =	sdelay $0x3  }
0x97: {  	vm6 =	vlt.f32 v0, v42;
	v0 =	vld [tilespmem:$0x1FF10]  }
0x98: {  	vm15 =	vmand vm14, vm2;
	vm2 =	vnez.u8 v3;
	v3 =	vld [tilespmem:$0x1FED0];
	_ =	sdelay $0x1  }
0x99: {  	[tilespmem:s16+$0x3718] =	vst v45  }
0x9a: {  	v45 =	vld [tilespmem:s17+$0x200];
	[tilespmem:s16+$0x3798] =	vst v44  }
0x9b: {  	v44 =	vld [tilespmem:s17+$0x300];
	vm8 =	vlt.f32 v42, v0;
	v0 =	vimm.s32 $0x0  }
0x9c: {  	[tilespmem:s16+$0x3818] =	vst v60;
	vm6 =	vmand vm5, vm6;
	vm5 =	vlt.f32 v43, v3;
	v3 =	vld [tilespmem:$0x1FF30];
	v0 =	vsel vm15, $0xFFFFFFFF, v0  }
0x9d: {  	[tilespmem:$0x1FE60] =	vst v0;
	v0 =	vld [tilespmem:$0x1FF20]  }
0x9e: {  	v40 =	vld [tilespmem:s17+$0x0];
	[tilespmem:s16+$0x3898] =	vst v59  }
0x9f: {  	v41 =	vld [tilespmem:s17+$0x100];
	[tilespmem:s16+$0x3E18] =	vst v58  }
0xa0: {  	[tilespmem:s16+$0x3E98] =	vst v57  }
0xa1: {  	[tilespmem:s16+$0x3F18] =	vst v56;
	vm3 =	vmand vm2, vm3  }
0xa2: {  	[tilespmem:s16+$0x3F98] =	vst v55;
	vm2 =	vlt.f32 v43, v3;
	v3 =	vld [tilespmem:$0x1FF60];
	vm4 =	vlt.f32 v0, v42;
	v0 =	vimm.f32 $0.0e+00  }
0xa3: {  	[tilespmem:s16+$0x4018] =	vst v54;
	v7 =	vsel vm15, $0x40000000, v0  }
0xa4: {  	[tilespmem:s17+$0x4918] =	vst v7  }
0xa5: {  	vm9 =	vlt.f32 v42, v33;
	[tilespmem:s16+$0x4098] =	vst v53  }
0xa6: {  	vm10 =	vlt.f32 v42, v35;
	vm11 =	vlt.f32 v30, v42;
	vm4 =	vmand vm8, vm4;
	[tilespmem:s16+$0x4118] =	vst v51  }
0xa7: {  	vm8 =	vmand vm9, vm13;
	vm9 =	vmand vm10, vm11;
	vm11 =	vlt.f32 v43, v3;
	v3 =	vld [tilespmem:$0x1FF80];
	[tilespmem:s16+$0x4618] =	vst v52  }
0xa8: {  	[tilespmem:s16+$0x4698] =	vst v50  }
0xa9: {  	[tilespmem:s16+$0x4718] =	vst v49  }
0xaa: {  	[tilespmem:s16+$0x4798] =	vst v48  }
0xab: {  	vm7 =	vlt.f32 v31, v42;
	vm14 =	vlt.f32 v42, v32;
	[tilespmem:s16+$0x4818] =	vst v47  }
0xac: {  	vm7 =	vmand vm14, vm7;
	[tilespmem:s16+$0x4898] =	vst v46;
	s16 =	smov.u32 s17;
	vm14 =	vlt.f32 v43, v3;
	v3 =	vld [tilespmem:$0x1FF90]  }
0xad: {  	[tilespmem:s16+$0x918] =	vst v0  }
0xae: {  	[tilespmem:s16+$0x998] =	vst v0  }
0xaf: {  	[tilespmem:s16+$0x1198] =	vst v0  }
0xb0: {  	vm0 =	vlt.f32 v28, v42;
	vm15 =	vlt.f32 v42, v27;
	[tilespmem:s16+$0x1998] =	vst v0  }
0xb1: {  	vm0 =	vmand vm15, vm0;
	[tilespmem:s16+$0x2118] =	vst v0;
	vm15 =	vlt.f32 v43, v3;
	v3 =	vld [tilespmem:$0x1FFA0]  }
0xb2: {  	[tilespmem:s16+$0x2198] =	vst v0  }
0xb3: {  	vm12 =	vlt.f32 v42, v29;
	vm1 =	vlt.f32 v34, v42;
	[tilespmem:s16+$0x2998] =	vst v0  }
0xb4: {  	vm1 =	vmand vm12, vm1;
	[tilespmem:s16+$0x3198] =	vst v0  }
0xb5: {  	vm12 =	vlt.f32 v43, v39;
	vm5 =	vmand vm3, vm5;
	vm3 =	vmand vm6, vm2;
	[tilespmem:s16+$0x3918] =	vst v0  }
0xb6: {  	vm10 =	vlt.f32 v36, v43;
	vm8 =	vmand vm8, vm12;
	[tilespmem:s16+$0x3998] =	vst v0;
	vm2 =	vlt.f32 v43, v3;
	v3 =	vld [tilespmem:$0x1FEE0]  }
0xb7: {  	vm13 =	vlt.f32 v43, v38;
	vm8 =	vmand vm10, vm8;
	[tilespmem:s16+$0x4198] =	vst v0  }
0xb8: {  	v50 =	vmul.f32 v45, v2;
	v51 =	vmul.f32 v44, v2;
	[tilespmem:s16+$0x4998] =	vst v0;
	v6 =	vnsel vm8, $0x0, v40  }
0xb9: {  	vm6 =	vmand vm4, vm11;
	vm4 =	vmand vm7, vm13;
	v7 =	vnsel vm8, $0x0, v41;
	[tilespmem:s16+$0x1E18] =	vst v6  }
0xba: {  	v52 =	vmul.f32 v42, v2;
	v8 =	vnsel vm8, $0x0, v50;
	v9 =	vnsel vm8, $0x0, v51;
	[tilespmem:s16+$0x1E98] =	vst v7  }
0xbb: {  	[tilespmem:s16+$0x1F18] =	vst v8;
	vm13 =	vmand vm9, vm14;
	vm9 =	vmand vm0, vm2;
	vm0 =	vlt.f32 v3, v43  }
0xbc: {  	v10 =	vnsel vm8, $0x0, v52;
	[tilespmem:s16+$0x1F98] =	vst v9;
	vm5 =	vmand vm0, vm5  }
0xbd: {  	v46 =	vmul.f32 v45, v11;
	[tilespmem:s16+$0x2018] =	vst v10;
	v13 =	vnsel vm5, $0x0, v40  }
0xbe: {  	v47 =	vmul.f32 v44, v11;
	v14 =	vnsel vm5, $0x0, v41;
	[tilespmem:s16+$0x618] =	vst v13  }
0xbf: {  	v48 =	vmul.f32 v42, v11;
	v15 =	vnsel vm5, $0x0, v46;
	[tilespmem:s16+$0x698] =	vst v14  }
0xc0: {  	v12 =	vmul.f32 v43, v11;
	v16 =	vnsel vm5, $0x0, v47;
	[tilespmem:s16+$0x718] =	vst v15  }
0xc1: {  	vm11 =	vlt.f32 v37, v43;
	v17 =	vnsel vm5, $0x0, v48;
	[tilespmem:s16+$0x798] =	vst v16  }
0xc2: {  	vm11 =	vmand vm11, vm4;
	v3 =	vld [tilespmem:$0x1FF40];
	v18 =	vnsel vm5, $0x0, v12;
	[tilespmem:s16+$0x818] =	vst v17  }
0xc3: {  	[tilespmem:s16+$0x898] =	vst v18;
	v13 =	vnsel vm11, $0x0, v41  }
0xc4: {  	v14 =	vnsel vm11, $0x0, v50;
	[tilespmem:s16+$0x2698] =	vst v13  }
0xc5: {  	v53 =	vmul.f32 v43, v2;
	v15 =	vnsel vm11, $0x0, v51;
	[tilespmem:s16+$0x2718] =	vst v14  }
0xc6: {  	v16 =	vnsel vm11, $0x0, v52;
	[tilespmem:s16+$0x2798] =	vst v15  }
0xc7: {  	vm14 =	vmand vm1, vm15;
	v17 =	vnsel vm11, $0x0, v53;
	[tilespmem:s16+$0x2818] =	vst v16;
	vm1 =	vlt.f32 v3, v43  }
0xc8: {  	v18 =	vsel vm11, $0x3F800000, v0;
	[tilespmem:s16+$0x2898] =	vst v17;
	vm3 =	vmand vm1, vm3  }
0xc9: {  	[tilespmem:s16+$0x2918] =	vst v18;
	v3 =	vld [tilespmem:$0x1FF70];
	v19 =	vnsel vm3, $0x0, v40  }
0xca: {  	v20 =	vnsel vm3, $0x0, v41;
	[tilespmem:s16+$0xE18] =	vst v19  }
0xcb: {  	v21 =	vnsel vm3, $0x0, v46;
	[tilespmem:s16+$0xE98] =	vst v20  }
0xcc: {  	v22 =	vnsel vm3, $0x0, v47;
	[tilespmem:s16+$0xF18] =	vst v21  }
0xcd: {  	v23 =	vnsel vm3, $0x0, v48;
	[tilespmem:s16+$0xF98] =	vst v22  }
0xce: {  	v62 =	vmul.f32 v45, v1;
	v45 =	vnsel vm3, $0x0, v12;
	[tilespmem:s16+$0x1018] =	vst v23;
	vm7 =	vlt.f32 v3, v43  }
0xcf: {  	v59 =	vsel vm3, $0x3F800000, v0;
	[tilespmem:s16+$0x1098] =	vst v45;
	vm0 =	vmand vm7, vm6  }
0xd0: {  	v4 =	vld [tilespmem:$0x1FFD0];
	[tilespmem:s16+$0x1118] =	vst v59;
	v60 =	vnsel vm0, $0x0, v40  }
0xd1: {  	v3 =	vld [tilespmem:$0x1FFB0];
	v54 =	vnsel vm0, $0x0, v41;
	[tilespmem:s16+$0x1618] =	vst v60  }
0xd2: {  	v46 =	vnsel vm0, $0x0, v46;
	[tilespmem:s16+$0x1698] =	vst v54  }
0xd3: {  	v47 =	vnsel vm0, $0x0, v47;
	[tilespmem:s16+$0x1718] =	vst v46  }
0xd4: {  	v63 =	vmul.f32 v44, v1;
	v48 =	vnsel vm0, $0x0, v48;
	[tilespmem:s16+$0x1798] =	vst v47  }
0xd5: {  	v42 =	vmul.f32 v42, v1;
	vm2 =	vlt.f32 v4, v43;
	v4 =	vnsel vm0, $0x0, v12;
	[tilespmem:s16+$0x1818] =	vst v48  }
0xd6: {  	vm2 =	vmand vm2, vm9;
	v5 =	vsel vm0, $0x40000000, v0;
	[tilespmem:s16+$0x1898] =	vst v4;
	vm12 =	vlt.f32 v3, v43;
	v3 =	vld [tilespmem:$0x1FFC0]  }
0xd7: {  	v58 =	vnsel vm2, $0x0, v40;
	v12 =	vnsel vm8, $0x0, v53;
	[tilespmem:s16+$0x1918] =	vst v5;
	vm13 =	vmand vm12, vm13  }
0xd8: {  	v57 =	vnsel vm2, $0x0, v41;
	v56 =	vnsel vm2, $0x0, v62;
	[tilespmem:s16+$0x2098] =	vst v12;
	v19 =	vnsel vm13, $0x0, v40  }
0xd9: {  	v55 =	vnsel vm2, $0x0, v63;
	v20 =	vnsel vm13, $0x0, v41;
	v21 =	vnsel vm13, $0x0, v50;
	[tilespmem:s16+$0x2E18] =	vst v19  }
0xda: {  	v22 =	vnsel vm13, $0x0, v51;
	v25 =	vsel vm13, $0x40000000, v0;
	v51 =	vsel vm2, $0x3F800000, v0;
	v0 =	vld [tilespmem:$0x1FE60];
	[tilespmem:s16+$0x2E98] =	vst v20  }
0xdb: {  	v54 =	vnsel vm2, $0x0, v42;
	v23 =	vnsel vm13, $0x0, v52;
	[tilespmem:s16+$0x2F18] =	vst v21;
	vm15 =	vlt.f32 v3, v43  }
0xdc: {  	p0 =	sne.s32 s18, $0x1C0;
	v24 =	vnsel vm13, $0x0, v53;
	[tilespmem:s16+$0x2F98] =	vst v22;
	v3 =	vmul.f32 v43, v1;
	vm14 =	vmand vm15, vm14  }
.Ltmp0:
0xdd: {  	[tilespmem:s16+$0x3018] =	vst v23;
	v43 =	vnsel vm11, $0x0, v40;
	v26 =	vnsel vm14, $0x0, v40;
	v61 =	vnsel vm14, $0x0, v41;
	(pc) =	sbr.rel @p0 .LBB2_2-.Ltmp0, $4  }
0xde: {  	[tilespmem:s16+$0x3098] =	vst v24;
	v45 =	vnsel vm14, $0x0, v62;
	v44 =	vnsel vm14, $0x0, v63;
	v60 =	vnsel vm14, $0x0, v42  }
0xdf: {  	[tilespmem:s16+$0x3118] =	vst v25;
	v59 =	vnsel vm14, $0x0, v3;
	v53 =	vnsel vm2, $0x0, v3;
	vm15 =	vnez.u8 v0  }
0xe0: {  	[tilespmem:s16+$0x2618] =	vst v43;
	v52 =	vnsel vm15, $0x0, v40;
	v50 =	vnsel vm15, $0x0, v41;
	v49 =	vnsel vm15, $0x0, v62  }
0xe1: {  	s17 =	sshra.s32 s18, $0x2;
	s18 =	sadd.s32 $0x40, s18;
	v48 =	vnsel vm15, $0x0, v63;
	v47 =	vnsel vm15, $0x0, v42;
	v46 =	vnsel vm15, $0x0, v3;
	[tilespmem:s16+$0x3618] =	vst v26  }
0xe2: {  	v43 =	vld [tilespmem:s17+$0x400];
	[tilespmem:s16+$0x3698] =	vst v61  }
0xe3: {  	v42 =	vld [tilespmem:s17+$0x500];
	[tilespmem:s16+$0x3718] =	vst v45  }
0xe4: {  	v45 =	vld [tilespmem:s17+$0x200];
	[tilespmem:s16+$0x3798] =	vst v44  }
0xe5: {  	v44 =	vld [tilespmem:s17+$0x300]  }
0xe6: {  	[tilespmem:s16+$0x3818] =	vst v60;
	v60 =	vld [tilespmem:$0x1FE80]  }
0xe7: {  	v40 =	vld [tilespmem:s17+$0x0]  }
0xe8: {  	[tilespmem:s16+$0x3898] =	vst v59;
	v59 =	vld [tilespmem:$0x1FE70]  }
0xe9: {  	v41 =	vld [tilespmem:s17+$0x100]  }
0xea: {  	[tilespmem:s16+$0x3E18] =	vst v58;
	v58 =	vld [tilespmem:$0x1FE90]  }
0xeb: {  	[tilespmem:s16+$0x3E98] =	vst v57;
	v57 =	vld [tilespmem:$0x1FEA0];
	_ =	sdelay $0x2  }
0xec: {  	[tilespmem:$0x1FE30] =	vst v36;
	vm1 =	vlt.f32 v60, v43;
	vm0 =	vlt.f32 v43, v59  }
0xed: {  	[tilespmem:$0x1FE40] =	vst v39;
	vm0 =	vmand vm0, vm1;
	vm7 =	vlt.f32 v42, v58  }
0xee: {  	[tilespmem:s16+$0x3F18] =	vst v56;
	vm8 =	vlt.f32 v57, v42;
	vm0 =	vmand vm0, vm7  }
0xef: {  	v0 =	vimm.f32 $0.0e+00;
	[tilespmem:s16+$0x3F98] =	vst v55;
	vm2 =	vmand vm8, vm0  }
0xf0: {  	[tilespmem:s16+$0x4018] =	vst v54;
	v3 =	vsel vm2, $0x40000000, v0  }
0xf1: {  	[tilespmem:s17+$0x4918] =	vst v3  }
0xf2: {  	[tilespmem:s16+$0x4098] =	vst v53  }
0xf3: {  	[tilespmem:s16+$0x4118] =	vst v51  }
0xf4: {  	[tilespmem:s16+$0x4618] =	vst v52  }
0xf5: {  	[tilespmem:s16+$0x4698] =	vst v50  }
0xf6: {  	[tilespmem:s16+$0x4718] =	vst v49  }
0xf7: {  	[tilespmem:s16+$0x4798] =	vst v48  }
0xf8: {  	[tilespmem:s16+$0x4818] =	vst v47  }
0xf9: {  	[tilespmem:s16+$0x4898] =	vst v46  }
0xfa: {  	[tilespmem:s17+$0x918] =	vst v0  }
0xfb: {  	v21 =	vld [tilespmem:$0x1FEB0];
	[tilespmem:s17+$0x998] =	vst v0  }
0xfc: {  	v22 =	vld [tilespmem:$0x1FEC0];
	[tilespmem:s17+$0x1198] =	vst v0  }
0xfd: {  	v19 =	vld [tilespmem:$0x1FED0];
	[tilespmem:s17+$0x1998] =	vst v0  }
0xfe: {  	v20 =	vld [tilespmem:$0x1FEE0];
	[tilespmem:s17+$0x2118] =	vst v0  }
0xff: {  	[tilespmem:s17+$0x2198] =	vst v0  }
0x100: {  	v18 =	vld [tilespmem:$0x1FEF0];
	[tilespmem:s17+$0x2998] =	vst v0  }
0x101: {  	v17 =	vld [tilespmem:$0x1FF00];
	vm9 =	vlt.f32 v43, v21;
	vm10 =	vlt.f32 v22, v43;
	[tilespmem:s17+$0x3198] =	vst v0  }
0x102: {  	v15 =	vld [tilespmem:$0x1FF30];
	vm11 =	vlt.f32 v42, v19;
	vm0 =	vmand vm9, vm10;
	[tilespmem:s17+$0x3918] =	vst v0  }
0x103: {  	vm12 =	vlt.f32 v20, v42;
	vm0 =	vmand vm0, vm11;
	[tilespmem:s17+$0x3998] =	vst v0  }
0x104: {  	v12 =	vld [tilespmem:$0x1FF40];
	vm0 =	vmand vm12, vm0;
	[tilespmem:s17+$0x4198] =	vst v0  }
0x105: {  	vm13 =	vlt.f32 v43, v18;
	v5 =	vmul.f32 v44, v11;
	v4 =	vnsel vm0, $0x0, v40;
	[tilespmem:s17+$0x4998] =	vst v0  }
0x106: {  	vm3 =	vlt.f32 v17, v43;
	v3 =	vmul.f32 v45, v11;
	v6 =	vnsel vm0, $0x0, v41;
	[tilespmem:s17+$0x618] =	vst v4  }
0x107: {  	v56 =	vmul.f32 v43, v11;
	vm14 =	vlt.f32 v42, v15;
	v8 =	vnsel vm0, $0x0, v5;
	[tilespmem:s17+$0x698] =	vst v6  }
0x108: {  	v10 =	vld [tilespmem:$0x1FF10];
	vm1 =	vmand vm13, vm3;
	v7 =	vnsel vm0, $0x0, v3;
	v6 =	vmul.f32 v42, v11;
	[tilespmem:s17+$0x798] =	vst v8  }
0x109: {  	v13 =	vld [tilespmem:$0x1FF20];
	vm15 =	vlt.f32 v12, v42;
	vm1 =	vmand vm1, vm14;
	[tilespmem:s17+$0x718] =	vst v7;
	v7 =	vnsel vm0, $0x0, v56  }
0x10a: {  	v16 =	vld [tilespmem:$0x1FF60];
	vm1 =	vmand vm15, vm1;
	v8 =	vnsel vm0, $0x0, v6;
	[tilespmem:s17+$0x818] =	vst v7  }
0x10b: {  	v14 =	vld [tilespmem:$0x1FF70];
	v7 =	vnsel vm1, $0x0, v40;
	[tilespmem:s17+$0x898] =	vst v8  }
0x10c: {  	v8 =	vnsel vm1, $0x0, v41;
	[tilespmem:s17+$0xE18] =	vst v7  }
0x10d: {  	v7 =	vnsel vm1, $0x0, v3;
	[tilespmem:s17+$0xE98] =	vst v8  }
0x10e: {  	vm6 =	vlt.f32 v43, v10;
	vm7 =	vlt.f32 v13, v43;
	v8 =	vnsel vm1, $0x0, v5;
	[tilespmem:s17+$0xF18] =	vst v7  }
0x10f: {  	vm8 =	vlt.f32 v42, v16;
	vm0 =	vmand vm6, vm7;
	v7 =	vnsel vm1, $0x0, v56;
	[tilespmem:s17+$0xF98] =	vst v8  }
0x110: {  	v9 =	vld [tilespmem:$0x1FF50];
	vm9 =	vlt.f32 v14, v42;
	vm0 =	vmand vm0, vm8;
	v8 =	vnsel vm1, $0x0, v6;
	[tilespmem:s17+$0x1018] =	vst v7  }
0x111: {  	vm0 =	vmand vm9, vm0;
	v7 =	vsel vm1, $0x3F800000, v0;
	[tilespmem:s17+$0x1098] =	vst v8  }
0x112: {  	v3 =	vnsel vm0, $0x0, v3;
	[tilespmem:s17+$0x1118] =	vst v7  }
0x113: {  	v5 =	vnsel vm0, $0x0, v5;
	[tilespmem:s17+$0x1718] =	vst v3  }
0x114: {  	v61 =	vnsel vm0, $0x0, v6;
	[tilespmem:s17+$0x1798] =	vst v5  }
0x115: {  	vm10 =	vlt.f32 v43, v33;
	vm11 =	vlt.f32 v9, v43;
	v8 =	vnsel vm0, $0x0, v40;
	[tilespmem:s17+$0x1898] =	vst v61  }
0x116: {  	vm12 =	vlt.f32 v42, v39;
	vm1 =	vmand vm10, vm11;
	v7 =	vnsel vm0, $0x0, v41;
	[tilespmem:s17+$0x1618] =	vst v8  }
0x117: {  	vm13 =	vlt.f32 v36, v42;
	v3 =	vnsel vm0, $0x0, v56;
	vm1 =	vmand vm1, vm12;
	[tilespmem:s17+$0x1698] =	vst v7  }
0x118: {  	v23 =	vmul.f32 v43, v2;
	[tilespmem:s17+$0x1818] =	vst v3;
	vm1 =	vmand vm13, vm1;
	v3 =	vsel vm0, $0x40000000, v0  }
0x119: {  	v62 =	vmul.f32 v45, v2;
	vm14 =	vlt.f32 v43, v32;
	v63 =	vnsel vm1, $0x0, v40;
	[tilespmem:s17+$0x1918] =	vst v3  }
0x11a: {  	vm15 =	vlt.f32 v31, v43;
	vm6 =	vlt.f32 v42, v38;
	v6 =	vnsel vm1, $0x0, v41;
	[tilespmem:s17+$0x1E18] =	vst v63  }
0x11b: {  	vm0 =	vmand vm14, vm15;
	v3 =	vmul.f32 v44, v2;
	v7 =	vnsel vm1, $0x0, v62;
	[tilespmem:s17+$0x1E98] =	vst v6  }
0x11c: {  	vm7 =	vlt.f32 v37, v42;
	vm0 =	vmand vm0, vm6;
	[tilespmem:s17+$0x1F18] =	vst v7;
	v7 =	vnsel vm1, $0x0, v23  }
0x11d: {  	v6 =	vmul.f32 v42, v2;
	vm0 =	vmand vm7, vm0;
	v8 =	vnsel vm1, $0x0, v3;
	[tilespmem:s17+$0x2018] =	vst v7  }
0x11e: {  	v47 =	vld [tilespmem:$0x1FF80];
	v7 =	vnsel vm0, $0x0, v40;
	[tilespmem:s17+$0x1F98] =	vst v8  }
0x11f: {  	v48 =	vld [tilespmem:$0x1FFB0];
	v8 =	vnsel vm1, $0x0, v6;
	[tilespmem:s17+$0x2618] =	vst v7  }
0x120: {  	v7 =	vnsel vm0, $0x0, v62;
	[tilespmem:s17+$0x2098] =	vst v8  }
0x121: {  	v8 =	vnsel vm0, $0x0, v41;
	[tilespmem:s17+$0x2718] =	vst v7  }
0x122: {  	vm8 =	vlt.f32 v43, v35;
	vm9 =	vlt.f32 v30, v43;
	v7 =	vnsel vm0, $0x0, v23;
	[tilespmem:s17+$0x2698] =	vst v8  }
0x123: {  	vm10 =	vlt.f32 v42, v47;
	vm1 =	vmand vm8, vm9;
	v8 =	vnsel vm0, $0x0, v3;
	[tilespmem:s17+$0x2818] =	vst v7  }
0x124: {  	vm11 =	vlt.f32 v48, v42;
	vm1 =	vmand vm1, vm10;
	v7 =	vsel vm0, $0x3F800000, v0;
	[tilespmem:s17+$0x2798] =	vst v8  }
0x125: {  	vm1 =	vmand vm11, vm1;
	v8 =	vnsel vm0, $0x0, v6;
	[tilespmem:s17+$0x2918] =	vst v7  }
0x126: {  	v25 =	vld [tilespmem:$0x1FF90];
	v7 =	vnsel vm1, $0x0, v41;
	[tilespmem:s17+$0x2898] =	vst v8  }
0x127: {  	v26 =	vld [tilespmem:$0x1FFC0];
	v4 =	vnsel vm1, $0x0, v62;
	[tilespmem:s17+$0x2E98] =	vst v7  }
0x128: {  	v3 =	vnsel vm1, $0x0, v3;
	[tilespmem:s17+$0x2F18] =	vst v4  }
0x129: {  	v52 =	vmul.f32 v44, v1;
	v49 =	vnsel vm1, $0x0, v23;
	[tilespmem:s17+$0x2F98] =	vst v3  }
0x12a: {  	vm12 =	vlt.f32 v43, v29;
	vm13 =	vlt.f32 v34, v43;
	v50 =	vsel vm1, $0x40000000, v0;
	[tilespmem:s17+$0x3018] =	vst v49  }
0x12b: {  	vm14 =	vlt.f32 v42, v25;
	vm0 =	vmand vm12, vm13;
	v8 =	vnsel vm1, $0x0, v40;
	[tilespmem:s17+$0x3118] =	vst v50  }
0x12c: {  	vm15 =	vlt.f32 v26, v42;
	vm0 =	vmand vm0, vm14;
	v3 =	vnsel vm1, $0x0, v6;
	[tilespmem:s17+$0x2E18] =	vst v8  }
0x12d: {  	v24 =	vld [tilespmem:$0x1FFA0];
	v4 =	vnsel vm2, $0x0, v52;
	vm0 =	vmand vm15, vm0;
	[tilespmem:s17+$0x3098] =	vst v3  }
0x12e: {  	v23 =	vld [tilespmem:$0x1FFD0];
	[tilespmem:s17+$0x4798] =	vst v4;
	v51 =	vnsel vm0, $0x0, v40  }
0x12f: {  	v3 =	vmul.f32 v45, v1;
	v6 =	vnsel vm0, $0x0, v41;
	[tilespmem:s17+$0x3618] =	vst v51  }
0x130: {  	v53 =	vmul.f32 v43, v1;
	vm6 =	vlt.f32 v43, v27;
	v8 =	vnsel vm0, $0x0, v52;
	[tilespmem:s17+$0x3698] =	vst v6  }
0x131: {  	vm7 =	vlt.f32 v28, v43;
	v7 =	vnsel vm0, $0x0, v3;
	v6 =	vmul.f32 v42, v1;
	[tilespmem:s17+$0x3798] =	vst v8  }
0x132: {  	vm8 =	vlt.f32 v42, v24;
	vm1 =	vmand vm6, vm7;
	[tilespmem:s17+$0x3718] =	vst v7;
	v7 =	vnsel vm0, $0x0, v53  }
0x133: {  	vm1 =	vmand vm1, vm8;
	vm9 =	vlt.f32 v23, v42;
	v8 =	vnsel vm0, $0x0, v6;
	[tilespmem:s17+$0x3818] =	vst v7  }
0x134: {  	vm1 =	vmand vm9, vm1;
	v54 =	vnsel vm2, $0x0, v6;
	[tilespmem:s17+$0x3898] =	vst v8  }
0x135: {  	v7 =	vnsel vm1, $0x0, v40;
	[tilespmem:s17+$0x4898] =	vst v54  }
0x136: {  	v8 =	vnsel vm1, $0x0, v41;
	[tilespmem:s17+$0x3E18] =	vst v7  }
0x137: {  	v7 =	vnsel vm1, $0x0, v3;
	[tilespmem:s17+$0x3E98] =	vst v8  }
0x138: {  	v8 =	vnsel vm1, $0x0, v52;
	[tilespmem:s17+$0x3F18] =	vst v7  }
0x139: {  	v3 =	vnsel vm2, $0x0, v3;
	[tilespmem:s17+$0x3F98] =	vst v8  }
0x13a: {  	v7 =	vnsel vm1, $0x0, v53;
	[tilespmem:s17+$0x4718] =	vst v3  }
0x13b: {  	v8 =	vnsel vm1, $0x0, v6;
	[tilespmem:s17+$0x4018] =	vst v7  }
0x13c: {  	v3 =	vnsel vm2, $0x0, v53;
	[tilespmem:s17+$0x4098] =	vst v8  }
0x13d: {  	v7 =	vsel vm1, $0x3F800000, v0;
	[tilespmem:s17+$0x4818] =	vst v3  }
0x13e: {  	v8 =	vnsel vm2, $0x0, v40;
	[tilespmem:s17+$0x4118] =	vst v7  }
0x13f: {  	v7 =	vnsel vm2, $0x0, v41;
	[tilespmem:s17+$0x4618] =	vst v8  }
0x140: {  	s16 =	simm.s32 $0x0;
	[tilespmem:s17+$0x4698] =	vst v7  }
0x141: {  	[tilespmem:s16+$0xD18] =	vst v0  }
0x142: {  	v55 =	vld [tilespmem:s16+$0x480];
	[tilespmem:s16+$0xD98] =	vst v0  }
0x143: {  	v56 =	vld [tilespmem:s16+$0x580];
	[tilespmem:s16+$0x1598] =	vst v0  }
0x144: {  	[tilespmem:s16+$0x1D98] =	vst v0  }
0x145: {  	[tilespmem:s16+$0x2518] =	vst v0  }
0x146: {  	v40 =	vld [tilespmem:s16+$0x80];
	[tilespmem:s16+$0x2598] =	vst v0  }
0x147: {  	v41 =	vld [tilespmem:s16+$0x180];
	[tilespmem:s16+$0x2D98] =	vst v0;
	vm10 =	vlt.f32 v55, v59;
	vm11 =	vlt.f32 v60, v55  }
0x148: {  	[tilespmem:s16+$0x3598] =	vst v0;
	v59 =	vld [tilespmem:s16+$0x280];
	vm12 =	vlt.f32 v56, v58;
	vm13 =	vlt.f32 v57, v56;
	vm0 =	vmand vm10, vm11  }
0x149: {  	[tilespmem:s16+$0x3D18] =	vst v0;
	v60 =	vld [tilespmem:s16+$0x380];
	vm14 =	vlt.f32 v55, v21;
	vm15 =	vlt.f32 v22, v55;
	vm0 =	vmand vm0, vm12  }
0x14a: {  	[tilespmem:s16+$0x3D98] =	vst v0;
	vm4 =	vlt.f32 v56, v19;
	vm2 =	vmand vm13, vm0;
	vm0 =	vmand vm14, vm15  }
0x14b: {  	[tilespmem:s16+$0x4598] =	vst v0;
	vm5 =	vlt.f32 v20, v56;
	vm0 =	vmand vm0, vm4  }
0x14c: {  	[tilespmem:s16+$0x4D98] =	vst v0;
	v3 =	vsel vm2, $0x40000000, v0;
	vm0 =	vmand vm5, vm0  }
0x14d: {  	vm6 =	vlt.f32 v55, v18;
	[tilespmem:s16+$0x4D18] =	vst v3;
	v3 =	vmul.f32 v59, v11;
	v61 =	vnsel vm0, $0x0, v40  }
0x14e: {  	vm7 =	vlt.f32 v17, v55;
	v62 =	vmul.f32 v60, v11;
	v6 =	vnsel vm0, $0x0, v41;
	[tilespmem:s16+$0xA18] =	vst v61  }
0x14f: {  	v63 =	vmul.f32 v55, v11;
	vm8 =	vlt.f32 v56, v15;
	v7 =	vnsel vm0, $0x0, v3;
	[tilespmem:s16+$0xA98] =	vst v6  }
0x150: {  	vm1 =	vmand vm6, vm7;
	v6 =	vmul.f32 v56, v11;
	v8 =	vnsel vm0, $0x0, v62;
	[tilespmem:s16+$0xB18] =	vst v7  }
0x151: {  	vm9 =	vlt.f32 v12, v56;
	vm1 =	vmand vm1, vm8;
	v7 =	vnsel vm0, $0x0, v63;
	[tilespmem:s16+$0xB98] =	vst v8  }
0x152: {  	vm1 =	vmand vm9, vm1;
	v8 =	vnsel vm0, $0x0, v6;
	[tilespmem:s16+$0xC18] =	vst v7  }
0x153: {  	v7 =	vnsel vm1, $0x0, v40;
	[tilespmem:s16+$0xC98] =	vst v8  }
0x154: {  	v8 =	vnsel vm1, $0x0, v41;
	[tilespmem:s16+$0x1218] =	vst v7  }
0x155: {  	v20 =	vmul.f32 v55, v2;
	v7 =	vnsel vm1, $0x0, v3;
	[tilespmem:s16+$0x1298] =	vst v8  }
0x156: {  	vm10 =	vlt.f32 v55, v10;
	vm11 =	vlt.f32 v13, v55;
	v8 =	vnsel vm1, $0x0, v62;
	[tilespmem:s16+$0x1318] =	vst v7  }
0x157: {  	vm12 =	vlt.f32 v56, v16;
	vm0 =	vmand vm10, vm11;
	v7 =	vnsel vm1, $0x0, v63;
	[tilespmem:s16+$0x1398] =	vst v8  }
0x158: {  	vm13 =	vlt.f32 v14, v56;
	vm0 =	vmand vm0, vm12;
	v8 =	vnsel vm1, $0x0, v6;
	[tilespmem:s16+$0x1418] =	vst v7  }
0x159: {  	v22 =	vmul.f32 v56, v1;
	vm6 =	vmand vm13, vm0;
	v7 =	vsel vm1, $0x3F800000, v0;
	[tilespmem:s16+$0x1498] =	vst v8  }
0x15a: {  	vm7 =	vlt.f32 v55, v35;
	vm8 =	vlt.f32 v30, v55;
	v3 =	vnsel vm6, $0x0, v3;
	[tilespmem:s16+$0x1518] =	vst v7  }
0x15b: {  	vm14 =	vlt.f32 v55, v32;
	vm15 =	vlt.f32 v31, v55;
	v5 =	vnsel vm6, $0x0, v62;
	[tilespmem:s16+$0x1B18] =	vst v3  }
0x15c: {  	vm9 =	vlt.f32 v56, v39;
	vm4 =	vlt.f32 v55, v33;
	v17 =	vnsel vm6, $0x0, v6;
	[tilespmem:s16+$0x1B98] =	vst v5  }
0x15d: {  	vm3 =	vmand vm14, vm15;
	vm5 =	vlt.f32 v9, v55;
	v8 =	vnsel vm6, $0x0, v40;
	[tilespmem:s16+$0x1C98] =	vst v17  }
0x15e: {  	vm14 =	vlt.f32 v28, v55;
	vm4 =	vmand vm4, vm5;
	v7 =	vnsel vm6, $0x0, v41;
	[tilespmem:s16+$0x1A18] =	vst v8  }
0x15f: {  	vm10 =	vlt.f32 v36, v56;
	vm1 =	vmand vm4, vm9;
	v3 =	vnsel vm6, $0x0, v63;
	[tilespmem:s16+$0x1A98] =	vst v7  }
0x160: {  	vm15 =	vlt.f32 v56, v38;
	vm1 =	vmand vm10, vm1;
	[tilespmem:s16+$0x1C18] =	vst v3;
	v3 =	vsel vm6, $0x40000000, v0  }
0x161: {  	v52 =	vnsel vm2, $0x0, v40;
	v18 =	vmul.f32 v59, v2;
	v19 =	vnsel vm1, $0x0, v40;
	[tilespmem:s16+$0x1D18] =	vst v3  }
0x162: {  	vm3 =	vmand vm3, vm15;
	vm9 =	vlt.f32 v37, v56;
	v6 =	vnsel vm1, $0x0, v41;
	[tilespmem:s16+$0x2218] =	vst v19  }
0x163: {  	v50 =	vnsel vm2, $0x0, v41;
	vm3 =	vmand vm9, vm3;
	v7 =	vnsel vm1, $0x0, v18;
	[tilespmem:s16+$0x2298] =	vst v6  }
0x164: {  	vm11 =	vlt.f32 v55, v29;
	vm12 =	vlt.f32 v34, v55;
	v9 =	vsel vm3, $0x3F800000, v0;
	[tilespmem:s16+$0x2318] =	vst v7  }
0x165: {  	vm0 =	vmand vm7, vm8;
	v3 =	vmul.f32 v60, v2;
	v7 =	vnsel vm1, $0x0, v20;
	[tilespmem:s16+$0x2D18] =	vst v9  }
0x166: {  	vm13 =	vlt.f32 v55, v27;
	vm4 =	vmand vm11, vm12;
	[tilespmem:s16+$0x2418] =	vst v7;
	v7 =	vnsel vm3, $0x0, v40  }
0x167: {  	vm5 =	vmand vm13, vm14;
	v6 =	vmul.f32 v56, v2;
	v8 =	vnsel vm1, $0x0, v3;
	[tilespmem:s16+$0x2A18] =	vst v7  }
0x168: {  	vm11 =	vlt.f32 v56, v25;
	vm12 =	vlt.f32 v56, v24;
	v7 =	vnsel vm3, $0x0, v18;
	[tilespmem:s16+$0x2398] =	vst v8  }
0x169: {  	vm13 =	vlt.f32 v48, v56;
	vm10 =	vlt.f32 v56, v47;
	v8 =	vnsel vm1, $0x0, v6;
	[tilespmem:s16+$0x2B18] =	vst v7  }
0x16a: {  	vm0 =	vmand vm0, vm10;
	vm1 =	vmand vm4, vm11;
	v7 =	vnsel vm3, $0x0, v20;
	[tilespmem:s16+$0x2498] =	vst v8  }
0x16b: {  	vm4 =	vmand vm5, vm12;
	vm5 =	vmand vm13, vm0;
	v8 =	vnsel vm3, $0x0, v41;
	[tilespmem:s16+$0x2C18] =	vst v7  }
0x16c: {  	v21 =	vmul.f32 v60, v1;
	v9 =	vmul.f32 v59, v1;
	v7 =	vnsel vm5, $0x0, v40;
	[tilespmem:s16+$0x2A98] =	vst v8  }
0x16d: {  	vm15 =	vlt.f32 v23, v56;
	vm14 =	vlt.f32 v26, v56;
	v10 =	vnsel vm5, $0x0, v41;
	[tilespmem:s16+$0x3218] =	vst v7  }
0x16e: {  	v48 =	vnsel vm2, $0x0, v21;
	v49 =	vnsel vm2, $0x0, v9;
	v4 =	vnsel vm5, $0x0, v18;
	[tilespmem:s16+$0x3298] =	vst v10  }
0x16f: {  	vm1 =	vmand vm14, vm1;
	vm0 =	vmand vm15, vm4;
	v5 =	vnsel vm5, $0x0, v20;
	[tilespmem:s16+$0x3318] =	vst v4  }
0x170: {  	v8 =	vnsel vm3, $0x0, v3;
	v3 =	vnsel vm5, $0x0, v3;
	v7 =	vmul.f32 v55, v1;
	[tilespmem:s16+$0x3418] =	vst v5  }
0x171: {  	v23 =	vnsel vm1, $0x0, v40;
	v42 =	vnsel vm1, $0x0, v41;
	v45 =	vnsel vm1, $0x0, v9;
	[tilespmem:s16+$0x2B98] =	vst v8  }
0x172: {  	v44 =	vnsel vm1, $0x0, v21;
	v59 =	vnsel vm1, $0x0, v22;
	v58 =	vnsel vm0, $0x0, v40;
	[tilespmem:s16+$0x3398] =	vst v3  }
0x173: {  	v57 =	vnsel vm0, $0x0, v41;
	v56 =	vnsel vm0, $0x0, v9;
	v8 =	vnsel vm3, $0x0, v6;
	[tilespmem:s16+$0x3A18] =	vst v23  }
0x174: {  	v55 =	vnsel vm0, $0x0, v21;
	v53 =	vnsel vm0, $0x0, v22;
	v6 =	vnsel vm5, $0x0, v6;
	[tilespmem:s16+$0x2C98] =	vst v8  }
0x175: {  	v51 =	vsel vm0, $0x3F800000, v0;
	v8 =	vsel vm5, $0x40000000, v0;
	v60 =	vnsel vm1, $0x0, v7;
	[tilespmem:s16+$0x3498] =	vst v6  }
0x176: {  	s18 =	simm.s32 $0x80;
	s17 =	simm.s32 $0x10;
	v54 =	vnsel vm0, $0x0, v7;
	v9 =	vnsel vm2, $0x0, v7;
	[tilespmem:s16+$0x3518] =	vst v8;
	v8 =	vnsel vm2, $0x0, v22  }
.LBB2_4:
0x177: {  	v3 =	vld [tilespmem:s17+$0x480]  }
0x178: {  	v0 =	vld [tilespmem:$0x1FEB0];
	_ =	sdelay $0x4  }
0x179: {  	vm0 =	vlt.f32 v3, v0;
	v0 =	vimm.s32 $0x0  }
0x17a: {  	v0 =	vsel vm0, $0xFFFFFFFF, v0  }
0x17b: {  	[tilespmem:$0x1FE00] =	vst v0;
	v0 =	vld [tilespmem:$0x1FE70];
	_ =	sdelay $0x4  }
0x17c: {  	vm1 =	vlt.f32 v3, v0;
	v0 =	vld [tilespmem:$0x1FE80];
	_ =	sdelay $0x4  }
0x17d: {  	vm2 =	vlt.f32 v0, v3;
	v0 =	vld [tilespmem:$0x1FEC0];
	_ =	sdelay $0x2  }
0x17e: {  	[tilespmem:s16+$0x3A98] =	vst v42  }
0x17f: {  	v4 =	vld [tilespmem:s17+$0x580]  }
0x180: {  	vm3 =	vlt.f32 v0, v3;
	v0 =	vld [tilespmem:$0x1FE90];
	_ =	sdelay $0x4  }
0x181: {  	vm13 =	vlt.f32 v4, v0;
	v0 =	vld [tilespmem:$0x1FEF0];
	_ =	sdelay $0x4  }
0x182: {  	vm4 =	vlt.f32 v3, v0;
	v0 =	vld [tilespmem:$0x1FEA0];
	_ =	sdelay $0x4  }
0x183: {  	vm14 =	vlt.f32 v0, v4;
	v0 =	vld [tilespmem:$0x1FF00];
	_ =	sdelay $0x4  }
0x184: {  	vm5 =	vlt.f32 v0, v3;
	v0 =	vld [tilespmem:$0x1FF10];
	_ =	sdelay $0x2  }
0x185: {  	vm1 =	vmand vm1, vm2  }
0x186: {  	vm1 =	vmand vm1, vm13  }
0x187: {  	vm15 =	vmand vm14, vm1;
	vm6 =	vlt.f32 v3, v0;
	v0 =	vimm.s32 $0x0  }
0x188: {  	v0 =	vsel vm15, $0xFFFFFFFF, v0  }
0x189: {  	[tilespmem:$0x1FE10] =	vst v0;
	v0 =	vld [tilespmem:$0x1FF20];
	_ =	sdelay $0x4  }
0x18a: {  	vm1 =	vlt.f32 v0, v3;
	v0 =	vld [tilespmem:$0x1FF50];
	_ =	sdelay $0x4  }
0x18b: {  	vm8 =	vlt.f32 v0, v3;
	v0 =	vld [tilespmem:$0x1FE00];
	_ =	sdelay $0x4  }
0x18c: {  	[tilespmem:s16+$0x3B18] =	vst v45;
	vm2 =	vnez.u8 v0;
	v0 =	vld [tilespmem:$0x1FED0]  }
0x18d: {  	v5 =	vld [tilespmem:s17+$0x280];
	[tilespmem:s16+$0x3B98] =	vst v44  }
0x18e: {  	v6 =	vld [tilespmem:s17+$0x380];
	[tilespmem:s16+$0x3C18] =	vst v60  }
0x18f: {  	v40 =	vld [tilespmem:s17+$0x80];
	[tilespmem:s16+$0x3C98] =	vst v59  }
0x190: {  	v41 =	vld [tilespmem:s17+$0x180]  }
0x191: {  	[tilespmem:s16+$0x4218] =	vst v58;
	vm4 =	vmand vm4, vm5;
	vm5 =	vlt.f32 v4, v0;
	v0 =	vld [tilespmem:$0x1FF30]  }
0x192: {  	[tilespmem:s16+$0x4298] =	vst v57  }
0x193: {  	[tilespmem:s16+$0x4318] =	vst v56  }
0x194: {  	v46 =	vimm.f32 $0.0e+00;
	[tilespmem:s16+$0x4398] =	vst v55  }
0x195: {  	[tilespmem:s16+$0x4418] =	vst v54;
	v7 =	vsel vm15, $0x40000000, v46  }
0x196: {  	[tilespmem:s17+$0x4D18] =	vst v7;
	vm3 =	vmand vm2, vm3;
	vm2 =	vlt.f32 v4, v0;
	v0 =	vld [tilespmem:$0x1FF60]  }
0x197: {  	[tilespmem:s16+$0x4498] =	vst v53  }
0x198: {  	[tilespmem:s16+$0x4518] =	vst v51  }
0x199: {  	[tilespmem:s16+$0x4A18] =	vst v52  }
0x19a: {  	vm7 =	vlt.f32 v3, v33;
	[tilespmem:s16+$0x4A98] =	vst v50  }
0x19b: {  	[tilespmem:s16+$0x4B18] =	vst v49;
	vm7 =	vmand vm7, vm8;
	vm8 =	vlt.f32 v4, v0;
	v0 =	vld [tilespmem:$0x1FF80]  }
0x19c: {  	[tilespmem:s16+$0x4B98] =	vst v48  }
0x19d: {  	vm9 =	vlt.f32 v3, v32;
	[tilespmem:s16+$0x4C18] =	vst v9  }
0x19e: {  	vm10 =	vlt.f32 v31, v3;
	vm11 =	vlt.f32 v3, v35;
	vm12 =	vlt.f32 v30, v3;
	[tilespmem:s16+$0x4C98] =	vst v8;
	s16 =	smov.u32 s17  }
0x19f: {  	vm9 =	vmand vm9, vm10;
	vm13 =	vlt.f32 v3, v29;
	vm14 =	vlt.f32 v34, v3;
	[tilespmem:s16+$0xD18] =	vst v46  }
0x1a0: {  	vm10 =	vmand vm11, vm12;
	vm11 =	vmand vm13, vm14;
	[tilespmem:s16+$0xD98] =	vst v46;
	vm14 =	vlt.f32 v4, v0;
	v0 =	vld [tilespmem:$0x1FF90]  }
0x1a1: {  	[tilespmem:s16+$0x1598] =	vst v46  }
0x1a2: {  	[tilespmem:s16+$0x1D98] =	vst v46  }
0x1a3: {  	[tilespmem:s16+$0x2518] =	vst v46  }
0x1a4: {  	vm0 =	vlt.f32 v28, v3;
	[tilespmem:s16+$0x2598] =	vst v46;
	vm15 =	vlt.f32 v3, v27  }
0x1a5: {  	[tilespmem:s16+$0x2D98] =	vst v46;
	vm0 =	vmand vm15, vm0;
	vm15 =	vlt.f32 v4, v0;
	v0 =	vld [tilespmem:$0x1FFA0]  }
0x1a6: {  	v14 =	vmul.f32 v3, v2;
	vm12 =	vlt.f32 v4, v39;
	[tilespmem:s16+$0x3598] =	vst v46;
	vm1 =	vmand vm6, vm1  }
0x1a7: {  	vm13 =	vlt.f32 v4, v38;
	[tilespmem:s16+$0x3D18] =	vst v46;
	vm6 =	vmand vm1, vm8;
	vm8 =	vmand vm7, vm12  }
0x1a8: {  	[tilespmem:s16+$0x3D98] =	vst v46;
	vm1 =	vmand vm9, vm13;
	vm13 =	vmand vm10, vm14;
	vm10 =	vlt.f32 v36, v4  }
0x1a9: {  	v12 =	vmul.f32 v5, v2;
	[tilespmem:s16+$0x4598] =	vst v46;
	vm5 =	vmand vm3, vm5;
	vm8 =	vmand vm10, vm8  }
0x1aa: {  	[tilespmem:s16+$0x4D98] =	vst v46;
	vm3 =	vmand vm4, vm2;
	v26 =	vnsel vm8, $0x0, v41;
	vm4 =	vlt.f32 v4, v0;
	v0 =	vld [tilespmem:$0x1FEE0]  }
0x1ab: {  	v15 =	vmul.f32 v4, v2;
	v43 =	vnsel vm8, $0x0, v12;
	[tilespmem:s16+$0x2298] =	vst v26  }
0x1ac: {  	v61 =	vnsel vm8, $0x0, v14;
	[tilespmem:s16+$0x2318] =	vst v43;
	vm14 =	vmand vm11, vm15;
	vm11 =	vlt.f32 v37, v4  }
0x1ad: {  	v62 =	vnsel vm8, $0x0, v15;
	[tilespmem:s16+$0x2418] =	vst v61;
	vm11 =	vmand vm11, vm1  }
0x1ae: {  	[tilespmem:s16+$0x2498] =	vst v62;
	v63 =	vnsel vm11, $0x0, v41  }
0x1af: {  	v47 =	vmovc v33;
	v33 =	vmovc v28;
	v28 =	vnsel vm11, $0x0, v14;
	[tilespmem:s16+$0x2A98] =	vst v63;
	vm9 =	vmand vm0, vm4;
	vm0 =	vlt.f32 v0, v4  }
0x1b0: {  	v36 =	vmovc v35;
	v35 =	vmovc v34;
	v34 =	vmov v29;
	v29 =	vnsel vm11, $0x0, v15;
	[tilespmem:s16+$0x2C18] =	vst v28;
	v0 =	vld [tilespmem:$0x1FF40];
	vm5 =	vmand vm0, vm5  }
0x1b1: {  	v7 =	vmul.f32 v5, v11;
	[tilespmem:s16+$0x2C98] =	vst v29;
	v54 =	vnsel vm5, $0x0, v40  }
0x1b2: {  	v8 =	vmul.f32 v6, v11;
	v17 =	vnsel vm5, $0x0, v41;
	[tilespmem:s16+$0xA18] =	vst v54  }
0x1b3: {  	v9 =	vmul.f32 v3, v11;
	v55 =	vnsel vm5, $0x0, v7;
	[tilespmem:s16+$0xA98] =	vst v17  }
0x1b4: {  	v10 =	vmul.f32 v4, v11;
	v18 =	vnsel vm5, $0x0, v8;
	[tilespmem:s16+$0xB18] =	vst v55  }
0x1b5: {  	v19 =	vnsel vm5, $0x0, v9;
	[tilespmem:s16+$0xB98] =	vst v18;
	vm4 =	vlt.f32 v0, v4  }
0x1b6: {  	v56 =	vnsel vm5, $0x0, v10;
	[tilespmem:s16+$0xC18] =	vst v19;
	vm4 =	vmand vm4, vm3  }
0x1b7: {  	[tilespmem:s16+$0xC98] =	vst v56;
	v20 =	vnsel vm4, $0x0, v40  }
0x1b8: {  	v0 =	vld [tilespmem:$0x1FF70];
	v21 =	vnsel vm4, $0x0, v41;
	[tilespmem:s16+$0x1218] =	vst v20  }
0x1b9: {  	v57 =	vnsel vm4, $0x0, v7;
	[tilespmem:s16+$0x1298] =	vst v21  }
0x1ba: {  	v22 =	vnsel vm4, $0x0, v8;
	[tilespmem:s16+$0x1318] =	vst v57  }
0x1bb: {  	v23 =	vnsel vm4, $0x0, v9;
	[tilespmem:s16+$0x1398] =	vst v22  }
0x1bc: {  	v58 =	vnsel vm4, $0x0, v10;
	[tilespmem:s16+$0x1418] =	vst v23  }
0x1bd: {  	v13 =	vmul.f32 v6, v2;
	v24 =	vsel vm4, $0x3F800000, v46;
	[tilespmem:s16+$0x1498] =	vst v58;
	vm7 =	vlt.f32 v0, v4;
	v0 =	vld [tilespmem:$0x1FFB0]  }
0x1be: {  	v20 =	vnsel vm8, $0x0, v40;
	[tilespmem:s16+$0x1518] =	vst v24  }
0x1bf: {  	v21 =	vnsel vm8, $0x0, v13;
	[tilespmem:s16+$0x2218] =	vst v20  }
0x1c0: {  	v22 =	vnsel vm11, $0x0, v13;
	[tilespmem:s16+$0x2398] =	vst v21  }
0x1c1: {  	v23 =	vsel vm11, $0x3F800000, v46;
	[tilespmem:s16+$0x2B98] =	vst v22;
	vm0 =	vmand vm7, vm6  }
0x1c2: {  	[tilespmem:s16+$0x2D18] =	vst v23;
	v25 =	vnsel vm0, $0x0, v40;
	vm12 =	vlt.f32 v0, v4;
	v0 =	vld [tilespmem:$0x1FFC0]  }
0x1c3: {  	v59 =	vnsel vm0, $0x0, v41;
	[tilespmem:s16+$0x1A18] =	vst v25  }
0x1c4: {  	v7 =	vnsel vm0, $0x0, v7;
	[tilespmem:s16+$0x1A98] =	vst v59  }
0x1c5: {  	v8 =	vnsel vm0, $0x0, v8;
	[tilespmem:s16+$0x1B18] =	vst v7  }
0x1c6: {  	v9 =	vnsel vm0, $0x0, v9;
	[tilespmem:s16+$0x1B98] =	vst v8  }
0x1c7: {  	v10 =	vnsel vm0, $0x0, v10;
	[tilespmem:s16+$0x1C18] =	vst v9;
	vm15 =	vlt.f32 v0, v4;
	v0 =	vld [tilespmem:$0x1FFD0]  }
0x1c8: {  	v16 =	vmul.f32 v4, v1;
	v17 =	vsel vm0, $0x40000000, v46;
	v7 =	vld [tilespmem:$0x1FE10];
	[tilespmem:s16+$0x1C98] =	vst v10;
	vm12 =	vmand vm12, vm13  }
0x1c9: {  	v39 =	vmovc v38;
	v38 =	vmov v37;
	v5 =	vmul.f32 v5, v1;
	[tilespmem:s16+$0x1D18] =	vst v17;
	v60 =	vnsel vm12, $0x0, v41  }
0x1ca: {  	v6 =	vmul.f32 v6, v1;
	v3 =	vmul.f32 v3, v1;
	v37 =	vmovc v30;
	v30 =	vnsel vm12, $0x0, v40;
	[tilespmem:$0x1FE20] =	vst v60  }
0x1cb: {  	v13 =	vnsel vm12, $0x0, v13;
	v14 =	vnsel vm12, $0x0, v14;
	v15 =	vnsel vm12, $0x0, v15;
	[tilespmem:s16+$0x3218] =	vst v30  }
0x1cc: {  	[tilespmem:s16+$0x3398] =	vst v13;
	vm13 =	vmand vm15, vm14;
	vm2 =	vlt.f32 v0, v4;
	v0 =	vmovc v32;
	v32 =	vmovc v27;
	v27 =	vnsel vm11, $0x0, v12  }
0x1cd: {  	v18 =	vsel vm12, $0x40000000, v46;
	[tilespmem:s16+$0x3418] =	vst v14;
	vm15 =	vnez.u8 v7;
	v24 =	vnsel vm13, $0x0, v40  }
0x1ce: {  	[tilespmem:s16+$0x3498] =	vst v15;
	v42 =	vnsel vm13, $0x0, v41;
	v45 =	vnsel vm13, $0x0, v5;
	v44 =	vnsel vm13, $0x0, v6  }
0x1cf: {  	p0 =	sne.s32 s18, $0x1C0;
	v60 =	vnsel vm13, $0x0, v3;
	v59 =	vnsel vm13, $0x0, v16;
	v52 =	vnsel vm15, $0x0, v40;
	[tilespmem:s16+$0x2B18] =	vst v27;
	v27 =	vmovc v32;
	v32 =	vmovc v0;
	v0 =	vld [tilespmem:$0x1FE20]  }
.Ltmp1:
0x1d0: {  	[tilespmem:s16+$0x3518] =	vst v18;
	v50 =	vnsel vm15, $0x0, v41;
	v49 =	vnsel vm15, $0x0, v5;
	v48 =	vnsel vm15, $0x0, v6;
	(pc) =	sbr.rel @p0 .LBB2_4-.Ltmp1, $4  }
0x1d1: {  	v28 =	vmovc v33;
	v33 =	vmovc v47;
	v9 =	vnsel vm15, $0x0, v3;
	[tilespmem:s16+$0x3A18] =	vst v24;
	v4 =	vnsel vm11, $0x0, v40;
	vm14 =	vmand vm2, vm9  }
0x1d2: {  	v29 =	vmovc v34;
	v34 =	vmovc v35;
	v8 =	vnsel vm15, $0x0, v16;
	v12 =	vnsel vm12, $0x0, v12;
	[tilespmem:s16+$0x2A18] =	vst v4;
	v58 =	vnsel vm14, $0x0, v40  }
0x1d3: {  	v35 =	vmovc v36;
	v36 =	vld [tilespmem:$0x1FE30];
	v30 =	vmovc v37;
	[tilespmem:s16+$0x3318] =	vst v12;
	v57 =	vnsel vm14, $0x0, v41;
	v56 =	vnsel vm14, $0x0, v5;
	v55 =	vnsel vm14, $0x0, v6  }
0x1d4: {  	s17 =	sshra.s32 s18, $0x2;
	s18 =	sadd.s32 $0x40, s18;
	v37 =	vmovc v38;
	v38 =	vmovc v39;
	v39 =	vld [tilespmem:$0x1FE40];
	v54 =	vnsel vm14, $0x0, v3;
	v53 =	vnsel vm14, $0x0, v16;
	v51 =	vsel vm14, $0x3F800000, v46;
	[tilespmem:s16+$0x3298] =	vst v0  }
0x1d5: {  	v43 =	vld [tilespmem:s17+$0x480]  }
0x1d6: {  	v0 =	vld [tilespmem:$0x1FE70]  }
0x1d7: {  	v13 =	vld [tilespmem:$0x1FE80]  }
0x1d8: {  	v14 =	vld [tilespmem:$0x1FE90]  }
0x1d9: {  	[tilespmem:s16+$0x3A98] =	vst v42;
	v15 =	vld [tilespmem:$0x1FEA0]  }
0x1da: {  	v42 =	vld [tilespmem:s17+$0x580];
	[tilespmem:s16+$0x3B18] =	vst v45  }
0x1db: {  	v45 =	vld [tilespmem:s17+$0x280];
	[tilespmem:s16+$0x3B98] =	vst v44  }
0x1dc: {  	v44 =	vld [tilespmem:s17+$0x380];
	[tilespmem:s16+$0x3C18] =	vst v60  }
0x1dd: {  	v40 =	vld [tilespmem:s17+$0x80];
	[tilespmem:s16+$0x3C98] =	vst v59  }
0x1de: {  	v41 =	vld [tilespmem:s17+$0x180];
	vm0 =	vlt.f32 v43, v0;
	vm1 =	vlt.f32 v13, v43;
	[tilespmem:s16+$0x4218] =	vst v58  }
0x1df: {  	[tilespmem:s16+$0x4298] =	vst v57;
	vm0 =	vmand vm0, vm1;
	vm15 =	vlt.f32 v42, v14  }
0x1e0: {  	[tilespmem:s16+$0x4318] =	vst v56;
	vm4 =	vlt.f32 v15, v42;
	vm0 =	vmand vm0, vm15  }
0x1e1: {  	[tilespmem:s16+$0x4398] =	vst v55;
	v0 =	vimm.f32 $0.0e+00;
	vm2 =	vmand vm4, vm0  }
0x1e2: {  	[tilespmem:s16+$0x4418] =	vst v54;
	v3 =	vsel vm2, $0x40000000, v0  }
0x1e3: {  	[tilespmem:s17+$0x4D18] =	vst v3  }
0x1e4: {  	[tilespmem:s16+$0x4498] =	vst v53  }
0x1e5: {  	[tilespmem:s16+$0x4518] =	vst v51  }
0x1e6: {  	[tilespmem:s16+$0x4A18] =	vst v52  }
0x1e7: {  	[tilespmem:s16+$0x4A98] =	vst v50  }
0x1e8: {  	[tilespmem:s16+$0x4B18] =	vst v49  }
0x1e9: {  	[tilespmem:s16+$0x4B98] =	vst v48  }
0x1ea: {  	[tilespmem:s16+$0x4C18] =	vst v9  }
0x1eb: {  	[tilespmem:s16+$0x4C98] =	vst v8  }
0x1ec: {  	[tilespmem:s17+$0xD18] =	vst v0  }
0x1ed: {  	v16 =	vld [tilespmem:$0x1FEB0];
	[tilespmem:s17+$0xD98] =	vst v0  }
0x1ee: {  	v17 =	vld [tilespmem:$0x1FEC0];
	[tilespmem:s17+$0x1598] =	vst v0  }
0x1ef: {  	v18 =	vld [tilespmem:$0x1FED0];
	[tilespmem:s17+$0x1D98] =	vst v0  }
0x1f0: {  	v19 =	vld [tilespmem:$0x1FEE0];
	[tilespmem:s17+$0x2518] =	vst v0  }
0x1f1: {  	[tilespmem:s17+$0x2598] =	vst v0  }
0x1f2: {  	v20 =	vld [tilespmem:$0x1FEF0];
	[tilespmem:s17+$0x2D98] =	vst v0  }
0x1f3: {  	v5 =	vld [tilespmem:$0x1FF00];
	vm5 =	vlt.f32 v43, v16;
	vm6 =	vlt.f32 v17, v43;
	[tilespmem:s17+$0x3598] =	vst v0  }
0x1f4: {  	vm7 =	vlt.f32 v42, v18;
	vm0 =	vmand vm5, vm6;
	[tilespmem:s17+$0x3D18] =	vst v0  }
0x1f5: {  	v24 =	vld [tilespmem:$0x1FF30];
	vm8 =	vlt.f32 v19, v42;
	vm0 =	vmand vm0, vm7;
	[tilespmem:s17+$0x3D98] =	vst v0  }
0x1f6: {  	v46 =	vld [tilespmem:$0x1FF40];
	vm0 =	vmand vm8, vm0;
	[tilespmem:s17+$0x4598] =	vst v0  }
0x1f7: {  	vm9 =	vlt.f32 v43, v20;
	v21 =	vmul.f32 v45, v11;
	v4 =	vnsel vm0, $0x0, v40;
	[tilespmem:s17+$0x4D98] =	vst v0  }
0x1f8: {  	vm3 =	vlt.f32 v5, v43;
	v22 =	vmul.f32 v44, v11;
	v6 =	vnsel vm0, $0x0, v41;
	[tilespmem:s17+$0xA18] =	vst v4  }
0x1f9: {  	v23 =	vmul.f32 v43, v11;
	vm1 =	vmand vm9, vm3;
	v7 =	vnsel vm0, $0x0, v21;
	[tilespmem:s17+$0xA98] =	vst v6  }
0x1fa: {  	vm10 =	vlt.f32 v42, v24;
	v25 =	vmul.f32 v42, v11;
	v26 =	vnsel vm0, $0x0, v22;
	[tilespmem:s17+$0xB18] =	vst v7  }
0x1fb: {  	vm11 =	vlt.f32 v46, v42;
	vm1 =	vmand vm1, vm10;
	v47 =	vnsel vm0, $0x0, v23;
	[tilespmem:s17+$0xB98] =	vst v26  }
0x1fc: {  	v62 =	vld [tilespmem:$0x1FF50];
	vm1 =	vmand vm11, vm1;
	v48 =	vnsel vm0, $0x0, v25;
	[tilespmem:s17+$0xC18] =	vst v47  }
0x1fd: {  	v49 =	vnsel vm1, $0x0, v40;
	[tilespmem:s17+$0xC98] =	vst v48  }
0x1fe: {  	v50 =	vnsel vm1, $0x0, v41;
	[tilespmem:s17+$0x1218] =	vst v49  }
0x1ff: {  	v51 =	vnsel vm1, $0x0, v21;
	[tilespmem:s17+$0x1298] =	vst v50  }
0x200: {  	v55 =	vld [tilespmem:$0x1FF60];
	vm6 =	vlt.f32 v43, v33;
	v54 =	vnsel vm1, $0x0, v22;
	[tilespmem:s17+$0x1318] =	vst v51  }
0x201: {  	v57 =	vld [tilespmem:$0x1FF70];
	v56 =	vnsel vm1, $0x0, v23;
	v58 =	vnsel vm1, $0x0, v25;
	vm7 =	vlt.f32 v62, v43;
	[tilespmem:s17+$0x1398] =	vst v54  }
0x202: {  	v59 =	vsel vm1, $0x3F800000, v0;
	vm8 =	vlt.f32 v42, v39;
	v52 =	vld [tilespmem:$0x1FF10];
	vm1 =	vmand vm6, vm7;
	[tilespmem:s17+$0x1418] =	vst v56  }
0x203: {  	vm9 =	vlt.f32 v36, v42;
	v14 =	vmul.f32 v43, v2;
	v53 =	vld [tilespmem:$0x1FF20];
	[tilespmem:s17+$0x1498] =	vst v58;
	vm1 =	vmand vm1, vm8  }
0x204: {  	v16 =	vmul.f32 v42, v2;
	v62 =	vnsel vm2, $0x0, v41;
	[tilespmem:s17+$0x1518] =	vst v59;
	vm1 =	vmand vm9, vm1  }
0x205: {  	v46 =	vmul.f32 v43, v1;
	v10 =	vmul.f32 v45, v2;
	[tilespmem:s17+$0x4A98] =	vst v62;
	v11 =	vnsel vm1, $0x0, v40  }
0x206: {  	v12 =	vmul.f32 v44, v2;
	v44 =	vmul.f32 v44, v1;
	v13 =	vnsel vm1, $0x0, v41;
	[tilespmem:s17+$0x2218] =	vst v11  }
0x207: {  	vm14 =	vlt.f32 v42, v55;
	vm15 =	vlt.f32 v57, v42;
	v15 =	vnsel vm1, $0x0, v10;
	[tilespmem:s17+$0x2298] =	vst v13  }
0x208: {  	v17 =	vnsel vm1, $0x0, v12;
	[tilespmem:s17+$0x2318] =	vst v15;
	vm12 =	vlt.f32 v43, v52;
	vm13 =	vlt.f32 v53, v43  }
0x209: {  	v49 =	vmul.f32 v42, v1;
	v18 =	vnsel vm1, $0x0, v14;
	[tilespmem:s17+$0x2398] =	vst v17;
	vm0 =	vmand vm12, vm13  }
0x20a: {  	v19 =	vnsel vm1, $0x0, v16;
	[tilespmem:s17+$0x2418] =	vst v18;
	vm12 =	vlt.f32 v42, v38;
	vm0 =	vmand vm0, vm14  }
0x20b: {  	[tilespmem:s17+$0x2498] =	vst v19;
	v38 =	vmul.f32 v45, v1;
	v1 =	vnsel vm2, $0x0, v49;
	vm0 =	vmand vm15, vm0  }
0x20c: {  	[tilespmem:s17+$0x4C98] =	vst v1;
	v60 =	vnsel vm0, $0x0, v40  }
0x20d: {  	v61 =	vnsel vm0, $0x0, v41;
	[tilespmem:s17+$0x1A18] =	vst v60  }
0x20e: {  	v3 =	vnsel vm0, $0x0, v21;
	[tilespmem:s17+$0x1A98] =	vst v61  }
0x20f: {  	v5 =	vnsel vm0, $0x0, v22;
	[tilespmem:s17+$0x1B18] =	vst v3  }
0x210: {  	v63 =	vnsel vm0, $0x0, v23;
	[tilespmem:s17+$0x1B98] =	vst v5  }
0x211: {  	vm10 =	vlt.f32 v43, v32;
	vm11 =	vlt.f32 v31, v43;
	v8 =	vnsel vm0, $0x0, v25;
	[tilespmem:s17+$0x1C18] =	vst v63  }
0x212: {  	v9 =	vsel vm0, $0x40000000, v0;
	vm0 =	vmand vm10, vm11;
	[tilespmem:s17+$0x1C98] =	vst v8  }
0x213: {  	vm13 =	vlt.f32 v37, v42;
	[tilespmem:s17+$0x1D18] =	vst v9;
	vm0 =	vmand vm0, vm12;
	v61 =	vnsel vm2, $0x0, v40  }
0x214: {  	v24 =	vld [tilespmem:$0x1FF80];
	v63 =	vnsel vm2, $0x0, v46;
	vm0 =	vmand vm13, vm0;
	[tilespmem:s17+$0x4A18] =	vst v61  }
0x215: {  	v26 =	vld [tilespmem:$0x1FFB0];
	[tilespmem:s17+$0x4C18] =	vst v63;
	v20 =	vnsel vm0, $0x0, v40  }
0x216: {  	v21 =	vnsel vm0, $0x0, v41;
	[tilespmem:s17+$0x2A18] =	vst v20  }
0x217: {  	v22 =	vnsel vm0, $0x0, v10;
	[tilespmem:s17+$0x2A98] =	vst v21  }
0x218: {  	vm14 =	vlt.f32 v43, v35;
	vm15 =	vlt.f32 v30, v43;
	v23 =	vnsel vm0, $0x0, v12;
	[tilespmem:s17+$0x2B18] =	vst v22  }
0x219: {  	vm6 =	vlt.f32 v42, v24;
	vm1 =	vmand vm14, vm15;
	v25 =	vnsel vm0, $0x0, v14;
	[tilespmem:s17+$0x2B98] =	vst v23  }
0x21a: {  	vm7 =	vlt.f32 v26, v42;
	vm1 =	vmand vm1, vm6;
	v30 =	vnsel vm0, $0x0, v16;
	[tilespmem:s17+$0x2C18] =	vst v25  }
0x21b: {  	vm1 =	vmand vm7, vm1;
	v31 =	vsel vm0, $0x3F800000, v0;
	[tilespmem:s17+$0x2C98] =	vst v30  }
0x21c: {  	v32 =	vnsel vm1, $0x0, v40;
	[tilespmem:s17+$0x2D18] =	vst v31  }
0x21d: {  	vm9 =	vlt.f32 v34, v43;
	v34 =	vld [tilespmem:$0x1FF90];
	v33 =	vnsel vm1, $0x0, v41;
	[tilespmem:s17+$0x3218] =	vst v32  }
0x21e: {  	v36 =	vld [tilespmem:$0x1FFC0];
	v4 =	vnsel vm1, $0x0, v10;
	[tilespmem:s17+$0x3298] =	vst v33  }
0x21f: {  	v3 =	vnsel vm1, $0x0, v12;
	[tilespmem:s17+$0x3318] =	vst v4  }
0x220: {  	v35 =	vnsel vm1, $0x0, v14;
	[tilespmem:s17+$0x3398] =	vst v3  }
0x221: {  	vm8 =	vlt.f32 v43, v29;
	v2 =	vnsel vm1, $0x0, v16;
	[tilespmem:s17+$0x3418] =	vst v35  }
0x222: {  	vm10 =	vlt.f32 v42, v34;
	vm0 =	vmand vm8, vm9;
	v37 =	vsel vm1, $0x40000000, v0;
	[tilespmem:s17+$0x3498] =	vst v2  }
0x223: {  	v48 =	vld [tilespmem:$0x1FFA0];
	vm11 =	vlt.f32 v36, v42;
	vm0 =	vmand vm0, vm10;
	[tilespmem:s17+$0x3518] =	vst v37;
	v2 =	vnsel vm2, $0x0, v38  }
0x224: {  	v51 =	vld [tilespmem:$0x1FFD0];
	v3 =	vnsel vm2, $0x0, v44;
	vm0 =	vmand vm11, vm0;
	[tilespmem:s17+$0x4B18] =	vst v2  }
0x225: {  	[tilespmem:s17+$0x4B98] =	vst v3;
	v39 =	vnsel vm0, $0x0, v40  }
0x226: {  	v45 =	vnsel vm0, $0x0, v41;
	[tilespmem:s17+$0x3A18] =	vst v39  }
0x227: {  	vm12 =	vlt.f32 v43, v27;
	vm13 =	vlt.f32 v28, v43;
	v47 =	vnsel vm0, $0x0, v38;
	[tilespmem:s17+$0x3A98] =	vst v45  }
0x228: {  	vm14 =	vlt.f32 v42, v48;
	vm1 =	vmand vm12, vm13;
	v50 =	vnsel vm0, $0x0, v44;
	[tilespmem:s17+$0x3B18] =	vst v47  }
0x229: {  	vm15 =	vlt.f32 v51, v42;
	vm1 =	vmand vm1, vm14;
	v52 =	vnsel vm0, $0x0, v46;
	[tilespmem:s17+$0x3B98] =	vst v50  }
0x22a: {  	vm1 =	vmand vm15, vm1;
	v53 =	vnsel vm0, $0x0, v49;
	[tilespmem:s17+$0x3C18] =	vst v52  }
0x22b: {  	v54 =	vnsel vm1, $0x0, v40;
	[tilespmem:s17+$0x3C98] =	vst v53  }
0x22c: {  	v55 =	vnsel vm1, $0x0, v41;
	[tilespmem:s17+$0x4218] =	vst v54  }
0x22d: {  	v56 =	vnsel vm1, $0x0, v38;
	[tilespmem:s17+$0x4298] =	vst v55  }
0x22e: {  	v57 =	vnsel vm1, $0x0, v44;
	[tilespmem:s17+$0x4318] =	vst v56  }
0x22f: {  	v58 =	vnsel vm1, $0x0, v46;
	[tilespmem:s17+$0x4398] =	vst v57  }
0x230: {  	s15 =	sadd.s32 $0x1, s15;
	v59 =	vnsel vm1, $0x0, v49;
	[tilespmem:s17+$0x4418] =	vst v58  }
0x231: {  	p0 =	sne.s32 s15, s6;
	v60 =	vsel vm1, $0x3F800000, v0;
	[tilespmem:s17+$0x4498] =	vst v59  }
.Ltmp2:
0x232: {  	[tilespmem:s17+$0x4518] =	vst v60;
	(pc) =	sbr.rel @p0 .LBB2_1-.Ltmp2, $4  }
0x233: {  	[hbm4b:s5+s12] =	stream.strided.scatter [tilespmem:s14], [sflag:$0x2], $0x4800, s13, s12, $0x38;
	[tilespmem:$0x4E18] =	vst v63  }
0x234: {  	_ =	swait.ge [sflag:s10], $0x4800  }
0x235: {  	[sflag:s10] =	ssyncset.done $0x0  }
0x236: {  	[sflag:s10] =	ssyncadd.s32 $0xFFFFB800  }
0x237: {  	_ =	sfence.sel $0x180000  }
0x238: {  	[bflag:$0x0] =	sbarrier.arrive $0xFFFF  }
0x239: {  	p0 =	sne.s32 s0, $0x0;
	_ =	strace $0x90000047  }
0x23a: {  	s0 =	sadd.s32 @!p0 $0x100000, s1;
	[bflag:$0x2] =	sbarrier.arrive $0xFFFF  }
0x23b: {  	[sflag:s0] =	ssyncadd.tile.s32 @!p0 $0x1;
	_ =	shalt  }
.Lfunc_end2:
_tile_overlayer_lowered:
.L_overlay_start_2:
0x23c: {  	(tag) =	ssettag $0x2  }
0x23d: {  	s0 =	rddreg [dreg:$0x0];
	s2 =	stileid.u32  }
0x23e: {  	s1 =	rddreg [dreg:$0x1];
	p0 =	sne.s32 s2, $0x0  }
0x23f: {  	s3 =	rddreg [dreg:$0x2];
	[bflag:$0x3] =	sbarrier.arrive $0xFFFF;
	s2 =	simm.s32 @!p0 $0x1C02  }
0x240: {  	[timem:s3], [sflag:s2] =	dma.local @!p0 [hbm:s0], s1  }
0x241: {  	s0 =	simm.s32 @!p0 $0x2  }
0x242: {  	_ =	swait.ge @!p0 [sflag:s0], s1  }
0x243: {  	s1 =	ssub.s32 @!p0 $0x0, s1;
	[sflag:s0] =	ssyncset.done @!p0 $0x0  }
0x244: {  	[sflag:s0] =	ssyncadd.s32 @!p0 s1  }
0x245: {  	[bflag:$0x3] =	sbarrier.arrive $0xFFFF  }
0x246: {  	_ =	shalt  }

</sc_bundles>
